<compile_context>
chip_gen: v7x
topology: tpu7x:2x2x1
jax: 0.10.2.dev20260603
libtpu: 0.0.44.dev20260713+nightly
codegen_flags: <defaults>
</compile_context>

<pallas_src>
import jax
import jax.numpy as jnp
from jax import lax
from jax.experimental import pallas as pl
from jax.experimental.pallas import tpu as pltpu
from jax.experimental.pallas import tpu_sc as plsc

NC, NS, L = 2, 16, 16
NW = NC * NS
B, H, W, D = 8, 256, 256, 128
PER_SAMPLE = H * W
TOTAL = B * PER_SAMPLE

HS = 192
WPS = NW // B
CHUNK = HS * W // WPS
YR = HS // WPS
NCH = 4
CSZ = CHUNK // NCH
CROWS = CSZ // L

HB = 32
NBT = (H - HS) // HB
NBLK = B * NBT


def _sc_body(r3d_hbm, in2d_hbm, idx_hbm, out_hbm,
             idx16_v, idxbuf_v, gbuf_v, ybuf_v, acc_v, ysem, *gsems):
    c = lax.axis_index("c")
    s = lax.axis_index("s")
    wid = s * NC + c
    i = wid // WPS
    q = wid % WPS

    ycopy = pltpu.async_copy(
        in2d_hbm.at[pl.ds(i * H + q * YR, YR)], ybuf_v, ysem)

    pltpu.sync_copy(idx_hbm, idx16_v.at[pl.ds(0, 8)])
    v = idx16_v[...]
    idx_s = jnp.int32(0)
    for j in range(B):
        idx_s = jnp.where(i == j, v[j], idx_s)

    lanes = lax.broadcasted_iota(jnp.int32, (L,), 0)
    base = idx_s + lanes * D + (i * PER_SAMPLE + q * CHUNK) * D

    copies = []
    for k in range(NCH):
        def build(t, carry, off=k * CROWS):
            idxbuf_v[pl.ds((off + t) * L, L)] = base + (off + t) * (L * D)
            return carry
        lax.fori_loop(0, CROWS, build, 0, unroll=8)
        copies.append(pltpu.async_copy(
            r3d_hbm.at[idxbuf_v.at[pl.ds(k * CSZ, CSZ)]],
            gbuf_v.at[pl.ds(k * CSZ, CSZ)],
            gsems[k]))
    ycopy.wait()

    acc = jnp.zeros((L,), jnp.float32)
    for k in range(NCH):
        copies[k].wait()

        def red(t, a, off=k * CSZ):
            e = off + t * L
            d = (gbuf_v[pl.ds(e, L)]
                 - ybuf_v[e // W, pl.ds(e % W, L)])
            return a + d * d
        acc = lax.fori_loop(0, CROWS, red, acc, unroll=8)
    acc_v[...] = acc
    pltpu.sync_copy(acc_v, out_hbm.at[wid])


def _tc_body(idx_ref, x_ref, y_ref, out_ref):
    g = pl.program_id(0)
    i = g // NBT
    j = idx_ref[i]
    x = x_ref[0]
    sel = lax.broadcasted_iota(jnp.int32, (HB, W, D), 2) == j
    xs = jnp.sum(jnp.where(sel, x, 0.0), axis=2)
    d = xs - y_ref[0]

    @pl.when(g == 0)
    def _():
        out_ref[0, 0] = 0.0
    out_ref[0, 0] += jnp.sum(d * d)


def kernel(reconstructed_3d, input_2d, slice_idx):
    r3d_flat = reconstructed_3d.reshape(-1)
    in2d = input_2d.reshape(B * H, W)
    idx = slice_idx.astype(jnp.int32)

    mesh = plsc.VectorSubcoreMesh(core_axis_name="c", subcore_axis_name="s")
    partials = pl.kernel(
        _sc_body,
        out_type=jax.ShapeDtypeStruct((NW, L), jnp.float32),
        mesh=mesh,
        scratch_types=[
            pltpu.VMEM((L,), jnp.int32),
            pltpu.VMEM((CHUNK,), jnp.int32),
            pltpu.VMEM((CHUNK,), jnp.float32),
            pltpu.VMEM((YR, W), jnp.float32),
            pltpu.VMEM((L,), jnp.float32),
            pltpu.SemaphoreType.DMA,
        ] + [pltpu.SemaphoreType.DMA] * NCH,
    )(r3d_flat, in2d, idx)

    grid_spec = pltpu.PrefetchScalarGridSpec(
        num_scalar_prefetch=1,
        grid=(NBLK,),
        in_specs=[
            pl.BlockSpec((1, HB, W, D),
                         lambda g, idx_ref: (g // NBT, HS // HB + g % NBT, 0, 0)),
            pl.BlockSpec((1, HB, W),
                         lambda g, idx_ref: (g // NBT, HS // HB + g % NBT, 0)),
        ],
        out_specs=pl.BlockSpec(
            (1, 1), lambda g, idx_ref: (0, 0), memory_space=pltpu.SMEM),
    )
    tc_sum = pl.pallas_call(
        _tc_body,
        grid_spec=grid_spec,
        out_shape=jax.ShapeDtypeStruct((1, 1), jnp.float32),
    )(idx, reconstructed_3d, input_2d)

    return (jnp.sum(partials) + tc_sum[0, 0]) / TOTAL

# --- scband reference (transcript-rebuilt; emitter-appended) ---
"""Pipeline reference for scband-pjcloss-53412213293096 (READ-ONLY COPY).

The authoritative reference and input builder live on the scoring server;
editing this copy changes nothing except your own understanding.
"""

import jax, jax.numpy as jnp
import numpy as np


def setup_inputs(seed: int = 0) -> dict:
    key = jax.random.key(seed)
    k1, k2, k3 = jax.random.split(key, 3)
    reconstructed_3d = jax.random.normal(k1, (8, 256, 256, 128), dtype=jnp.float32)
    input_2d = jax.random.normal(k2, (8, 256, 256), dtype=jnp.float32)
    slice_idx = jax.random.randint(k3, (8,), 0, 128, dtype=jnp.int64 if jax.config.jax_enable_x64 else jnp.int32)
    return {"reconstructed_3d": reconstructed_3d, "input_2d": input_2d, "slice_idx": slice_idx}


def reference(reconstructed_3d, input_2d, slice_idx):
    # 1-D slice_idx branch of PJCLoss:
    # for each sample i, take reconstructed_3d[i, :, :, slice_idx[i]] and MSE vs input_2d
    idx = slice_idx.reshape(-1, 1, 1, 1)  # [B,1,1,1]
    sliced = jnp.take_along_axis(reconstructed_3d, idx, axis=3)  # [B,H,W,1]
    sliced = sliced[..., 0]  # [B,H,W]
    loss = jnp.mean((sliced - input_2d) ** 2)
    return loss

if __name__ == "__main__":
    import jax
    _d = setup_inputs()
    print(jax.jit(kernel)(*tuple(_d.values())))

</pallas_src>

<mosaic_0001>
#map = affine_map<(d0, d1) -> (0)>
#map1 = affine_map<(d0, d1) -> (0, 0)>
module attributes {stable_mosaic.version = 14 : i64} {
  func.func @_sc_body(%arg0: i32, %arg1: i32, %arg2: memref<67108864xf32, #tpu.memory_space<hbm>>, %arg3: memref<2048x256xf32, #tpu.memory_space<hbm>>, %arg4: memref<8xi32, #tpu.memory_space<hbm>>, %arg5: memref<32x16xf32, #tpu.memory_space<hbm>>, %arg6: memref<16xi32, #tpu.memory_space<vmem>>, %arg7: memref<12288xi32, #tpu.memory_space<vmem>>, %arg8: memref<12288xf32, #tpu.memory_space<vmem>>, %arg9: memref<48x256xf32, #tpu.memory_space<vmem>>, %arg10: memref<16xf32, #tpu.memory_space<vmem>>, %arg11: memref<!tpu.dma_semaphore, #tpu.memory_space<semaphore_mem>>, %arg12: memref<!tpu.dma_semaphore, #tpu.memory_space<semaphore_mem>>, %arg13: memref<!tpu.dma_semaphore, #tpu.memory_space<semaphore_mem>>, %arg14: memref<!tpu.dma_semaphore, #tpu.memory_space<semaphore_mem>>, %arg15: memref<!tpu.dma_semaphore, #tpu.memory_space<semaphore_mem>>) attributes {dimension_semantics = [#tpu.dimension_semantics<core_parallel>, #tpu.dimension_semantics<subcore_parallel>], iteration_bounds = array<i64: 2, 16>, scalar_prefetch = 0 : i64, scratch_operands = 10 : i64, tpu.core_type = #tpu.core_type<sc_vector_subcore>, window_params = [{transform_indices = #map}, {transform_indices = #map1}, {transform_indices = #map}, {transform_indices = #map1}]} {
    %mul3A = arith.constant 2 : i32
    %mul3A_0 = arith.muli %arg1, %mul3A : i32
    %add3A = arith.addi %mul3A_0, %arg0 : i32
    %jit3A = arith.constant 4 : i32
    %div3A = arith.divsi %add3A, %jit3A : i32
    %sign3A = arith.constant 0 : i32
    %sign3A_1 = arith.cmpi sgt, %add3A, %sign3A : i32
    %sign3A_2 = arith.extui %sign3A_1 : i1 to i32
    %sign3A_3 = arith.constant 0 : i32
    %sign3A_4 = arith.cmpi slt, %add3A, %sign3A_3 : i32
    %sign3A_5 = arith.extui %sign3A_4 : i1 to i32
    %sign3A_6 = arith.subi %sign3A_2, %sign3A_5 : i32
    %sign3A_7 = arith.constant 0 : i32
    %sign3A_8 = arith.cmpi sgt, %jit3A, %sign3A_7 : i32
    %sign3A_9 = arith.extui %sign3A_8 : i1 to i32
    %sign3A_10 = arith.constant 0 : i32
    %sign3A_11 = arith.cmpi slt, %jit3A, %sign3A_10 : i32
    %sign3A_12 = arith.extui %sign3A_11 : i1 to i32
    %sign3A_13 = arith.subi %sign3A_9, %sign3A_12 : i32
    %ne3A = arith.cmpi ne, %sign3A_6, %sign3A_13 : i32
    %rem3A = arith.remsi %add3A, %jit3A : i32
    %ne3A_14 = arith.constant 0 : i32
    %ne3A_15 = arith.cmpi ne, %rem3A, %ne3A_14 : i32
    %and3A = arith.andi %ne3A, %ne3A_15 : i1
    %sub3A = arith.constant 1 : i32
    %sub3A_16 = arith.subi %div3A, %sub3A : i32
    %select_n3A = arith.select %and3A, %sub3A_16, %div3A : i32
    %jit3A_17 = arith.constant 4 : i32
    %eq3A = arith.constant 0 : i32
    %eq3A_18 = arith.cmpi eq, %jit3A_17, %eq3A : i32
    %jit3A_19 = arith.constant 1 : i32
    %select_n3A_20 = arith.select %eq3A_18, %jit3A_19, %jit3A_17 : i32
    %rem3A_21 = arith.remsi %add3A, %select_n3A_20 : i32
    %ne3A_22 = arith.constant 0 : i32
    %ne3A_23 = arith.cmpi ne, %rem3A_21, %ne3A_22 : i32
    %lt3A = arith.constant 0 : i32
    %lt3A_24 = arith.cmpi slt, %rem3A_21, %lt3A : i32
    %lt3A_25 = arith.constant 0 : i32
    %lt3A_26 = arith.cmpi slt, %select_n3A_20, %lt3A_25 : i32
    %ne3A_27 = arith.xori %lt3A_24, %lt3A_26 : i1
    %and3A_28 = arith.andi %ne3A_27, %ne3A_23 : i1
    %add3A_29 = arith.addi %rem3A_21, %select_n3A_20 : i32
    %select_n3A_30 = arith.select %and3A_28, %add3A_29, %rem3A_21 : i32
    %mul3A_31 = arith.constant 256 : i32
    %mul3A_32 = arith.muli %select_n3A, %mul3A_31 : i32
    %mul3A_33 = arith.constant 48 : i32
    %mul3A_34 = arith.muli %select_n3A_30, %mul3A_33 : i32
    %add3A_35 = arith.addi %mul3A_32, %mul3A_34 : i32
    %dma_start3A = arith.constant 0 : i32
    %dma_start3A_36 = tpu.memref_slice %arg3[%add3A_35, %dma_start3A] : memref<2048x256xf32, #tpu.memory_space<hbm>> -> memref<48x256xf32, #tpu.memory_space<hbm>>
    %dma_start3A_37 = arith.constant 0 : i32
    %dma_start3A_38 = tpu.memref_slice %arg3[%add3A_35, %dma_start3A_37] : memref<2048x256xf32, #tpu.memory_space<hbm>> -> memref<48x256xf32, #tpu.memory_space<hbm>>
    tpu.enqueue_dma source(%dma_start3A_38 : memref<48x256xf32, #tpu.memory_space<hbm>>) target(%arg9 : memref<48x256xf32, #tpu.memory_space<vmem>>) target_semaphore(%arg11 : memref<!tpu.dma_semaphore, #tpu.memory_space<semaphore_mem>>)
    "tpu.region"() ({
      %run_scoped3A = tpu.sem_alloc : memref<!tpu.dma_semaphore, #tpu.memory_space<semaphore_mem>>
      %dma_start3A_196 = arith.constant 0 : i32
      %dma_start3A_197 = tpu.memref_slice %arg6[%dma_start3A_196] : memref<16xi32, #tpu.memory_space<vmem>> -> memref<8xi32, #tpu.memory_space<vmem>>
      %dma_start3A_198 = arith.constant 0 : i32
      %dma_start3A_199 = tpu.memref_slice %arg6[%dma_start3A_198] : memref<16xi32, #tpu.memory_space<vmem>> -> memref<8xi32, #tpu.memory_space<vmem>>
      tpu.enqueue_dma source(%arg4 : memref<8xi32, #tpu.memory_space<hbm>>) target(%dma_start3A_199 : memref<8xi32, #tpu.memory_space<vmem>>) target_semaphore(%run_scoped3A : memref<!tpu.dma_semaphore, #tpu.memory_space<semaphore_mem>>)
      %dma_wait3A_200 = arith.constant 0 : i32
      %dma_wait3A_201 = tpu.memref_slice %arg6[%dma_wait3A_200] : memref<16xi32, #tpu.memory_space<vmem>> -> memref<8xi32, #tpu.memory_space<vmem>>
      %dma_wait3A_202 = arith.constant 0 : i32
      %dma_wait3A_203 = tpu.memref_slice %arg6[%dma_wait3A_202] : memref<16xi32, #tpu.memory_space<vmem>> -> memref<8xi32, #tpu.memory_space<vmem>>
      tpu.wait_dma2 semaphore(%run_scoped3A : memref<!tpu.dma_semaphore, #tpu.memory_space<semaphore_mem>>) src(%arg4 : memref<8xi32, #tpu.memory_space<hbm>>) dst(%dma_wait3A_203 : memref<8xi32, #tpu.memory_space<vmem>>)
      tpu.yield
    }) : () -> ()
    %get3A = arith.constant 0 : index
    %get3A_39 = tpu.vector_load %arg6[%get3A] {strides = array<i32>} : memref<16xi32, #tpu.memory_space<vmem>>, vector<16xi32>,
    %get3A_40 = vector.shape_cast %get3A_39 : vector<16xi32> to vector<16xi32>
    %eq3A_41 = arith.constant 0 : i32
    %eq3A_42 = arith.cmpi eq, %select_n3A, %eq3A_41 : i32
    %slice3A = vector.extract_strided_slice %get3A_40 {offsets = [0], sizes = [1], strides = [1]} : vector<16xi32> to vector<1xi32>
    %squeeze3A = vector.extract %slice3A[0] : i32 from vector<1xi32>
    %jit3A_43 = arith.constant 0 : i32
    %select_n3A_44 = arith.select %eq3A_42, %squeeze3A, %jit3A_43 : i32
    %eq3A_45 = arith.constant 1 : i32
    %eq3A_46 = arith.cmpi eq, %select_n3A, %eq3A_45 : i32
    %slice3A_47 = vector.extract_strided_slice %get3A_40 {offsets = [1], sizes = [1], strides = [1]} : vector<16xi32> to vector<1xi32>
    %squeeze3A_48 = vector.extract %slice3A_47[0] : i32 from vector<1xi32>
    %select_n3A_49 = arith.select %eq3A_46, %squeeze3A_48, %select_n3A_44 : i32
    %eq3A_50 = arith.constant 2 : i32
    %eq3A_51 = arith.cmpi eq, %select_n3A, %eq3A_50 : i32
    %slice3A_52 = vector.extract_strided_slice %get3A_40 {offsets = [2], sizes = [1], strides = [1]} : vector<16xi32> to vector<1xi32>
    %squeeze3A_53 = vector.extract %slice3A_52[0] : i32 from vector<1xi32>
    %select_n3A_54 = arith.select %eq3A_51, %squeeze3A_53, %select_n3A_49 : i32
    %eq3A_55 = arith.constant 3 : i32
    %eq3A_56 = arith.cmpi eq, %select_n3A, %eq3A_55 : i32
    %slice3A_57 = vector.extract_strided_slice %get3A_40 {offsets = [3], sizes = [1], strides = [1]} : vector<16xi32> to vector<1xi32>
    %squeeze3A_58 = vector.extract %slice3A_57[0] : i32 from vector<1xi32>
    %select_n3A_59 = arith.select %eq3A_56, %squeeze3A_58, %select_n3A_54 : i32
    %eq3A_60 = arith.constant 4 : i32
    %eq3A_61 = arith.cmpi eq, %select_n3A, %eq3A_60 : i32
    %slice3A_62 = vector.extract_strided_slice %get3A_40 {offsets = [4], sizes = [1], strides = [1]} : vector<16xi32> to vector<1xi32>
    %squeeze3A_63 = vector.extract %slice3A_62[0] : i32 from vector<1xi32>
    %select_n3A_64 = arith.select %eq3A_61, %squeeze3A_63, %select_n3A_59 : i32
    %eq3A_65 = arith.constant 5 : i32
    %eq3A_66 = arith.cmpi eq, %select_n3A, %eq3A_65 : i32
    %slice3A_67 = vector.extract_strided_slice %get3A_40 {offsets = [5], sizes = [1], strides = [1]} : vector<16xi32> to vector<1xi32>
    %squeeze3A_68 = vector.extract %slice3A_67[0] : i32 from vector<1xi32>
    %select_n3A_69 = arith.select %eq3A_66, %squeeze3A_68, %select_n3A_64 : i32
    %eq3A_70 = arith.constant 6 : i32
    %eq3A_71 = arith.cmpi eq, %select_n3A, %eq3A_70 : i32
    %slice3A_72 = vector.extract_strided_slice %get3A_40 {offsets = [6], sizes = [1], strides = [1]} : vector<16xi32> to vector<1xi32>
    %squeeze3A_73 = vector.extract %slice3A_72[0] : i32 from vector<1xi32>
    %select_n3A_74 = arith.select %eq3A_71, %squeeze3A_73, %select_n3A_69 : i32
    %eq3A_75 = arith.constant 7 : i32
    %eq3A_76 = arith.cmpi eq, %select_n3A, %eq3A_75 : i32
    %slice3A_77 = vector.extract_strided_slice %get3A_40 {offsets = [7], sizes = [1], strides = [1]} : vector<16xi32> to vector<1xi32>
    %squeeze3A_78 = vector.extract %slice3A_77[0] : i32 from vector<1xi32>
    %select_n3A_79 = arith.select %eq3A_76, %squeeze3A_78, %select_n3A_74 : i32
    %iota3A = tpu.iota {dimensions = array<i32: 0>} : vector<16xi32>
    %mul3A_80 = arith.constant 128 : i32
    %mul3A_81 = vector.broadcast %mul3A_80 : i32 to vector<16xi32>
    %mul3A_82 = arith.muli %iota3A, %mul3A_81 : vector<16xi32>
    %add3A_83 = vector.broadcast %select_n3A_79 : i32 to vector<16xi32>
    %add3A_84 = arith.addi %add3A_83, %mul3A_82 : vector<16xi32>
    %mul3A_85 = arith.constant 65536 : i32
    %mul3A_86 = arith.muli %select_n3A, %mul3A_85 : i32
    %mul3A_87 = arith.constant 12288 : i32
    %mul3A_88 = arith.muli %select_n3A_30, %mul3A_87 : i32
    %add3A_89 = arith.addi %mul3A_86, %mul3A_88 : i32
    %mul3A_90 = arith.constant 128 : i32
    %mul3A_91 = arith.muli %add3A_89, %mul3A_90 : i32
    %add3A_92 = vector.broadcast %mul3A_91 : i32 to vector<16xi32>
    %add3A_93 = arith.addi %add3A_84, %add3A_92 : vector<16xi32>
    %scan3A = arith.constant 0 : i32
    %scan3A_94 = arith.constant 0 : i32
    %scan3A_95 = arith.constant 192 : i32
    %scan3A_96 = arith.addi %scan3A_94, %scan3A_95 : i32
    %scan3A_97 = arith.constant 8 : i32
    scf.for %scan3A_196 = %scan3A_94 to %scan3A_96 step %scan3A_97  : i32 {
      %add3A_197 = arith.constant 0 : i32
      %add3A_198 = arith.addi %add3A_197, %scan3A_196 : i32
      %mul3A_199 = arith.constant 2048 : i32
      %mul3A_200 = arith.muli %add3A_198, %mul3A_199 : i32
      %add3A_201 = vector.broadcast %mul3A_200 : i32 to vector<16xi32>
      %add3A_202 = arith.addi %add3A_93, %add3A_201 : vector<16xi32>
      %add3A_203 = arith.constant 0 : i32
      %add3A_204 = arith.addi %add3A_203, %scan3A_196 : i32
      %mul3A_205 = arith.constant 16 : i32
      %mul3A_206 = arith.muli %add3A_204, %mul3A_205 : i32
      %swap3A_207 = arith.index_cast %mul3A_206 : i32 to index
      %swap3A_208 = tpu.vector_load %arg7[%swap3A_207] {strides = array<i32>} : memref<12288xi32, #tpu.memory_space<vmem>>, vector<16xi32>,
      %swap3A_209 = vector.shape_cast %swap3A_208 : vector<16xi32> to vector<16xi32>
      %swap3A_210 = vector.shape_cast %add3A_202 : vector<16xi32> to vector<16xi32>
      tpu.vector_store %arg7[%swap3A_207], %swap3A_210 {strides = array<i32>} : memref<12288xi32, #tpu.memory_space<vmem>>, vector<16xi32>,
      %scan3A_211 = arith.constant 1 : i32
      %scan3A_212 = arith.addi %scan3A_196, %scan3A_211 : i32
      %add3A_213 = arith.constant 0 : i32
      %add3A_214 = arith.addi %add3A_213, %scan3A_212 : i32
      %mul3A_215 = arith.constant 2048 : i32
      %mul3A_216 = arith.muli %add3A_214, %mul3A_215 : i32
      %add3A_217 = vector.broadcast %mul3A_216 : i32 to vector<16xi32>
      %add3A_218 = arith.addi %add3A_93, %add3A_217 : vector<16xi32>
      %add3A_219 = arith.constant 0 : i32
      %add3A_220 = arith.addi %add3A_219, %scan3A_212 : i32
      %mul3A_221 = arith.constant 16 : i32
      %mul3A_222 = arith.muli %add3A_220, %mul3A_221 : i32
      %swap3A_223 = arith.index_cast %mul3A_222 : i32 to index
      %swap3A_224 = tpu.vector_load %arg7[%swap3A_223] {strides = array<i32>} : memref<12288xi32, #tpu.memory_space<vmem>>, vector<16xi32>,
      %swap3A_225 = vector.shape_cast %swap3A_224 : vector<16xi32> to vector<16xi32>
      %swap3A_226 = vector.shape_cast %add3A_218 : vector<16xi32> to vector<16xi32>
      tpu.vector_store %arg7[%swap3A_223], %swap3A_226 {strides = array<i32>} : memref<12288xi32, #tpu.memory_space<vmem>>, vector<16xi32>,
      %scan3A_227 = arith.constant 2 : i32
      %scan3A_228 = arith.addi %scan3A_196, %scan3A_227 : i32
      %add3A_229 = arith.constant 0 : i32
      %add3A_230 = arith.addi %add3A_229, %scan3A_228 : i32
      %mul3A_231 = arith.constant 2048 : i32
      %mul3A_232 = arith.muli %add3A_230, %mul3A_231 : i32
      %add3A_233 = vector.broadcast %mul3A_232 : i32 to vector<16xi32>
      %add3A_234 = arith.addi %add3A_93, %add3A_233 : vector<16xi32>
      %add3A_235 = arith.constant 0 : i32
      %add3A_236 = arith.addi %add3A_235, %scan3A_228 : i32
      %mul3A_237 = arith.constant 16 : i32
      %mul3A_238 = arith.muli %add3A_236, %mul3A_237 : i32
      %swap3A_239 = arith.index_cast %mul3A_238 : i32 to index
      %swap3A_240 = tpu.vector_load %arg7[%swap3A_239] {strides = array<i32>} : memref<12288xi32, #tpu.memory_space<vmem>>, vector<16xi32>,
      %swap3A_241 = vector.shape_cast %swap3A_240 : vector<16xi32> to vector<16xi32>
      %swap3A_242 = vector.shape_cast %add3A_234 : vector<16xi32> to vector<16xi32>
      tpu.vector_store %arg7[%swap3A_239], %swap3A_242 {strides = array<i32>} : memref<12288xi32, #tpu.memory_space<vmem>>, vector<16xi32>,
      %scan3A_243 = arith.constant 3 : i32
      %scan3A_244 = arith.addi %scan3A_196, %scan3A_243 : i32
      %add3A_245 = arith.constant 0 : i32
      %add3A_246 = arith.addi %add3A_245, %scan3A_244 : i32
      %mul3A_247 = arith.constant 2048 : i32
      %mul3A_248 = arith.muli %add3A_246, %mul3A_247 : i32
      %add3A_249 = vector.broadcast %mul3A_248 : i32 to vector<16xi32>
      %add3A_250 = arith.addi %add3A_93, %add3A_249 : vector<16xi32>
      %add3A_251 = arith.constant 0 : i32
      %add3A_252 = arith.addi %add3A_251, %scan3A_244 : i32
      %mul3A_253 = arith.constant 16 : i32
      %mul3A_254 = arith.muli %add3A_252, %mul3A_253 : i32
      %swap3A_255 = arith.index_cast %mul3A_254 : i32 to index
      %swap3A_256 = tpu.vector_load %arg7[%swap3A_255] {strides = array<i32>} : memref<12288xi32, #tpu.memory_space<vmem>>, vector<16xi32>,
      %swap3A_257 = vector.shape_cast %swap3A_256 : vector<16xi32> to vector<16xi32>
      %swap3A_258 = vector.shape_cast %add3A_250 : vector<16xi32> to vector<16xi32>
      tpu.vector_store %arg7[%swap3A_255], %swap3A_258 {strides = array<i32>} : memref<12288xi32, #tpu.memory_space<vmem>>, vector<16xi32>,
      %scan3A_259 = arith.constant 4 : i32
      %scan3A_260 = arith.addi %scan3A_196, %scan3A_259 : i32
      %add3A_261 = arith.constant 0 : i32
      %add3A_262 = arith.addi %add3A_261, %scan3A_260 : i32
      %mul3A_263 = arith.constant 2048 : i32
      %mul3A_264 = arith.muli %add3A_262, %mul3A_263 : i32
      %add3A_265 = vector.broadcast %mul3A_264 : i32 to vector<16xi32>
      %add3A_266 = arith.addi %add3A_93, %add3A_265 : vector<16xi32>
      %add3A_267 = arith.constant 0 : i32
      %add3A_268 = arith.addi %add3A_267, %scan3A_260 : i32
      %mul3A_269 = arith.constant 16 : i32
      %mul3A_270 = arith.muli %add3A_268, %mul3A_269 : i32
      %swap3A_271 = arith.index_cast %mul3A_270 : i32 to index
      %swap3A_272 = tpu.vector_load %arg7[%swap3A_271] {strides = array<i32>} : memref<12288xi32, #tpu.memory_space<vmem>>, vector<16xi32>,
      %swap3A_273 = vector.shape_cast %swap3A_272 : vector<16xi32> to vector<16xi32>
      %swap3A_274 = vector.shape_cast %add3A_266 : vector<16xi32> to vector<16xi32>
      tpu.vector_store %arg7[%swap3A_271], %swap3A_274 {strides = array<i32>} : memref<12288xi32, #tpu.memory_space<vmem>>, vector<16xi32>,
      %scan3A_275 = arith.constant 5 : i32
      %scan3A_276 = arith.addi %scan3A_196, %scan3A_275 : i32
      %add3A_277 = arith.constant 0 : i32
      %add3A_278 = arith.addi %add3A_277, %scan3A_276 : i32
      %mul3A_279 = arith.constant 2048 : i32
      %mul3A_280 = arith.muli %add3A_278, %mul3A_279 : i32
      %add3A_281 = vector.broadcast %mul3A_280 : i32 to vector<16xi32>
      %add3A_282 = arith.addi %add3A_93, %add3A_281 : vector<16xi32>
      %add3A_283 = arith.constant 0 : i32
      %add3A_284 = arith.addi %add3A_283, %scan3A_276 : i32
      %mul3A_285 = arith.constant 16 : i32
      %mul3A_286 = arith.muli %add3A_284, %mul3A_285 : i32
      %swap3A_287 = arith.index_cast %mul3A_286 : i32 to index
      %swap3A_288 = tpu.vector_load %arg7[%swap3A_287] {strides = array<i32>} : memref<12288xi32, #tpu.memory_space<vmem>>, vector<16xi32>,
      %swap3A_289 = vector.shape_cast %swap3A_288 : vector<16xi32> to vector<16xi32>
      %swap3A_290 = vector.shape_cast %add3A_282 : vector<16xi32> to vector<16xi32>
      tpu.vector_store %arg7[%swap3A_287], %swap3A_290 {strides = array<i32>} : memref<12288xi32, #tpu.memory_space<vmem>>, vector<16xi32>,
      %scan3A_291 = arith.constant 6 : i32
      %scan3A_292 = arith.addi %scan3A_196, %scan3A_291 : i32
      %add3A_293 = arith.constant 0 : i32
      %add3A_294 = arith.addi %add3A_293, %scan3A_292 : i32
      %mul3A_295 = arith.constant 2048 : i32
      %mul3A_296 = arith.muli %add3A_294, %mul3A_295 : i32
      %add3A_297 = vector.broadcast %mul3A_296 : i32 to vector<16xi32>
      %add3A_298 = arith.addi %add3A_93, %add3A_297 : vector<16xi32>
      %add3A_299 = arith.constant 0 : i32
      %add3A_300 = arith.addi %add3A_299, %scan3A_292 : i32
      %mul3A_301 = arith.constant 16 : i32
      %mul3A_302 = arith.muli %add3A_300, %mul3A_301 : i32
      %swap3A_303 = arith.index_cast %mul3A_302 : i32 to index
      %swap3A_304 = tpu.vector_load %arg7[%swap3A_303] {strides = array<i32>} : memref<12288xi32, #tpu.memory_space<vmem>>, vector<16xi32>,
      %swap3A_305 = vector.shape_cast %swap3A_304 : vector<16xi32> to vector<16xi32>
      %swap3A_306 = vector.shape_cast %add3A_298 : vector<16xi32> to vector<16xi32>
      tpu.vector_store %arg7[%swap3A_303], %swap3A_306 {strides = array<i32>} : memref<12288xi32, #tpu.memory_space<vmem>>, vector<16xi32>,
      %scan3A_307 = arith.constant 7 : i32
      %scan3A_308 = arith.addi %scan3A_196, %scan3A_307 : i32
      %add3A_309 = arith.constant 0 : i32
      %add3A_310 = arith.addi %add3A_309, %scan3A_308 : i32
      %mul3A_311 = arith.constant 2048 : i32
      %mul3A_312 = arith.muli %add3A_310, %mul3A_311 : i32
      %add3A_313 = vector.broadcast %mul3A_312 : i32 to vector<16xi32>
      %add3A_314 = arith.addi %add3A_93, %add3A_313 : vector<16xi32>
      %add3A_315 = arith.constant 0 : i32
      %add3A_316 = arith.addi %add3A_315, %scan3A_308 : i32
      %mul3A_317 = arith.constant 16 : i32
      %mul3A_318 = arith.muli %add3A_316, %mul3A_317 : i32
      %swap3A_319 = arith.index_cast %mul3A_318 : i32 to index
      %swap3A_320 = tpu.vector_load %arg7[%swap3A_319] {strides = array<i32>} : memref<12288xi32, #tpu.memory_space<vmem>>, vector<16xi32>,
      %swap3A_321 = vector.shape_cast %swap3A_320 : vector<16xi32> to vector<16xi32>
      %swap3A_322 = vector.shape_cast %add3A_314 : vector<16xi32> to vector<16xi32>
      tpu.vector_store %arg7[%swap3A_319], %swap3A_322 {strides = array<i32>} : memref<12288xi32, #tpu.memory_space<vmem>>, vector<16xi32>,
    }
    %scan3A_98 = arith.constant 192 : i32
    %dma_start3A_99 = arith.constant 0 : i32
    %dma_start3A_100 = tpu.memref_slice %arg8[%dma_start3A_99] : memref<12288xf32, #tpu.memory_space<vmem>> -> memref<3072xf32, #tpu.memory_space<vmem>>
    %dma_start3A_101 = arith.constant 0 : i32
    %dma_start3A_102 = tpu.memref_slice %arg7[%dma_start3A_101] : memref<12288xi32, #tpu.memory_space<vmem>> -> memref<3072xi32, #tpu.memory_space<vmem>>
    %dma_start3A_103 = arith.constant 0 : i32
    %dma_start3A_104 = tpu.memref_slice %arg2[%dma_start3A_103] : memref<67108864xf32, #tpu.memory_space<hbm>> -> memref<67108864xf32, #tpu.memory_space<hbm>>
    tpu.enqueue_indirect_dma source(%dma_start3A_104 : memref<67108864xf32, #tpu.memory_space<hbm>>) target(%dma_start3A_100 : memref<3072xf32, #tpu.memory_space<vmem>>) offsets(%dma_start3A_102 : memref<3072xi32, #tpu.memory_space<vmem>>) semaphore(%arg12 : memref<!tpu.dma_semaphore, #tpu.memory_space<semaphore_mem>>)
    %scan3A_105 = arith.constant 0 : i32
    %scan3A_106 = arith.constant 0 : i32
    %scan3A_107 = arith.constant 192 : i32
    %scan3A_108 = arith.addi %scan3A_106, %scan3A_107 : i32
    %scan3A_109 = arith.constant 8 : i32
    scf.for %scan3A_196 = %scan3A_106 to %scan3A_108 step %scan3A_109  : i32 {
      %add3A_197 = arith.constant 192 : i32
      %add3A_198 = arith.addi %add3A_197, %scan3A_196 : i32
      %mul3A_199 = arith.constant 2048 : i32
      %mul3A_200 = arith.muli %add3A_198, %mul3A_199 : i32
      %add3A_201 = vector.broadcast %mul3A_200 : i32 to vector<16xi32>
      %add3A_202 = arith.addi %add3A_93, %add3A_201 : vector<16xi32>
      %add3A_203 = arith.constant 192 : i32
      %add3A_204 = arith.addi %add3A_203, %scan3A_196 : i32
      %mul3A_205 = arith.constant 16 : i32
      %mul3A_206 = arith.muli %add3A_204, %mul3A_205 : i32
      %swap3A_207 = arith.index_cast %mul3A_206 : i32 to index
      %swap3A_208 = tpu.vector_load %arg7[%swap3A_207] {strides = array<i32>} : memref<12288xi32, #tpu.memory_space<vmem>>, vector<16xi32>,
      %swap3A_209 = vector.shape_cast %swap3A_208 : vector<16xi32> to vector<16xi32>
      %swap3A_210 = vector.shape_cast %add3A_202 : vector<16xi32> to vector<16xi32>
      tpu.vector_store %arg7[%swap3A_207], %swap3A_210 {strides = array<i32>} : memref<12288xi32, #tpu.memory_space<vmem>>, vector<16xi32>,
      %scan3A_211 = arith.constant 1 : i32
      %scan3A_212 = arith.addi %scan3A_196, %scan3A_211 : i32
      %add3A_213 = arith.constant 192 : i32
      %add3A_214 = arith.addi %add3A_213, %scan3A_212 : i32
      %mul3A_215 = arith.constant 2048 : i32
      %mul3A_216 = arith.muli %add3A_214, %mul3A_215 : i32
      %add3A_217 = vector.broadcast %mul3A_216 : i32 to vector<16xi32>
      %add3A_218 = arith.addi %add3A_93, %add3A_217 : vector<16xi32>
      %add3A_219 = arith.constant 192 : i32
      %add3A_220 = arith.addi %add3A_219, %scan3A_212 : i32
      %mul3A_221 = arith.constant 16 : i32
      %mul3A_222 = arith.muli %add3A_220, %mul3A_221 : i32
      %swap3A_223 = arith.index_cast %mul3A_222 : i32 to index
      %swap3A_224 = tpu.vector_load %arg7[%swap3A_223] {strides = array<i32>} : memref<12288xi32, #tpu.memory_space<vmem>>, vector<16xi32>,
      %swap3A_225 = vector.shape_cast %swap3A_224 : vector<16xi32> to vector<16xi32>
      %swap3A_226 = vector.shape_cast %add3A_218 : vector<16xi32> to vector<16xi32>
      tpu.vector_store %arg7[%swap3A_223], %swap3A_226 {strides = array<i32>} : memref<12288xi32, #tpu.memory_space<vmem>>, vector<16xi32>,
      %scan3A_227 = arith.constant 2 : i32
      %scan3A_228 = arith.addi %scan3A_196, %scan3A_227 : i32
      %add3A_229 = arith.constant 192 : i32
      %add3A_230 = arith.addi %add3A_229, %scan3A_228 : i32
      %mul3A_231 = arith.constant 2048 : i32
      %mul3A_232 = arith.muli %add3A_230, %mul3A_231 : i32
      %add3A_233 = vector.broadcast %mul3A_232 : i32 to vector<16xi32>
      %add3A_234 = arith.addi %add3A_93, %add3A_233 : vector<16xi32>
      %add3A_235 = arith.constant 192 : i32
      %add3A_236 = arith.addi %add3A_235, %scan3A_228 : i32
      %mul3A_237 = arith.constant 16 : i32
      %mul3A_238 = arith.muli %add3A_236, %mul3A_237 : i32
      %swap3A_239 = arith.index_cast %mul3A_238 : i32 to index
      %swap3A_240 = tpu.vector_load %arg7[%swap3A_239] {strides = array<i32>} : memref<12288xi32, #tpu.memory_space<vmem>>, vector<16xi32>,
      %swap3A_241 = vector.shape_cast %swap3A_240 : vector<16xi32> to vector<16xi32>
      %swap3A_242 = vector.shape_cast %add3A_234 : vector<16xi32> to vector<16xi32>
      tpu.vector_store %arg7[%swap3A_239], %swap3A_242 {strides = array<i32>} : memref<12288xi32, #tpu.memory_space<vmem>>, vector<16xi32>,
      %scan3A_243 = arith.constant 3 : i32
      %scan3A_244 = arith.addi %scan3A_196, %scan3A_243 : i32
      %add3A_245 = arith.constant 192 : i32
      %add3A_246 = arith.addi %add3A_245, %scan3A_244 : i32
      %mul3A_247 = arith.constant 2048 : i32
      %mul3A_248 = arith.muli %add3A_246, %mul3A_247 : i32
      %add3A_249 = vector.broadcast %mul3A_248 : i32 to vector<16xi32>
      %add3A_250 = arith.addi %add3A_93, %add3A_249 : vector<16xi32>
      %add3A_251 = arith.constant 192 : i32
      %add3A_252 = arith.addi %add3A_251, %scan3A_244 : i32
      %mul3A_253 = arith.constant 16 : i32
      %mul3A_254 = arith.muli %add3A_252, %mul3A_253 : i32
      %swap3A_255 = arith.index_cast %mul3A_254 : i32 to index
      %swap3A_256 = tpu.vector_load %arg7[%swap3A_255] {strides = array<i32>} : memref<12288xi32, #tpu.memory_space<vmem>>, vector<16xi32>,
      %swap3A_257 = vector.shape_cast %swap3A_256 : vector<16xi32> to vector<16xi32>
      %swap3A_258 = vector.shape_cast %add3A_250 : vector<16xi32> to vector<16xi32>
      tpu.vector_store %arg7[%swap3A_255], %swap3A_258 {strides = array<i32>} : memref<12288xi32, #tpu.memory_space<vmem>>, vector<16xi32>,
      %scan3A_259 = arith.constant 4 : i32
      %scan3A_260 = arith.addi %scan3A_196, %scan3A_259 : i32
      %add3A_261 = arith.constant 192 : i32
      %add3A_262 = arith.addi %add3A_261, %scan3A_260 : i32
      %mul3A_263 = arith.constant 2048 : i32
      %mul3A_264 = arith.muli %add3A_262, %mul3A_263 : i32
      %add3A_265 = vector.broadcast %mul3A_264 : i32 to vector<16xi32>
      %add3A_266 = arith.addi %add3A_93, %add3A_265 : vector<16xi32>
      %add3A_267 = arith.constant 192 : i32
      %add3A_268 = arith.addi %add3A_267, %scan3A_260 : i32
      %mul3A_269 = arith.constant 16 : i32
      %mul3A_270 = arith.muli %add3A_268, %mul3A_269 : i32
      %swap3A_271 = arith.index_cast %mul3A_270 : i32 to index
      %swap3A_272 = tpu.vector_load %arg7[%swap3A_271] {strides = array<i32>} : memref<12288xi32, #tpu.memory_space<vmem>>, vector<16xi32>,
      %swap3A_273 = vector.shape_cast %swap3A_272 : vector<16xi32> to vector<16xi32>
      %swap3A_274 = vector.shape_cast %add3A_266 : vector<16xi32> to vector<16xi32>
      tpu.vector_store %arg7[%swap3A_271], %swap3A_274 {strides = array<i32>} : memref<12288xi32, #tpu.memory_space<vmem>>, vector<16xi32>,
      %scan3A_275 = arith.constant 5 : i32
      %scan3A_276 = arith.addi %scan3A_196, %scan3A_275 : i32
      %add3A_277 = arith.constant 192 : i32
      %add3A_278 = arith.addi %add3A_277, %scan3A_276 : i32
      %mul3A_279 = arith.constant 2048 : i32
      %mul3A_280 = arith.muli %add3A_278, %mul3A_279 : i32
      %add3A_281 = vector.broadcast %mul3A_280 : i32 to vector<16xi32>
      %add3A_282 = arith.addi %add3A_93, %add3A_281 : vector<16xi32>
      %add3A_283 = arith.constant 192 : i32
      %add3A_284 = arith.addi %add3A_283, %scan3A_276 : i32
      %mul3A_285 = arith.constant 16 : i32
      %mul3A_286 = arith.muli %add3A_284, %mul3A_285 : i32
      %swap3A_287 = arith.index_cast %mul3A_286 : i32 to index
      %swap3A_288 = tpu.vector_load %arg7[%swap3A_287] {strides = array<i32>} : memref<12288xi32, #tpu.memory_space<vmem>>, vector<16xi32>,
      %swap3A_289 = vector.shape_cast %swap3A_288 : vector<16xi32> to vector<16xi32>
      %swap3A_290 = vector.shape_cast %add3A_282 : vector<16xi32> to vector<16xi32>
      tpu.vector_store %arg7[%swap3A_287], %swap3A_290 {strides = array<i32>} : memref<12288xi32, #tpu.memory_space<vmem>>, vector<16xi32>,
      %scan3A_291 = arith.constant 6 : i32
      %scan3A_292 = arith.addi %scan3A_196, %scan3A_291 : i32
      %add3A_293 = arith.constant 192 : i32
      %add3A_294 = arith.addi %add3A_293, %scan3A_292 : i32
      %mul3A_295 = arith.constant 2048 : i32
      %mul3A_296 = arith.muli %add3A_294, %mul3A_295 : i32
      %add3A_297 = vector.broadcast %mul3A_296 : i32 to vector<16xi32>
      %add3A_298 = arith.addi %add3A_93, %add3A_297 : vector<16xi32>
      %add3A_299 = arith.constant 192 : i32
      %add3A_300 = arith.addi %add3A_299, %scan3A_292 : i32
      %mul3A_301 = arith.constant 16 : i32
      %mul3A_302 = arith.muli %add3A_300, %mul3A_301 : i32
      %swap3A_303 = arith.index_cast %mul3A_302 : i32 to index
      %swap3A_304 = tpu.vector_load %arg7[%swap3A_303] {strides = array<i32>} : memref<12288xi32, #tpu.memory_space<vmem>>, vector<16xi32>,
      %swap3A_305 = vector.shape_cast %swap3A_304 : vector<16xi32> to vector<16xi32>
      %swap3A_306 = vector.shape_cast %add3A_298 : vector<16xi32> to vector<16xi32>
      tpu.vector_store %arg7[%swap3A_303], %swap3A_306 {strides = array<i32>} : memref<12288xi32, #tpu.memory_space<vmem>>, vector<16xi32>,
      %scan3A_307 = arith.constant 7 : i32
      %scan3A_308 = arith.addi %scan3A_196, %scan3A_307 : i32
      %add3A_309 = arith.constant 192 : i32
      %add3A_310 = arith.addi %add3A_309, %scan3A_308 : i32
      %mul3A_311 = arith.constant 2048 : i32
      %mul3A_312 = arith.muli %add3A_310, %mul3A_311 : i32
      %add3A_313 = vector.broadcast %mul3A_312 : i32 to vector<16xi32>
      %add3A_314 = arith.addi %add3A_93, %add3A_313 : vector<16xi32>
      %add3A_315 = arith.constant 192 : i32
      %add3A_316 = arith.addi %add3A_315, %scan3A_308 : i32
      %mul3A_317 = arith.constant 16 : i32
      %mul3A_318 = arith.muli %add3A_316, %mul3A_317 : i32
      %swap3A_319 = arith.index_cast %mul3A_318 : i32 to index
      %swap3A_320 = tpu.vector_load %arg7[%swap3A_319] {strides = array<i32>} : memref<12288xi32, #tpu.memory_space<vmem>>, vector<16xi32>,
      %swap3A_321 = vector.shape_cast %swap3A_320 : vector<16xi32> to vector<16xi32>
      %swap3A_322 = vector.shape_cast %add3A_314 : vector<16xi32> to vector<16xi32>
      tpu.vector_store %arg7[%swap3A_319], %swap3A_322 {strides = array<i32>} : memref<12288xi32, #tpu.memory_space<vmem>>, vector<16xi32>,
    }
    %scan3A_110 = arith.constant 192 : i32
    %dma_start3A_111 = arith.constant 3072 : i32
    %dma_start3A_112 = tpu.memref_slice %arg8[%dma_start3A_111] : memref<12288xf32, #tpu.memory_space<vmem>> -> memref<3072xf32, #tpu.memory_space<vmem>>
    %dma_start3A_113 = arith.constant 3072 : i32
    %dma_start3A_114 = tpu.memref_slice %arg7[%dma_start3A_113] : memref<12288xi32, #tpu.memory_space<vmem>> -> memref<3072xi32, #tpu.memory_space<vmem>>
    %dma_start3A_115 = arith.constant 0 : i32
    %dma_start3A_116 = tpu.memref_slice %arg2[%dma_start3A_115] : memref<67108864xf32, #tpu.memory_space<hbm>> -> memref<67108864xf32, #tpu.memory_space<hbm>>
    tpu.enqueue_indirect_dma source(%dma_start3A_116 : memref<67108864xf32, #tpu.memory_space<hbm>>) target(%dma_start3A_112 : memref<3072xf32, #tpu.memory_space<vmem>>) offsets(%dma_start3A_114 : memref<3072xi32, #tpu.memory_space<vmem>>) semaphore(%arg13 : memref<!tpu.dma_semaphore, #tpu.memory_space<semaphore_mem>>)
    %scan3A_117 = arith.constant 0 : i32
    %scan3A_118 = arith.constant 0 : i32
    %scan3A_119 = arith.constant 192 : i32
    %scan3A_120 = arith.addi %scan3A_118, %scan3A_119 : i32
    %scan3A_121 = arith.constant 8 : i32
    scf.for %scan3A_196 = %scan3A_118 to %scan3A_120 step %scan3A_121  : i32 {
      %add3A_197 = arith.constant 384 : i32
      %add3A_198 = arith.addi %add3A_197, %scan3A_196 : i32
      %mul3A_199 = arith.constant 2048 : i32
      %mul3A_200 = arith.muli %add3A_198, %mul3A_199 : i32
      %add3A_201 = vector.broadcast %mul3A_200 : i32 to vector<16xi32>
      %add3A_202 = arith.addi %add3A_93, %add3A_201 : vector<16xi32>
      %add3A_203 = arith.constant 384 : i32
      %add3A_204 = arith.addi %add3A_203, %scan3A_196 : i32
      %mul3A_205 = arith.constant 16 : i32
      %mul3A_206 = arith.muli %add3A_204, %mul3A_205 : i32
      %swap3A_207 = arith.index_cast %mul3A_206 : i32 to index
      %swap3A_208 = tpu.vector_load %arg7[%swap3A_207] {strides = array<i32>} : memref<12288xi32, #tpu.memory_space<vmem>>, vector<16xi32>,
      %swap3A_209 = vector.shape_cast %swap3A_208 : vector<16xi32> to vector<16xi32>
      %swap3A_210 = vector.shape_cast %add3A_202 : vector<16xi32> to vector<16xi32>
      tpu.vector_store %arg7[%swap3A_207], %swap3A_210 {strides = array<i32>} : memref<12288xi32, #tpu.memory_space<vmem>>, vector<16xi32>,
      %scan3A_211 = arith.constant 1 : i32
      %scan3A_212 = arith.addi %scan3A_196, %scan3A_211 : i32
      %add3A_213 = arith.constant 384 : i32
      %add3A_214 = arith.addi %add3A_213, %scan3A_212 : i32
      %mul3A_215 = arith.constant 2048 : i32
      %mul3A_216 = arith.muli %add3A_214, %mul3A_215 : i32
      %add3A_217 = vector.broadcast %mul3A_216 : i32 to vector<16xi32>
      %add3A_218 = arith.addi %add3A_93, %add3A_217 : vector<16xi32>
      %add3A_219 = arith.constant 384 : i32
      %add3A_220 = arith.addi %add3A_219, %scan3A_212 : i32
      %mul3A_221 = arith.constant 16 : i32
      %mul3A_222 = arith.muli %add3A_220, %mul3A_221 : i32
      %swap3A_223 = arith.index_cast %mul3A_222 : i32 to index
      %swap3A_224 = tpu.vector_load %arg7[%swap3A_223] {strides = array<i32>} : memref<12288xi32, #tpu.memory_space<vmem>>, vector<16xi32>,
      %swap3A_225 = vector.shape_cast %swap3A_224 : vector<16xi32> to vector<16xi32>
      %swap3A_226 = vector.shape_cast %add3A_218 : vector<16xi32> to vector<16xi32>
      tpu.vector_store %arg7[%swap3A_223], %swap3A_226 {strides = array<i32>} : memref<12288xi32, #tpu.memory_space<vmem>>, vector<16xi32>,
      %scan3A_227 = arith.constant 2 : i32
      %scan3A_228 = arith.addi %scan3A_196, %scan3A_227 : i32
      %add3A_229 = arith.constant 384 : i32
      %add3A_230 = arith.addi %add3A_229, %scan3A_228 : i32
      %mul3A_231 = arith.constant 2048 : i32
      %mul3A_232 = arith.muli %add3A_230, %mul3A_231 : i32
      %add3A_233 = vector.broadcast %mul3A_232 : i32 to vector<16xi32>
      %add3A_234 = arith.addi %add3A_93, %add3A_233 : vector<16xi32>
      %add3A_235 = arith.constant 384 : i32
      %add3A_236 = arith.addi %add3A_235, %scan3A_228 : i32
      %mul3A_237 = arith.constant 16 : i32
      %mul3A_238 = arith.muli %add3A_236, %mul3A_237 : i32
      %swap3A_239 = arith.index_cast %mul3A_238 : i32 to index
      %swap3A_240 = tpu.vector_load %arg7[%swap3A_239] {strides = array<i32>} : memref<12288xi32, #tpu.memory_space<vmem>>, vector<16xi32>,
      %swap3A_241 = vector.shape_cast %swap3A_240 : vector<16xi32> to vector<16xi32>
      %swap3A_242 = vector.shape_cast %add3A_234 : vector<16xi32> to vector<16xi32>
      tpu.vector_store %arg7[%swap3A_239], %swap3A_242 {strides = array<i32>} : memref<12288xi32, #tpu.memory_space<vmem>>, vector<16xi32>,
      %scan3A_243 = arith.constant 3 : i32
      %scan3A_244 = arith.addi %scan3A_196, %scan3A_243 : i32
      %add3A_245 = arith.constant 384 : i32
      %add3A_246 = arith.addi %add3A_245, %scan3A_244 : i32
      %mul3A_247 = arith.constant 2048 : i32
      %mul3A_248 = arith.muli %add3A_246, %mul3A_247 : i32
      %add3A_249 = vector.broadcast %mul3A_248 : i32 to vector<16xi32>
      %add3A_250 = arith.addi %add3A_93, %add3A_249 : vector<16xi32>
      %add3A_251 = arith.constant 384 : i32
      %add3A_252 = arith.addi %add3A_251, %scan3A_244 : i32
      %mul3A_253 = arith.constant 16 : i32
      %mul3A_254 = arith.muli %add3A_252, %mul3A_253 : i32
      %swap3A_255 = arith.index_cast %mul3A_254 : i32 to index
      %swap3A_256 = tpu.vector_load %arg7[%swap3A_255] {strides = array<i32>} : memref<12288xi32, #tpu.memory_space<vmem>>, vector<16xi32>,
      %swap3A_257 = vector.shape_cast %swap3A_256 : vector<16xi32> to vector<16xi32>
      %swap3A_258 = vector.shape_cast %add3A_250 : vector<16xi32> to vector<16xi32>
      tpu.vector_store %arg7[%swap3A_255], %swap3A_258 {strides = array<i32>} : memref<12288xi32, #tpu.memory_space<vmem>>, vector<16xi32>,
      %scan3A_259 = arith.constant 4 : i32
      %scan3A_260 = arith.addi %scan3A_196, %scan3A_259 : i32
      %add3A_261 = arith.constant 384 : i32
      %add3A_262 = arith.addi %add3A_261, %scan3A_260 : i32
      %mul3A_263 = arith.constant 2048 : i32
      %mul3A_264 = arith.muli %add3A_262, %mul3A_263 : i32
      %add3A_265 = vector.broadcast %mul3A_264 : i32 to vector<16xi32>
      %add3A_266 = arith.addi %add3A_93, %add3A_265 : vector<16xi32>
      %add3A_267 = arith.constant 384 : i32
      %add3A_268 = arith.addi %add3A_267, %scan3A_260 : i32
      %mul3A_269 = arith.constant 16 : i32
      %mul3A_270 = arith.muli %add3A_268, %mul3A_269 : i32
      %swap3A_271 = arith.index_cast %mul3A_270 : i32 to index
      %swap3A_272 = tpu.vector_load %arg7[%swap3A_271] {strides = array<i32>} : memref<12288xi32, #tpu.memory_space<vmem>>, vector<16xi32>,
      %swap3A_273 = vector.shape_cast %swap3A_272 : vector<16xi32> to vector<16xi32>
      %swap3A_274 = vector.shape_cast %add3A_266 : vector<16xi32> to vector<16xi32>
      tpu.vector_store %arg7[%swap3A_271], %swap3A_274 {strides = array<i32>} : memref<12288xi32, #tpu.memory_space<vmem>>, vector<16xi32>,
      %scan3A_275 = arith.constant 5 : i32
      %scan3A_276 = arith.addi %scan3A_196, %scan3A_275 : i32
      %add3A_277 = arith.constant 384 : i32
      %add3A_278 = arith.addi %add3A_277, %scan3A_276 : i32
      %mul3A_279 = arith.constant 2048 : i32
      %mul3A_280 = arith.muli %add3A_278, %mul3A_279 : i32
      %add3A_281 = vector.broadcast %mul3A_280 : i32 to vector<16xi32>
      %add3A_282 = arith.addi %add3A_93, %add3A_281 : vector<16xi32>
      %add3A_283 = arith.constant 384 : i32
      %add3A_284 = arith.addi %add3A_283, %scan3A_276 : i32
      %mul3A_285 = arith.constant 16 : i32
      %mul3A_286 = arith.muli %add3A_284, %mul3A_285 : i32
      %swap3A_287 = arith.index_cast %mul3A_286 : i32 to index
      %swap3A_288 = tpu.vector_load %arg7[%swap3A_287] {strides = array<i32>} : memref<12288xi32, #tpu.memory_space<vmem>>, vector<16xi32>,
      %swap3A_289 = vector.shape_cast %swap3A_288 : vector<16xi32> to vector<16xi32>
      %swap3A_290 = vector.shape_cast %add3A_282 : vector<16xi32> to vector<16xi32>
      tpu.vector_store %arg7[%swap3A_287], %swap3A_290 {strides = array<i32>} : memref<12288xi32, #tpu.memory_space<vmem>>, vector<16xi32>,
      %scan3A_291 = arith.constant 6 : i32
      %scan3A_292 = arith.addi %scan3A_196, %scan3A_291 : i32
      %add3A_293 = arith.constant 384 : i32
      %add3A_294 = arith.addi %add3A_293, %scan3A_292 : i32
      %mul3A_295 = arith.constant 2048 : i32
      %mul3A_296 = arith.muli %add3A_294, %mul3A_295 : i32
      %add3A_297 = vector.broadcast %mul3A_296 : i32 to vector<16xi32>
      %add3A_298 = arith.addi %add3A_93, %add3A_297 : vector<16xi32>
      %add3A_299 = arith.constant 384 : i32
      %add3A_300 = arith.addi %add3A_299, %scan3A_292 : i32
      %mul3A_301 = arith.constant 16 : i32
      %mul3A_302 = arith.muli %add3A_300, %mul3A_301 : i32
      %swap3A_303 = arith.index_cast %mul3A_302 : i32 to index
      %swap3A_304 = tpu.vector_load %arg7[%swap3A_303] {strides = array<i32>} : memref<12288xi32, #tpu.memory_space<vmem>>, vector<16xi32>,
      %swap3A_305 = vector.shape_cast %swap3A_304 : vector<16xi32> to vector<16xi32>
      %swap3A_306 = vector.shape_cast %add3A_298 : vector<16xi32> to vector<16xi32>
      tpu.vector_store %arg7[%swap3A_303], %swap3A_306 {strides = array<i32>} : memref<12288xi32, #tpu.memory_space<vmem>>, vector<16xi32>,
      %scan3A_307 = arith.constant 7 : i32
      %scan3A_308 = arith.addi %scan3A_196, %scan3A_307 : i32
      %add3A_309 = arith.constant 384 : i32
      %add3A_310 = arith.addi %add3A_309, %scan3A_308 : i32
      %mul3A_311 = arith.constant 2048 : i32
      %mul3A_312 = arith.muli %add3A_310, %mul3A_311 : i32
      %add3A_313 = vector.broadcast %mul3A_312 : i32 to vector<16xi32>
      %add3A_314 = arith.addi %add3A_93, %add3A_313 : vector<16xi32>
      %add3A_315 = arith.constant 384 : i32
      %add3A_316 = arith.addi %add3A_315, %scan3A_308 : i32
      %mul3A_317 = arith.constant 16 : i32
      %mul3A_318 = arith.muli %add3A_316, %mul3A_317 : i32
      %swap3A_319 = arith.index_cast %mul3A_318 : i32 to index
      %swap3A_320 = tpu.vector_load %arg7[%swap3A_319] {strides = array<i32>} : memref<12288xi32, #tpu.memory_space<vmem>>, vector<16xi32>,
      %swap3A_321 = vector.shape_cast %swap3A_320 : vector<16xi32> to vector<16xi32>
      %swap3A_322 = vector.shape_cast %add3A_314 : vector<16xi32> to vector<16xi32>
      tpu.vector_store %arg7[%swap3A_319], %swap3A_322 {strides = array<i32>} : memref<12288xi32, #tpu.memory_space<vmem>>, vector<16xi32>,
    }
    %scan3A_122 = arith.constant 192 : i32
    %dma_start3A_123 = arith.constant 6144 : i32
    %dma_start3A_124 = tpu.memref_slice %arg8[%dma_start3A_123] : memref<12288xf32, #tpu.memory_space<vmem>> -> memref<3072xf32, #tpu.memory_space<vmem>>
    %dma_start3A_125 = arith.constant 6144 : i32
    %dma_start3A_126 = tpu.memref_slice %arg7[%dma_start3A_125] : memref<12288xi32, #tpu.memory_space<vmem>> -> memref<3072xi32, #tpu.memory_space<vmem>>
    %dma_start3A_127 = arith.constant 0 : i32
    %dma_start3A_128 = tpu.memref_slice %arg2[%dma_start3A_127] : memref<67108864xf32, #tpu.memory_space<hbm>> -> memref<67108864xf32, #tpu.memory_space<hbm>>
    tpu.enqueue_indirect_dma source(%dma_start3A_128 : memref<67108864xf32, #tpu.memory_space<hbm>>) target(%dma_start3A_124 : memref<3072xf32, #tpu.memory_space<vmem>>) offsets(%dma_start3A_126 : memref<3072xi32, #tpu.memory_space<vmem>>) semaphore(%arg14 : memref<!tpu.dma_semaphore, #tpu.memory_space<semaphore_mem>>)
    %scan3A_129 = arith.constant 0 : i32
    %scan3A_130 = arith.constant 0 : i32
    %scan3A_131 = arith.constant 192 : i32
    %scan3A_132 = arith.addi %scan3A_130, %scan3A_131 : i32
    %scan3A_133 = arith.constant 8 : i32
    scf.for %scan3A_196 = %scan3A_130 to %scan3A_132 step %scan3A_133  : i32 {
      %add3A_197 = arith.constant 576 : i32
      %add3A_198 = arith.addi %add3A_197, %scan3A_196 : i32
      %mul3A_199 = arith.constant 2048 : i32
      %mul3A_200 = arith.muli %add3A_198, %mul3A_199 : i32
      %add3A_201 = vector.broadcast %mul3A_200 : i32 to vector<16xi32>
      %add3A_202 = arith.addi %add3A_93, %add3A_201 : vector<16xi32>
      %add3A_203 = arith.constant 576 : i32
      %add3A_204 = arith.addi %add3A_203, %scan3A_196 : i32
      %mul3A_205 = arith.constant 16 : i32
      %mul3A_206 = arith.muli %add3A_204, %mul3A_205 : i32
      %swap3A_207 = arith.index_cast %mul3A_206 : i32 to index
      %swap3A_208 = tpu.vector_load %arg7[%swap3A_207] {strides = array<i32>} : memref<12288xi32, #tpu.memory_space<vmem>>, vector<16xi32>,
      %swap3A_209 = vector.shape_cast %swap3A_208 : vector<16xi32> to vector<16xi32>
      %swap3A_210 = vector.shape_cast %add3A_202 : vector<16xi32> to vector<16xi32>
      tpu.vector_store %arg7[%swap3A_207], %swap3A_210 {strides = array<i32>} : memref<12288xi32, #tpu.memory_space<vmem>>, vector<16xi32>,
      %scan3A_211 = arith.constant 1 : i32
      %scan3A_212 = arith.addi %scan3A_196, %scan3A_211 : i32
      %add3A_213 = arith.constant 576 : i32
      %add3A_214 = arith.addi %add3A_213, %scan3A_212 : i32
      %mul3A_215 = arith.constant 2048 : i32
      %mul3A_216 = arith.muli %add3A_214, %mul3A_215 : i32
      %add3A_217 = vector.broadcast %mul3A_216 : i32 to vector<16xi32>
      %add3A_218 = arith.addi %add3A_93, %add3A_217 : vector<16xi32>
      %add3A_219 = arith.constant 576 : i32
      %add3A_220 = arith.addi %add3A_219, %scan3A_212 : i32
      %mul3A_221 = arith.constant 16 : i32
      %mul3A_222 = arith.muli %add3A_220, %mul3A_221 : i32
      %swap3A_223 = arith.index_cast %mul3A_222 : i32 to index
      %swap3A_224 = tpu.vector_load %arg7[%swap3A_223] {strides = array<i32>} : memref<12288xi32, #tpu.memory_space<vmem>>, vector<16xi32>,
      %swap3A_225 = vector.shape_cast %swap3A_224 : vector<16xi32> to vector<16xi32>
      %swap3A_226 = vector.shape_cast %add3A_218 : vector<16xi32> to vector<16xi32>
      tpu.vector_store %arg7[%swap3A_223], %swap3A_226 {strides = array<i32>} : memref<12288xi32, #tpu.memory_space<vmem>>, vector<16xi32>,
      %scan3A_227 = arith.constant 2 : i32
      %scan3A_228 = arith.addi %scan3A_196, %scan3A_227 : i32
      %add3A_229 = arith.constant 576 : i32
      %add3A_230 = arith.addi %add3A_229, %scan3A_228 : i32
      %mul3A_231 = arith.constant 2048 : i32
      %mul3A_232 = arith.muli %add3A_230, %mul3A_231 : i32
      %add3A_233 = vector.broadcast %mul3A_232 : i32 to vector<16xi32>
      %add3A_234 = arith.addi %add3A_93, %add3A_233 : vector<16xi32>
      %add3A_235 = arith.constant 576 : i32
      %add3A_236 = arith.addi %add3A_235, %scan3A_228 : i32
      %mul3A_237 = arith.constant 16 : i32
      %mul3A_238 = arith.muli %add3A_236, %mul3A_237 : i32
      %swap3A_239 = arith.index_cast %mul3A_238 : i32 to index
      %swap3A_240 = tpu.vector_load %arg7[%swap3A_239] {strides = array<i32>} : memref<12288xi32, #tpu.memory_space<vmem>>, vector<16xi32>,
      %swap3A_241 = vector.shape_cast %swap3A_240 : vector<16xi32> to vector<16xi32>
      %swap3A_242 = vector.shape_cast %add3A_234 : vector<16xi32> to vector<16xi32>
      tpu.vector_store %arg7[%swap3A_239], %swap3A_242 {strides = array<i32>} : memref<12288xi32, #tpu.memory_space<vmem>>, vector<16xi32>,
      %scan3A_243 = arith.constant 3 : i32
      %scan3A_244 = arith.addi %scan3A_196, %scan3A_243 : i32
      %add3A_245 = arith.constant 576 : i32
      %add3A_246 = arith.addi %add3A_245, %scan3A_244 : i32
      %mul3A_247 = arith.constant 2048 : i32
      %mul3A_248 = arith.muli %add3A_246, %mul3A_247 : i32
      %add3A_249 = vector.broadcast %mul3A_248 : i32 to vector<16xi32>
      %add3A_250 = arith.addi %add3A_93, %add3A_249 : vector<16xi32>
      %add3A_251 = arith.constant 576 : i32
      %add3A_252 = arith.addi %add3A_251, %scan3A_244 : i32
      %mul3A_253 = arith.constant 16 : i32
      %mul3A_254 = arith.muli %add3A_252, %mul3A_253 : i32
      %swap3A_255 = arith.index_cast %mul3A_254 : i32 to index
      %swap3A_256 = tpu.vector_load %arg7[%swap3A_255] {strides = array<i32>} : memref<12288xi32, #tpu.memory_space<vmem>>, vector<16xi32>,
      %swap3A_257 = vector.shape_cast %swap3A_256 : vector<16xi32> to vector<16xi32>
      %swap3A_258 = vector.shape_cast %add3A_250 : vector<16xi32> to vector<16xi32>
      tpu.vector_store %arg7[%swap3A_255], %swap3A_258 {strides = array<i32>} : memref<12288xi32, #tpu.memory_space<vmem>>, vector<16xi32>,
      %scan3A_259 = arith.constant 4 : i32
      %scan3A_260 = arith.addi %scan3A_196, %scan3A_259 : i32
      %add3A_261 = arith.constant 576 : i32
      %add3A_262 = arith.addi %add3A_261, %scan3A_260 : i32
      %mul3A_263 = arith.constant 2048 : i32
      %mul3A_264 = arith.muli %add3A_262, %mul3A_263 : i32
      %add3A_265 = vector.broadcast %mul3A_264 : i32 to vector<16xi32>
      %add3A_266 = arith.addi %add3A_93, %add3A_265 : vector<16xi32>
      %add3A_267 = arith.constant 576 : i32
      %add3A_268 = arith.addi %add3A_267, %scan3A_260 : i32
      %mul3A_269 = arith.constant 16 : i32
      %mul3A_270 = arith.muli %add3A_268, %mul3A_269 : i32
      %swap3A_271 = arith.index_cast %mul3A_270 : i32 to index
      %swap3A_272 = tpu.vector_load %arg7[%swap3A_271] {strides = array<i32>} : memref<12288xi32, #tpu.memory_space<vmem>>, vector<16xi32>,
      %swap3A_273 = vector.shape_cast %swap3A_272 : vector<16xi32> to vector<16xi32>
      %swap3A_274 = vector.shape_cast %add3A_266 : vector<16xi32> to vector<16xi32>
      tpu.vector_store %arg7[%swap3A_271], %swap3A_274 {strides = array<i32>} : memref<12288xi32, #tpu.memory_space<vmem>>, vector<16xi32>,
      %scan3A_275 = arith.constant 5 : i32
      %scan3A_276 = arith.addi %scan3A_196, %scan3A_275 : i32
      %add3A_277 = arith.constant 576 : i32
      %add3A_278 = arith.addi %add3A_277, %scan3A_276 : i32
      %mul3A_279 = arith.constant 2048 : i32
      %mul3A_280 = arith.muli %add3A_278, %mul3A_279 : i32
      %add3A_281 = vector.broadcast %mul3A_280 : i32 to vector<16xi32>
      %add3A_282 = arith.addi %add3A_93, %add3A_281 : vector<16xi32>
      %add3A_283 = arith.constant 576 : i32
      %add3A_284 = arith.addi %add3A_283, %scan3A_276 : i32
      %mul3A_285 = arith.constant 16 : i32
      %mul3A_286 = arith.muli %add3A_284, %mul3A_285 : i32
      %swap3A_287 = arith.index_cast %mul3A_286 : i32 to index
      %swap3A_288 = tpu.vector_load %arg7[%swap3A_287] {strides = array<i32>} : memref<12288xi32, #tpu.memory_space<vmem>>, vector<16xi32>,
      %swap3A_289 = vector.shape_cast %swap3A_288 : vector<16xi32> to vector<16xi32>
      %swap3A_290 = vector.shape_cast %add3A_282 : vector<16xi32> to vector<16xi32>
      tpu.vector_store %arg7[%swap3A_287], %swap3A_290 {strides = array<i32>} : memref<12288xi32, #tpu.memory_space<vmem>>, vector<16xi32>,
      %scan3A_291 = arith.constant 6 : i32
      %scan3A_292 = arith.addi %scan3A_196, %scan3A_291 : i32
      %add3A_293 = arith.constant 576 : i32
      %add3A_294 = arith.addi %add3A_293, %scan3A_292 : i32
      %mul3A_295 = arith.constant 2048 : i32
      %mul3A_296 = arith.muli %add3A_294, %mul3A_295 : i32
      %add3A_297 = vector.broadcast %mul3A_296 : i32 to vector<16xi32>
      %add3A_298 = arith.addi %add3A_93, %add3A_297 : vector<16xi32>
      %add3A_299 = arith.constant 576 : i32
      %add3A_300 = arith.addi %add3A_299, %scan3A_292 : i32
      %mul3A_301 = arith.constant 16 : i32
      %mul3A_302 = arith.muli %add3A_300, %mul3A_301 : i32
      %swap3A_303 = arith.index_cast %mul3A_302 : i32 to index
      %swap3A_304 = tpu.vector_load %arg7[%swap3A_303] {strides = array<i32>} : memref<12288xi32, #tpu.memory_space<vmem>>, vector<16xi32>,
      %swap3A_305 = vector.shape_cast %swap3A_304 : vector<16xi32> to vector<16xi32>
      %swap3A_306 = vector.shape_cast %add3A_298 : vector<16xi32> to vector<16xi32>
      tpu.vector_store %arg7[%swap3A_303], %swap3A_306 {strides = array<i32>} : memref<12288xi32, #tpu.memory_space<vmem>>, vector<16xi32>,
      %scan3A_307 = arith.constant 7 : i32
      %scan3A_308 = arith.addi %scan3A_196, %scan3A_307 : i32
      %add3A_309 = arith.constant 576 : i32
      %add3A_310 = arith.addi %add3A_309, %scan3A_308 : i32
      %mul3A_311 = arith.constant 2048 : i32
      %mul3A_312 = arith.muli %add3A_310, %mul3A_311 : i32
      %add3A_313 = vector.broadcast %mul3A_312 : i32 to vector<16xi32>
      %add3A_314 = arith.addi %add3A_93, %add3A_313 : vector<16xi32>
      %add3A_315 = arith.constant 576 : i32
      %add3A_316 = arith.addi %add3A_315, %scan3A_308 : i32
      %mul3A_317 = arith.constant 16 : i32
      %mul3A_318 = arith.muli %add3A_316, %mul3A_317 : i32
      %swap3A_319 = arith.index_cast %mul3A_318 : i32 to index
      %swap3A_320 = tpu.vector_load %arg7[%swap3A_319] {strides = array<i32>} : memref<12288xi32, #tpu.memory_space<vmem>>, vector<16xi32>,
      %swap3A_321 = vector.shape_cast %swap3A_320 : vector<16xi32> to vector<16xi32>
      %swap3A_322 = vector.shape_cast %add3A_314 : vector<16xi32> to vector<16xi32>
      tpu.vector_store %arg7[%swap3A_319], %swap3A_322 {strides = array<i32>} : memref<12288xi32, #tpu.memory_space<vmem>>, vector<16xi32>,
    }
    %scan3A_134 = arith.constant 192 : i32
    %dma_start3A_135 = arith.constant 9216 : i32
    %dma_start3A_136 = tpu.memref_slice %arg8[%dma_start3A_135] : memref<12288xf32, #tpu.memory_space<vmem>> -> memref<3072xf32, #tpu.memory_space<vmem>>
    %dma_start3A_137 = arith.constant 9216 : i32
    %dma_start3A_138 = tpu.memref_slice %arg7[%dma_start3A_137] : memref<12288xi32, #tpu.memory_space<vmem>> -> memref<3072xi32, #tpu.memory_space<vmem>>
    %dma_start3A_139 = arith.constant 0 : i32
    %dma_start3A_140 = tpu.memref_slice %arg2[%dma_start3A_139] : memref<67108864xf32, #tpu.memory_space<hbm>> -> memref<67108864xf32, #tpu.memory_space<hbm>>
    tpu.enqueue_indirect_dma source(%dma_start3A_140 : memref<67108864xf32, #tpu.memory_space<hbm>>) target(%dma_start3A_136 : memref<3072xf32, #tpu.memory_space<vmem>>) offsets(%dma_start3A_138 : memref<3072xi32, #tpu.memory_space<vmem>>) semaphore(%arg15 : memref<!tpu.dma_semaphore, #tpu.memory_space<semaphore_mem>>)
    %dma_wait3A = arith.constant 0 : i32
    %dma_wait3A_141 = tpu.memref_slice %arg3[%add3A_35, %dma_wait3A] : memref<2048x256xf32, #tpu.memory_space<hbm>> -> memref<48x256xf32, #tpu.memory_space<hbm>>
    %dma_wait3A_142 = arith.constant 0 : i32
    %dma_wait3A_143 = tpu.memref_slice %arg3[%add3A_35, %dma_wait3A_142] : memref<2048x256xf32, #tpu.memory_space<hbm>> -> memref<48x256xf32, #tpu.memory_space<hbm>>
    tpu.wait_dma2 semaphore(%arg11 : memref<!tpu.dma_semaphore, #tpu.memory_space<semaphore_mem>>) src(%dma_wait3A_143 : memref<48x256xf32, #tpu.memory_space<hbm>>) dst(%arg9 : memref<48x256xf32, #tpu.memory_space<vmem>>)
    %broadcast_in_dim3A = arith.constant 0.000000e+00 : f32
    %broadcast_in_dim3A_144 = vector.broadcast %broadcast_in_dim3A : f32 to vector<16xf32>
    %dma_wait3A_145 = arith.constant 0 : i32
    %dma_wait3A_146 = tpu.memref_slice %arg8[%dma_wait3A_145] : memref<12288xf32, #tpu.memory_space<vmem>> -> memref<3072xf32, #tpu.memory_space<vmem>>
    %dma_wait3A_147 = arith.constant 0 : i32
    %dma_wait3A_148 = tpu.memref_slice %arg7[%dma_wait3A_147] : memref<12288xi32, #tpu.memory_space<vmem>> -> memref<3072xi32, #tpu.memory_space<vmem>>
    %dma_wait3A_149 = arith.constant 0 : i32
    %dma_wait3A_150 = tpu.memref_slice %arg2[%dma_wait3A_149] : memref<67108864xf32, #tpu.memory_space<hbm>> -> memref<67108864xf32, #tpu.memory_space<hbm>>
    tpu.wait_indirect_dma semaphore(%arg12 : memref<!tpu.dma_semaphore, #tpu.memory_space<semaphore_mem>>) src(%dma_wait3A_150 : memref<67108864xf32, #tpu.memory_space<hbm>>) dst(%dma_wait3A_146 : memref<3072xf32, #tpu.memory_space<vmem>>)
    %scan3A_151 = arith.constant 0 : i32
    %scan3A_152 = arith.constant 192 : i32
    %scan3A_153 = arith.addi %scan3A_151, %scan3A_152 : i32
    %scan3A_154 = arith.constant 8 : i32
    %scan3A_155 = scf.for %scan3A_196 = %scan3A_151 to %scan3A_153 step %scan3A_154 iter_args(%scan3A_197 = %broadcast_in_dim3A_144) -> (vector<16xf32>)  : i32 {
      %mul3A_198 = arith.constant 16 : i32
      %mul3A_199 = arith.muli %scan3A_196, %mul3A_198 : i32
      %add3A_200 = arith.constant 0 : i32
      %add3A_201 = arith.addi %add3A_200, %mul3A_199 : i32
      %get3A_202 = arith.index_cast %add3A_201 : i32 to index
      %get3A_203 = tpu.vector_load %arg8[%get3A_202] {strides = array<i32>} : memref<12288xf32, #tpu.memory_space<vmem>>, vector<16xf32>,
      %get3A_204 = vector.shape_cast %get3A_203 : vector<16xf32> to vector<16xf32>
      %jit3A_205 = arith.constant 256 : i32
      %div3A_206 = arith.divsi %add3A_201, %jit3A_205 : i32
      %sign3A_207 = arith.constant 0 : i32
      %sign3A_208 = arith.cmpi sgt, %add3A_201, %sign3A_207 : i32
      %sign3A_209 = arith.extui %sign3A_208 : i1 to i32
      %sign3A_210 = arith.constant 0 : i32
      %sign3A_211 = arith.cmpi slt, %add3A_201, %sign3A_210 : i32
      %sign3A_212 = arith.extui %sign3A_211 : i1 to i32
      %sign3A_213 = arith.subi %sign3A_209, %sign3A_212 : i32
      %sign3A_214 = arith.constant 0 : i32
      %sign3A_215 = arith.cmpi sgt, %jit3A_205, %sign3A_214 : i32
      %sign3A_216 = arith.extui %sign3A_215 : i1 to i32
      %sign3A_217 = arith.constant 0 : i32
      %sign3A_218 = arith.cmpi slt, %jit3A_205, %sign3A_217 : i32
      %sign3A_219 = arith.extui %sign3A_218 : i1 to i32
      %sign3A_220 = arith.subi %sign3A_216, %sign3A_219 : i32
      %ne3A_221 = arith.cmpi ne, %sign3A_213, %sign3A_220 : i32
      %rem3A_222 = arith.remsi %add3A_201, %jit3A_205 : i32
      %ne3A_223 = arith.constant 0 : i32
      %ne3A_224 = arith.cmpi ne, %rem3A_222, %ne3A_223 : i32
      %and3A_225 = arith.andi %ne3A_221, %ne3A_224 : i1
      %sub3A_226 = arith.constant 1 : i32
      %sub3A_227 = arith.subi %div3A_206, %sub3A_226 : i32
      %select_n3A_228 = arith.select %and3A_225, %sub3A_227, %div3A_206 : i32
      %jit3A_229 = arith.constant 256 : i32
      %eq3A_230 = arith.constant 0 : i32
      %eq3A_231 = arith.cmpi eq, %jit3A_229, %eq3A_230 : i32
      %jit3A_232 = arith.constant 1 : i32
      %select_n3A_233 = arith.select %eq3A_231, %jit3A_232, %jit3A_229 : i32
      %rem3A_234 = arith.remsi %add3A_201, %select_n3A_233 : i32
      %ne3A_235 = arith.constant 0 : i32
      %ne3A_236 = arith.cmpi ne, %rem3A_234, %ne3A_235 : i32
      %lt3A_237 = arith.constant 0 : i32
      %lt3A_238 = arith.cmpi slt, %rem3A_234, %lt3A_237 : i32
      %lt3A_239 = arith.constant 0 : i32
      %lt3A_240 = arith.cmpi slt, %select_n3A_233, %lt3A_239 : i32
      %ne3A_241 = arith.xori %lt3A_238, %lt3A_240 : i1
      %and3A_242 = arith.andi %ne3A_241, %ne3A_236 : i1
      %add3A_243 = arith.addi %rem3A_234, %select_n3A_233 : i32
      %select_n3A_244 = arith.select %and3A_242, %add3A_243, %rem3A_234 : i32
      %get3A_245 = arith.index_cast %select_n3A_228 : i32 to index
      %get3A_246 = arith.index_cast %select_n3A_244 : i32 to index
      %get3A_247 = tpu.vector_load %arg9[%get3A_245, %get3A_246] {strides = array<i32>} : memref<48x256xf32, #tpu.memory_space<vmem>>, vector<1x16xf32>,
      %get3A_248 = vector.shape_cast %get3A_247 : vector<1x16xf32> to vector<16xf32>
      %sub3A_249 = arith.subf %get3A_204, %get3A_248 : vector<16xf32>
      %mul3A_250 = arith.mulf %sub3A_249, %sub3A_249 : vector<16xf32>
      %add3A_251 = arith.addf %scan3A_197, %mul3A_250 : vector<16xf32>
      %scan3A_252 = arith.constant 1 : i32
      %scan3A_253 = arith.addi %scan3A_196, %scan3A_252 : i32
      %mul3A_254 = arith.constant 16 : i32
      %mul3A_255 = arith.muli %scan3A_253, %mul3A_254 : i32
      %add3A_256 = arith.constant 0 : i32
      %add3A_257 = arith.addi %add3A_256, %mul3A_255 : i32
      %get3A_258 = arith.index_cast %add3A_257 : i32 to index
      %get3A_259 = tpu.vector_load %arg8[%get3A_258] {strides = array<i32>} : memref<12288xf32, #tpu.memory_space<vmem>>, vector<16xf32>,
      %get3A_260 = vector.shape_cast %get3A_259 : vector<16xf32> to vector<16xf32>
      %jit3A_261 = arith.constant 256 : i32
      %div3A_262 = arith.divsi %add3A_257, %jit3A_261 : i32
      %sign3A_263 = arith.constant 0 : i32
      %sign3A_264 = arith.cmpi sgt, %add3A_257, %sign3A_263 : i32
      %sign3A_265 = arith.extui %sign3A_264 : i1 to i32
      %sign3A_266 = arith.constant 0 : i32
      %sign3A_267 = arith.cmpi slt, %add3A_257, %sign3A_266 : i32
      %sign3A_268 = arith.extui %sign3A_267 : i1 to i32
      %sign3A_269 = arith.subi %sign3A_265, %sign3A_268 : i32
      %sign3A_270 = arith.constant 0 : i32
      %sign3A_271 = arith.cmpi sgt, %jit3A_261, %sign3A_270 : i32
      %sign3A_272 = arith.extui %sign3A_271 : i1 to i32
      %sign3A_273 = arith.constant 0 : i32
      %sign3A_274 = arith.cmpi slt, %jit3A_261, %sign3A_273 : i32
      %sign3A_275 = arith.extui %sign3A_274 : i1 to i32
      %sign3A_276 = arith.subi %sign3A_272, %sign3A_275 : i32
      %ne3A_277 = arith.cmpi ne, %sign3A_269, %sign3A_276 : i32
      %rem3A_278 = arith.remsi %add3A_257, %jit3A_261 : i32
      %ne3A_279 = arith.constant 0 : i32
      %ne3A_280 = arith.cmpi ne, %rem3A_278, %ne3A_279 : i32
      %and3A_281 = arith.andi %ne3A_277, %ne3A_280 : i1
      %sub3A_282 = arith.constant 1 : i32
      %sub3A_283 = arith.subi %div3A_262, %sub3A_282 : i32
      %select_n3A_284 = arith.select %and3A_281, %sub3A_283, %div3A_262 : i32
      %jit3A_285 = arith.constant 256 : i32
      %eq3A_286 = arith.constant 0 : i32
      %eq3A_287 = arith.cmpi eq, %jit3A_285, %eq3A_286 : i32
      %jit3A_288 = arith.constant 1 : i32
      %select_n3A_289 = arith.select %eq3A_287, %jit3A_288, %jit3A_285 : i32
      %rem3A_290 = arith.remsi %add3A_257, %select_n3A_289 : i32
      %ne3A_291 = arith.constant 0 : i32
      %ne3A_292 = arith.cmpi ne, %rem3A_290, %ne3A_291 : i32
      %lt3A_293 = arith.constant 0 : i32
      %lt3A_294 = arith.cmpi slt, %rem3A_290, %lt3A_293 : i32
      %lt3A_295 = arith.constant 0 : i32
      %lt3A_296 = arith.cmpi slt, %select_n3A_289, %lt3A_295 : i32
      %ne3A_297 = arith.xori %lt3A_294, %lt3A_296 : i1
      %and3A_298 = arith.andi %ne3A_297, %ne3A_292 : i1
      %add3A_299 = arith.addi %rem3A_290, %select_n3A_289 : i32
      %select_n3A_300 = arith.select %and3A_298, %add3A_299, %rem3A_290 : i32
      %get3A_301 = arith.index_cast %select_n3A_284 : i32 to index
      %get3A_302 = arith.index_cast %select_n3A_300 : i32 to index
      %get3A_303 = tpu.vector_load %arg9[%get3A_301, %get3A_302] {strides = array<i32>} : memref<48x256xf32, #tpu.memory_space<vmem>>, vector<1x16xf32>,
      %get3A_304 = vector.shape_cast %get3A_303 : vector<1x16xf32> to vector<16xf32>
      %sub3A_305 = arith.subf %get3A_260, %get3A_304 : vector<16xf32>
      %mul3A_306 = arith.mulf %sub3A_305, %sub3A_305 : vector<16xf32>
      %add3A_307 = arith.addf %add3A_251, %mul3A_306 : vector<16xf32>
      %scan3A_308 = arith.constant 2 : i32
      %scan3A_309 = arith.addi %scan3A_196, %scan3A_308 : i32
      %mul3A_310 = arith.constant 16 : i32
      %mul3A_311 = arith.muli %scan3A_309, %mul3A_310 : i32
      %add3A_312 = arith.constant 0 : i32
      %add3A_313 = arith.addi %add3A_312, %mul3A_311 : i32
      %get3A_314 = arith.index_cast %add3A_313 : i32 to index
      %get3A_315 = tpu.vector_load %arg8[%get3A_314] {strides = array<i32>} : memref<12288xf32, #tpu.memory_space<vmem>>, vector<16xf32>,
      %get3A_316 = vector.shape_cast %get3A_315 : vector<16xf32> to vector<16xf32>
      %jit3A_317 = arith.constant 256 : i32
      %div3A_318 = arith.divsi %add3A_313, %jit3A_317 : i32
      %sign3A_319 = arith.constant 0 : i32
      %sign3A_320 = arith.cmpi sgt, %add3A_313, %sign3A_319 : i32
      %sign3A_321 = arith.extui %sign3A_320 : i1 to i32
      %sign3A_322 = arith.constant 0 : i32
      %sign3A_323 = arith.cmpi slt, %add3A_313, %sign3A_322 : i32
      %sign3A_324 = arith.extui %sign3A_323 : i1 to i32
      %sign3A_325 = arith.subi %sign3A_321, %sign3A_324 : i32
      %sign3A_326 = arith.constant 0 : i32
      %sign3A_327 = arith.cmpi sgt, %jit3A_317, %sign3A_326 : i32
      %sign3A_328 = arith.extui %sign3A_327 : i1 to i32
      %sign3A_329 = arith.constant 0 : i32
      %sign3A_330 = arith.cmpi slt, %jit3A_317, %sign3A_329 : i32
      %sign3A_331 = arith.extui %sign3A_330 : i1 to i32
      %sign3A_332 = arith.subi %sign3A_328, %sign3A_331 : i32
      %ne3A_333 = arith.cmpi ne, %sign3A_325, %sign3A_332 : i32
      %rem3A_334 = arith.remsi %add3A_313, %jit3A_317 : i32
      %ne3A_335 = arith.constant 0 : i32
      %ne3A_336 = arith.cmpi ne, %rem3A_334, %ne3A_335 : i32
      %and3A_337 = arith.andi %ne3A_333, %ne3A_336 : i1
      %sub3A_338 = arith.constant 1 : i32
      %sub3A_339 = arith.subi %div3A_318, %sub3A_338 : i32
      %select_n3A_340 = arith.select %and3A_337, %sub3A_339, %div3A_318 : i32
      %jit3A_341 = arith.constant 256 : i32
      %eq3A_342 = arith.constant 0 : i32
      %eq3A_343 = arith.cmpi eq, %jit3A_341, %eq3A_342 : i32
      %jit3A_344 = arith.constant 1 : i32
      %select_n3A_345 = arith.select %eq3A_343, %jit3A_344, %jit3A_341 : i32
      %rem3A_346 = arith.remsi %add3A_313, %select_n3A_345 : i32
      %ne3A_347 = arith.constant 0 : i32
      %ne3A_348 = arith.cmpi ne, %rem3A_346, %ne3A_347 : i32
      %lt3A_349 = arith.constant 0 : i32
      %lt3A_350 = arith.cmpi slt, %rem3A_346, %lt3A_349 : i32
      %lt3A_351 = arith.constant 0 : i32
      %lt3A_352 = arith.cmpi slt, %select_n3A_345, %lt3A_351 : i32
      %ne3A_353 = arith.xori %lt3A_350, %lt3A_352 : i1
      %and3A_354 = arith.andi %ne3A_353, %ne3A_348 : i1
      %add3A_355 = arith.addi %rem3A_346, %select_n3A_345 : i32
      %select_n3A_356 = arith.select %and3A_354, %add3A_355, %rem3A_346 : i32
      %get3A_357 = arith.index_cast %select_n3A_340 : i32 to index
      %get3A_358 = arith.index_cast %select_n3A_356 : i32 to index
      %get3A_359 = tpu.vector_load %arg9[%get3A_357, %get3A_358] {strides = array<i32>} : memref<48x256xf32, #tpu.memory_space<vmem>>, vector<1x16xf32>,
      %get3A_360 = vector.shape_cast %get3A_359 : vector<1x16xf32> to vector<16xf32>
      %sub3A_361 = arith.subf %get3A_316, %get3A_360 : vector<16xf32>
      %mul3A_362 = arith.mulf %sub3A_361, %sub3A_361 : vector<16xf32>
      %add3A_363 = arith.addf %add3A_307, %mul3A_362 : vector<16xf32>
      %scan3A_364 = arith.constant 3 : i32
      %scan3A_365 = arith.addi %scan3A_196, %scan3A_364 : i32
      %mul3A_366 = arith.constant 16 : i32
      %mul3A_367 = arith.muli %scan3A_365, %mul3A_366 : i32
      %add3A_368 = arith.constant 0 : i32
      %add3A_369 = arith.addi %add3A_368, %mul3A_367 : i32
      %get3A_370 = arith.index_cast %add3A_369 : i32 to index
      %get3A_371 = tpu.vector_load %arg8[%get3A_370] {strides = array<i32>} : memref<12288xf32, #tpu.memory_space<vmem>>, vector<16xf32>,
      %get3A_372 = vector.shape_cast %get3A_371 : vector<16xf32> to vector<16xf32>
      %jit3A_373 = arith.constant 256 : i32
      %div3A_374 = arith.divsi %add3A_369, %jit3A_373 : i32
      %sign3A_375 = arith.constant 0 : i32
      %sign3A_376 = arith.cmpi sgt, %add3A_369, %sign3A_375 : i32
      %sign3A_377 = arith.extui %sign3A_376 : i1 to i32
      %sign3A_378 = arith.constant 0 : i32
      %sign3A_379 = arith.cmpi slt, %add3A_369, %sign3A_378 : i32
      %sign3A_380 = arith.extui %sign3A_379 : i1 to i32
      %sign3A_381 = arith.subi %sign3A_377, %sign3A_380 : i32
      %sign3A_382 = arith.constant 0 : i32
      %sign3A_383 = arith.cmpi sgt, %jit3A_373, %sign3A_382 : i32
      %sign3A_384 = arith.extui %sign3A_383 : i1 to i32
      %sign3A_385 = arith.constant 0 : i32
      %sign3A_386 = arith.cmpi slt, %jit3A_373, %sign3A_385 : i32
      %sign3A_387 = arith.extui %sign3A_386 : i1 to i32
      %sign3A_388 = arith.subi %sign3A_384, %sign3A_387 : i32
      %ne3A_389 = arith.cmpi ne, %sign3A_381, %sign3A_388 : i32
      %rem3A_390 = arith.remsi %add3A_369, %jit3A_373 : i32
      %ne3A_391 = arith.constant 0 : i32
      %ne3A_392 = arith.cmpi ne, %rem3A_390, %ne3A_391 : i32
      %and3A_393 = arith.andi %ne3A_389, %ne3A_392 : i1
      %sub3A_394 = arith.constant 1 : i32
      %sub3A_395 = arith.subi %div3A_374, %sub3A_394 : i32
      %select_n3A_396 = arith.select %and3A_393, %sub3A_395, %div3A_374 : i32
      %jit3A_397 = arith.constant 256 : i32
      %eq3A_398 = arith.constant 0 : i32
      %eq3A_399 = arith.cmpi eq, %jit3A_397, %eq3A_398 : i32
      %jit3A_400 = arith.constant 1 : i32
      %select_n3A_401 = arith.select %eq3A_399, %jit3A_400, %jit3A_397 : i32
      %rem3A_402 = arith.remsi %add3A_369, %select_n3A_401 : i32
      %ne3A_403 = arith.constant 0 : i32
      %ne3A_404 = arith.cmpi ne, %rem3A_402, %ne3A_403 : i32
      %lt3A_405 = arith.constant 0 : i32
      %lt3A_406 = arith.cmpi slt, %rem3A_402, %lt3A_405 : i32
      %lt3A_407 = arith.constant 0 : i32
      %lt3A_408 = arith.cmpi slt, %select_n3A_401, %lt3A_407 : i32
      %ne3A_409 = arith.xori %lt3A_406, %lt3A_408 : i1
      %and3A_410 = arith.andi %ne3A_409, %ne3A_404 : i1
      %add3A_411 = arith.addi %rem3A_402, %select_n3A_401 : i32
      %select_n3A_412 = arith.select %and3A_410, %add3A_411, %rem3A_402 : i32
      %get3A_413 = arith.index_cast %select_n3A_396 : i32 to index
      %get3A_414 = arith.index_cast %select_n3A_412 : i32 to index
      %get3A_415 = tpu.vector_load %arg9[%get3A_413, %get3A_414] {strides = array<i32>} : memref<48x256xf32, #tpu.memory_space<vmem>>, vector<1x16xf32>,
      %get3A_416 = vector.shape_cast %get3A_415 : vector<1x16xf32> to vector<16xf32>
      %sub3A_417 = arith.subf %get3A_372, %get3A_416 : vector<16xf32>
      %mul3A_418 = arith.mulf %sub3A_417, %sub3A_417 : vector<16xf32>
      %add3A_419 = arith.addf %add3A_363, %mul3A_418 : vector<16xf32>
      %scan3A_420 = arith.constant 4 : i32
      %scan3A_421 = arith.addi %scan3A_196, %scan3A_420 : i32
      %mul3A_422 = arith.constant 16 : i32
      %mul3A_423 = arith.muli %scan3A_421, %mul3A_422 : i32
      %add3A_424 = arith.constant 0 : i32
      %add3A_425 = arith.addi %add3A_424, %mul3A_423 : i32
      %get3A_426 = arith.index_cast %add3A_425 : i32 to index
      %get3A_427 = tpu.vector_load %arg8[%get3A_426] {strides = array<i32>} : memref<12288xf32, #tpu.memory_space<vmem>>, vector<16xf32>,
      %get3A_428 = vector.shape_cast %get3A_427 : vector<16xf32> to vector<16xf32>
      %jit3A_429 = arith.constant 256 : i32
      %div3A_430 = arith.divsi %add3A_425, %jit3A_429 : i32
      %sign3A_431 = arith.constant 0 : i32
      %sign3A_432 = arith.cmpi sgt, %add3A_425, %sign3A_431 : i32
      %sign3A_433 = arith.extui %sign3A_432 : i1 to i32
      %sign3A_434 = arith.constant 0 : i32
      %sign3A_435 = arith.cmpi slt, %add3A_425, %sign3A_434 : i32
      %sign3A_436 = arith.extui %sign3A_435 : i1 to i32
      %sign3A_437 = arith.subi %sign3A_433, %sign3A_436 : i32
      %sign3A_438 = arith.constant 0 : i32
      %sign3A_439 = arith.cmpi sgt, %jit3A_429, %sign3A_438 : i32
      %sign3A_440 = arith.extui %sign3A_439 : i1 to i32
      %sign3A_441 = arith.constant 0 : i32
      %sign3A_442 = arith.cmpi slt, %jit3A_429, %sign3A_441 : i32
      %sign3A_443 = arith.extui %sign3A_442 : i1 to i32
      %sign3A_444 = arith.subi %sign3A_440, %sign3A_443 : i32
      %ne3A_445 = arith.cmpi ne, %sign3A_437, %sign3A_444 : i32
      %rem3A_446 = arith.remsi %add3A_425, %jit3A_429 : i32
      %ne3A_447 = arith.constant 0 : i32
      %ne3A_448 = arith.cmpi ne, %rem3A_446, %ne3A_447 : i32
      %and3A_449 = arith.andi %ne3A_445, %ne3A_448 : i1
      %sub3A_450 = arith.constant 1 : i32
      %sub3A_451 = arith.subi %div3A_430, %sub3A_450 : i32
      %select_n3A_452 = arith.select %and3A_449, %sub3A_451, %div3A_430 : i32
      %jit3A_453 = arith.constant 256 : i32
      %eq3A_454 = arith.constant 0 : i32
      %eq3A_455 = arith.cmpi eq, %jit3A_453, %eq3A_454 : i32
      %jit3A_456 = arith.constant 1 : i32
      %select_n3A_457 = arith.select %eq3A_455, %jit3A_456, %jit3A_453 : i32
      %rem3A_458 = arith.remsi %add3A_425, %select_n3A_457 : i32
      %ne3A_459 = arith.constant 0 : i32
      %ne3A_460 = arith.cmpi ne, %rem3A_458, %ne3A_459 : i32
      %lt3A_461 = arith.constant 0 : i32
      %lt3A_462 = arith.cmpi slt, %rem3A_458, %lt3A_461 : i32
      %lt3A_463 = arith.constant 0 : i32
      %lt3A_464 = arith.cmpi slt, %select_n3A_457, %lt3A_463 : i32
      %ne3A_465 = arith.xori %lt3A_462, %lt3A_464 : i1
      %and3A_466 = arith.andi %ne3A_465, %ne3A_460 : i1
      %add3A_467 = arith.addi %rem3A_458, %select_n3A_457 : i32
      %select_n3A_468 = arith.select %and3A_466, %add3A_467, %rem3A_458 : i32
      %get3A_469 = arith.index_cast %select_n3A_452 : i32 to index
      %get3A_470 = arith.index_cast %select_n3A_468 : i32 to index
      %get3A_471 = tpu.vector_load %arg9[%get3A_469, %get3A_470] {strides = array<i32>} : memref<48x256xf32, #tpu.memory_space<vmem>>, vector<1x16xf32>,
      %get3A_472 = vector.shape_cast %get3A_471 : vector<1x16xf32> to vector<16xf32>
      %sub3A_473 = arith.subf %get3A_428, %get3A_472 : vector<16xf32>
      %mul3A_474 = arith.mulf %sub3A_473, %sub3A_473 : vector<16xf32>
      %add3A_475 = arith.addf %add3A_419, %mul3A_474 : vector<16xf32>
      %scan3A_476 = arith.constant 5 : i32
      %scan3A_477 = arith.addi %scan3A_196, %scan3A_476 : i32
      %mul3A_478 = arith.constant 16 : i32
      %mul3A_479 = arith.muli %scan3A_477, %mul3A_478 : i32
      %add3A_480 = arith.constant 0 : i32
      %add3A_481 = arith.addi %add3A_480, %mul3A_479 : i32
      %get3A_482 = arith.index_cast %add3A_481 : i32 to index
      %get3A_483 = tpu.vector_load %arg8[%get3A_482] {strides = array<i32>} : memref<12288xf32, #tpu.memory_space<vmem>>, vector<16xf32>,
      %get3A_484 = vector.shape_cast %get3A_483 : vector<16xf32> to vector<16xf32>
      %jit3A_485 = arith.constant 256 : i32
      %div3A_486 = arith.divsi %add3A_481, %jit3A_485 : i32
      %sign3A_487 = arith.constant 0 : i32
      %sign3A_488 = arith.cmpi sgt, %add3A_481, %sign3A_487 : i32
      %sign3A_489 = arith.extui %sign3A_488 : i1 to i32
      %sign3A_490 = arith.constant 0 : i32
      %sign3A_491 = arith.cmpi slt, %add3A_481, %sign3A_490 : i32
      %sign3A_492 = arith.extui %sign3A_491 : i1 to i32
      %sign3A_493 = arith.subi %sign3A_489, %sign3A_492 : i32
      %sign3A_494 = arith.constant 0 : i32
      %sign3A_495 = arith.cmpi sgt, %jit3A_485, %sign3A_494 : i32
      %sign3A_496 = arith.extui %sign3A_495 : i1 to i32
      %sign3A_497 = arith.constant 0 : i32
      %sign3A_498 = arith.cmpi slt, %jit3A_485, %sign3A_497 : i32
      %sign3A_499 = arith.extui %sign3A_498 : i1 to i32
      %sign3A_500 = arith.subi %sign3A_496, %sign3A_499 : i32
      %ne3A_501 = arith.cmpi ne, %sign3A_493, %sign3A_500 : i32
      %rem3A_502 = arith.remsi %add3A_481, %jit3A_485 : i32
      %ne3A_503 = arith.constant 0 : i32
      %ne3A_504 = arith.cmpi ne, %rem3A_502, %ne3A_503 : i32
      %and3A_505 = arith.andi %ne3A_501, %ne3A_504 : i1
      %sub3A_506 = arith.constant 1 : i32
      %sub3A_507 = arith.subi %div3A_486, %sub3A_506 : i32
      %select_n3A_508 = arith.select %and3A_505, %sub3A_507, %div3A_486 : i32
      %jit3A_509 = arith.constant 256 : i32
      %eq3A_510 = arith.constant 0 : i32
      %eq3A_511 = arith.cmpi eq, %jit3A_509, %eq3A_510 : i32
      %jit3A_512 = arith.constant 1 : i32
      %select_n3A_513 = arith.select %eq3A_511, %jit3A_512, %jit3A_509 : i32
      %rem3A_514 = arith.remsi %add3A_481, %select_n3A_513 : i32
      %ne3A_515 = arith.constant 0 : i32
      %ne3A_516 = arith.cmpi ne, %rem3A_514, %ne3A_515 : i32
      %lt3A_517 = arith.constant 0 : i32
      %lt3A_518 = arith.cmpi slt, %rem3A_514, %lt3A_517 : i32
      %lt3A_519 = arith.constant 0 : i32
      %lt3A_520 = arith.cmpi slt, %select_n3A_513, %lt3A_519 : i32
      %ne3A_521 = arith.xori %lt3A_518, %lt3A_520 : i1
      %and3A_522 = arith.andi %ne3A_521, %ne3A_516 : i1
      %add3A_523 = arith.addi %rem3A_514, %select_n3A_513 : i32
      %select_n3A_524 = arith.select %and3A_522, %add3A_523, %rem3A_514 : i32
      %get3A_525 = arith.index_cast %select_n3A_508 : i32 to index
      %get3A_526 = arith.index_cast %select_n3A_524 : i32 to index
      %get3A_527 = tpu.vector_load %arg9[%get3A_525, %get3A_526] {strides = array<i32>} : memref<48x256xf32, #tpu.memory_space<vmem>>, vector<1x16xf32>,
      %get3A_528 = vector.shape_cast %get3A_527 : vector<1x16xf32> to vector<16xf32>
      %sub3A_529 = arith.subf %get3A_484, %get3A_528 : vector<16xf32>
      %mul3A_530 = arith.mulf %sub3A_529, %sub3A_529 : vector<16xf32>
      %add3A_531 = arith.addf %add3A_475, %mul3A_530 : vector<16xf32>
      %scan3A_532 = arith.constant 6 : i32
      %scan3A_533 = arith.addi %scan3A_196, %scan3A_532 : i32
      %mul3A_534 = arith.constant 16 : i32
      %mul3A_535 = arith.muli %scan3A_533, %mul3A_534 : i32
      %add3A_536 = arith.constant 0 : i32
      %add3A_537 = arith.addi %add3A_536, %mul3A_535 : i32
      %get3A_538 = arith.index_cast %add3A_537 : i32 to index
      %get3A_539 = tpu.vector_load %arg8[%get3A_538] {strides = array<i32>} : memref<12288xf32, #tpu.memory_space<vmem>>, vector<16xf32>,
      %get3A_540 = vector.shape_cast %get3A_539 : vector<16xf32> to vector<16xf32>
      %jit3A_541 = arith.constant 256 : i32
      %div3A_542 = arith.divsi %add3A_537, %jit3A_541 : i32
      %sign3A_543 = arith.constant 0 : i32
      %sign3A_544 = arith.cmpi sgt, %add3A_537, %sign3A_543 : i32
      %sign3A_545 = arith.extui %sign3A_544 : i1 to i32
      %sign3A_546 = arith.constant 0 : i32
      %sign3A_547 = arith.cmpi slt, %add3A_537, %sign3A_546 : i32
      %sign3A_548 = arith.extui %sign3A_547 : i1 to i32
      %sign3A_549 = arith.subi %sign3A_545, %sign3A_548 : i32
      %sign3A_550 = arith.constant 0 : i32
      %sign3A_551 = arith.cmpi sgt, %jit3A_541, %sign3A_550 : i32
      %sign3A_552 = arith.extui %sign3A_551 : i1 to i32
      %sign3A_553 = arith.constant 0 : i32
      %sign3A_554 = arith.cmpi slt, %jit3A_541, %sign3A_553 : i32
      %sign3A_555 = arith.extui %sign3A_554 : i1 to i32
      %sign3A_556 = arith.subi %sign3A_552, %sign3A_555 : i32
      %ne3A_557 = arith.cmpi ne, %sign3A_549, %sign3A_556 : i32
      %rem3A_558 = arith.remsi %add3A_537, %jit3A_541 : i32
      %ne3A_559 = arith.constant 0 : i32
      %ne3A_560 = arith.cmpi ne, %rem3A_558, %ne3A_559 : i32
      %and3A_561 = arith.andi %ne3A_557, %ne3A_560 : i1
      %sub3A_562 = arith.constant 1 : i32
      %sub3A_563 = arith.subi %div3A_542, %sub3A_562 : i32
      %select_n3A_564 = arith.select %and3A_561, %sub3A_563, %div3A_542 : i32
      %jit3A_565 = arith.constant 256 : i32
      %eq3A_566 = arith.constant 0 : i32
      %eq3A_567 = arith.cmpi eq, %jit3A_565, %eq3A_566 : i32
      %jit3A_568 = arith.constant 1 : i32
      %select_n3A_569 = arith.select %eq3A_567, %jit3A_568, %jit3A_565 : i32
      %rem3A_570 = arith.remsi %add3A_537, %select_n3A_569 : i32
      %ne3A_571 = arith.constant 0 : i32
      %ne3A_572 = arith.cmpi ne, %rem3A_570, %ne3A_571 : i32
      %lt3A_573 = arith.constant 0 : i32
      %lt3A_574 = arith.cmpi slt, %rem3A_570, %lt3A_573 : i32
      %lt3A_575 = arith.constant 0 : i32
      %lt3A_576 = arith.cmpi slt, %select_n3A_569, %lt3A_575 : i32
      %ne3A_577 = arith.xori %lt3A_574, %lt3A_576 : i1
      %and3A_578 = arith.andi %ne3A_577, %ne3A_572 : i1
      %add3A_579 = arith.addi %rem3A_570, %select_n3A_569 : i32
      %select_n3A_580 = arith.select %and3A_578, %add3A_579, %rem3A_570 : i32
      %get3A_581 = arith.index_cast %select_n3A_564 : i32 to index
      %get3A_582 = arith.index_cast %select_n3A_580 : i32 to index
      %get3A_583 = tpu.vector_load %arg9[%get3A_581, %get3A_582] {strides = array<i32>} : memref<48x256xf32, #tpu.memory_space<vmem>>, vector<1x16xf32>,
      %get3A_584 = vector.shape_cast %get3A_583 : vector<1x16xf32> to vector<16xf32>
      %sub3A_585 = arith.subf %get3A_540, %get3A_584 : vector<16xf32>
      %mul3A_586 = arith.mulf %sub3A_585, %sub3A_585 : vector<16xf32>
      %add3A_587 = arith.addf %add3A_531, %mul3A_586 : vector<16xf32>
      %scan3A_588 = arith.constant 7 : i32
      %scan3A_589 = arith.addi %scan3A_196, %scan3A_588 : i32
      %mul3A_590 = arith.constant 16 : i32
      %mul3A_591 = arith.muli %scan3A_589, %mul3A_590 : i32
      %add3A_592 = arith.constant 0 : i32
      %add3A_593 = arith.addi %add3A_592, %mul3A_591 : i32
      %get3A_594 = arith.index_cast %add3A_593 : i32 to index
      %get3A_595 = tpu.vector_load %arg8[%get3A_594] {strides = array<i32>} : memref<12288xf32, #tpu.memory_space<vmem>>, vector<16xf32>,
      %get3A_596 = vector.shape_cast %get3A_595 : vector<16xf32> to vector<16xf32>
      %jit3A_597 = arith.constant 256 : i32
      %div3A_598 = arith.divsi %add3A_593, %jit3A_597 : i32
      %sign3A_599 = arith.constant 0 : i32
      %sign3A_600 = arith.cmpi sgt, %add3A_593, %sign3A_599 : i32
      %sign3A_601 = arith.extui %sign3A_600 : i1 to i32
      %sign3A_602 = arith.constant 0 : i32
      %sign3A_603 = arith.cmpi slt, %add3A_593, %sign3A_602 : i32
      %sign3A_604 = arith.extui %sign3A_603 : i1 to i32
      %sign3A_605 = arith.subi %sign3A_601, %sign3A_604 : i32
      %sign3A_606 = arith.constant 0 : i32
      %sign3A_607 = arith.cmpi sgt, %jit3A_597, %sign3A_606 : i32
      %sign3A_608 = arith.extui %sign3A_607 : i1 to i32
      %sign3A_609 = arith.constant 0 : i32
      %sign3A_610 = arith.cmpi slt, %jit3A_597, %sign3A_609 : i32
      %sign3A_611 = arith.extui %sign3A_610 : i1 to i32
      %sign3A_612 = arith.subi %sign3A_608, %sign3A_611 : i32
      %ne3A_613 = arith.cmpi ne, %sign3A_605, %sign3A_612 : i32
      %rem3A_614 = arith.remsi %add3A_593, %jit3A_597 : i32
      %ne3A_615 = arith.constant 0 : i32
      %ne3A_616 = arith.cmpi ne, %rem3A_614, %ne3A_615 : i32
      %and3A_617 = arith.andi %ne3A_613, %ne3A_616 : i1
      %sub3A_618 = arith.constant 1 : i32
      %sub3A_619 = arith.subi %div3A_598, %sub3A_618 : i32
      %select_n3A_620 = arith.select %and3A_617, %sub3A_619, %div3A_598 : i32
      %jit3A_621 = arith.constant 256 : i32
      %eq3A_622 = arith.constant 0 : i32
      %eq3A_623 = arith.cmpi eq, %jit3A_621, %eq3A_622 : i32
      %jit3A_624 = arith.constant 1 : i32
      %select_n3A_625 = arith.select %eq3A_623, %jit3A_624, %jit3A_621 : i32
      %rem3A_626 = arith.remsi %add3A_593, %select_n3A_625 : i32
      %ne3A_627 = arith.constant 0 : i32
      %ne3A_628 = arith.cmpi ne, %rem3A_626, %ne3A_627 : i32
      %lt3A_629 = arith.constant 0 : i32
      %lt3A_630 = arith.cmpi slt, %rem3A_626, %lt3A_629 : i32
      %lt3A_631 = arith.constant 0 : i32
      %lt3A_632 = arith.cmpi slt, %select_n3A_625, %lt3A_631 : i32
      %ne3A_633 = arith.xori %lt3A_630, %lt3A_632 : i1
      %and3A_634 = arith.andi %ne3A_633, %ne3A_628 : i1
      %add3A_635 = arith.addi %rem3A_626, %select_n3A_625 : i32
      %select_n3A_636 = arith.select %and3A_634, %add3A_635, %rem3A_626 : i32
      %get3A_637 = arith.index_cast %select_n3A_620 : i32 to index
      %get3A_638 = arith.index_cast %select_n3A_636 : i32 to index
      %get3A_639 = tpu.vector_load %arg9[%get3A_637, %get3A_638] {strides = array<i32>} : memref<48x256xf32, #tpu.memory_space<vmem>>, vector<1x16xf32>,
      %get3A_640 = vector.shape_cast %get3A_639 : vector<1x16xf32> to vector<16xf32>
      %sub3A_641 = arith.subf %get3A_596, %get3A_640 : vector<16xf32>
      %mul3A_642 = arith.mulf %sub3A_641, %sub3A_641 : vector<16xf32>
      %add3A_643 = arith.addf %add3A_587, %mul3A_642 : vector<16xf32>
      scf.yield %add3A_643 : vector<16xf32>
    }
    %scan3A_156 = arith.constant 192 : i32
    %dma_wait3A_157 = arith.constant 3072 : i32
    %dma_wait3A_158 = tpu.memref_slice %arg8[%dma_wait3A_157] : memref<12288xf32, #tpu.memory_space<vmem>> -> memref<3072xf32, #tpu.memory_space<vmem>>
    %dma_wait3A_159 = arith.constant 3072 : i32
    %dma_wait3A_160 = tpu.memref_slice %arg7[%dma_wait3A_159] : memref<12288xi32, #tpu.memory_space<vmem>> -> memref<3072xi32, #tpu.memory_space<vmem>>
    %dma_wait3A_161 = arith.constant 0 : i32
    %dma_wait3A_162 = tpu.memref_slice %arg2[%dma_wait3A_161] : memref<67108864xf32, #tpu.memory_space<hbm>> -> memref<67108864xf32, #tpu.memory_space<hbm>>
    tpu.wait_indirect_dma semaphore(%arg13 : memref<!tpu.dma_semaphore, #tpu.memory_space<semaphore_mem>>) src(%dma_wait3A_162 : memref<67108864xf32, #tpu.memory_space<hbm>>) dst(%dma_wait3A_158 : memref<3072xf32, #tpu.memory_space<vmem>>)
    %scan3A_163 = arith.constant 0 : i32
    %scan3A_164 = arith.constant 192 : i32
    %scan3A_165 = arith.addi %scan3A_163, %scan3A_164 : i32
    %scan3A_166 = arith.constant 8 : i32
    %scan3A_167 = scf.for %scan3A_196 = %scan3A_163 to %scan3A_165 step %scan3A_166 iter_args(%scan3A_197 = %scan3A_155) -> (vector<16xf32>)  : i32 {
      %mul3A_198 = arith.constant 16 : i32
      %mul3A_199 = arith.muli %scan3A_196, %mul3A_198 : i32
      %add3A_200 = arith.constant 3072 : i32
      %add3A_201 = arith.addi %add3A_200, %mul3A_199 : i32
      %get3A_202 = arith.index_cast %add3A_201 : i32 to index
      %get3A_203 = tpu.vector_load %arg8[%get3A_202] {strides = array<i32>} : memref<12288xf32, #tpu.memory_space<vmem>>, vector<16xf32>,
      %get3A_204 = vector.shape_cast %get3A_203 : vector<16xf32> to vector<16xf32>
      %jit3A_205 = arith.constant 256 : i32
      %div3A_206 = arith.divsi %add3A_201, %jit3A_205 : i32
      %sign3A_207 = arith.constant 0 : i32
      %sign3A_208 = arith.cmpi sgt, %add3A_201, %sign3A_207 : i32
      %sign3A_209 = arith.extui %sign3A_208 : i1 to i32
      %sign3A_210 = arith.constant 0 : i32
      %sign3A_211 = arith.cmpi slt, %add3A_201, %sign3A_210 : i32
      %sign3A_212 = arith.extui %sign3A_211 : i1 to i32
      %sign3A_213 = arith.subi %sign3A_209, %sign3A_212 : i32
      %sign3A_214 = arith.constant 0 : i32
      %sign3A_215 = arith.cmpi sgt, %jit3A_205, %sign3A_214 : i32
      %sign3A_216 = arith.extui %sign3A_215 : i1 to i32
      %sign3A_217 = arith.constant 0 : i32
      %sign3A_218 = arith.cmpi slt, %jit3A_205, %sign3A_217 : i32
      %sign3A_219 = arith.extui %sign3A_218 : i1 to i32
      %sign3A_220 = arith.subi %sign3A_216, %sign3A_219 : i32
      %ne3A_221 = arith.cmpi ne, %sign3A_213, %sign3A_220 : i32
      %rem3A_222 = arith.remsi %add3A_201, %jit3A_205 : i32
      %ne3A_223 = arith.constant 0 : i32
      %ne3A_224 = arith.cmpi ne, %rem3A_222, %ne3A_223 : i32
      %and3A_225 = arith.andi %ne3A_221, %ne3A_224 : i1
      %sub3A_226 = arith.constant 1 : i32
      %sub3A_227 = arith.subi %div3A_206, %sub3A_226 : i32
      %select_n3A_228 = arith.select %and3A_225, %sub3A_227, %div3A_206 : i32
      %jit3A_229 = arith.constant 256 : i32
      %eq3A_230 = arith.constant 0 : i32
      %eq3A_231 = arith.cmpi eq, %jit3A_229, %eq3A_230 : i32
      %jit3A_232 = arith.constant 1 : i32
      %select_n3A_233 = arith.select %eq3A_231, %jit3A_232, %jit3A_229 : i32
      %rem3A_234 = arith.remsi %add3A_201, %select_n3A_233 : i32
      %ne3A_235 = arith.constant 0 : i32
      %ne3A_236 = arith.cmpi ne, %rem3A_234, %ne3A_235 : i32
      %lt3A_237 = arith.constant 0 : i32
      %lt3A_238 = arith.cmpi slt, %rem3A_234, %lt3A_237 : i32
      %lt3A_239 = arith.constant 0 : i32
      %lt3A_240 = arith.cmpi slt, %select_n3A_233, %lt3A_239 : i32
      %ne3A_241 = arith.xori %lt3A_238, %lt3A_240 : i1
      %and3A_242 = arith.andi %ne3A_241, %ne3A_236 : i1
      %add3A_243 = arith.addi %rem3A_234, %select_n3A_233 : i32
      %select_n3A_244 = arith.select %and3A_242, %add3A_243, %rem3A_234 : i32
      %get3A_245 = arith.index_cast %select_n3A_228 : i32 to index
      %get3A_246 = arith.index_cast %select_n3A_244 : i32 to index
      %get3A_247 = tpu.vector_load %arg9[%get3A_245, %get3A_246] {strides = array<i32>} : memref<48x256xf32, #tpu.memory_space<vmem>>, vector<1x16xf32>,
      %get3A_248 = vector.shape_cast %get3A_247 : vector<1x16xf32> to vector<16xf32>
      %sub3A_249 = arith.subf %get3A_204, %get3A_248 : vector<16xf32>
      %mul3A_250 = arith.mulf %sub3A_249, %sub3A_249 : vector<16xf32>
      %add3A_251 = arith.addf %scan3A_197, %mul3A_250 : vector<16xf32>
      %scan3A_252 = arith.constant 1 : i32
      %scan3A_253 = arith.addi %scan3A_196, %scan3A_252 : i32
      %mul3A_254 = arith.constant 16 : i32
      %mul3A_255 = arith.muli %scan3A_253, %mul3A_254 : i32
      %add3A_256 = arith.constant 3072 : i32
      %add3A_257 = arith.addi %add3A_256, %mul3A_255 : i32
      %get3A_258 = arith.index_cast %add3A_257 : i32 to index
      %get3A_259 = tpu.vector_load %arg8[%get3A_258] {strides = array<i32>} : memref<12288xf32, #tpu.memory_space<vmem>>, vector<16xf32>,
      %get3A_260 = vector.shape_cast %get3A_259 : vector<16xf32> to vector<16xf32>
      %jit3A_261 = arith.constant 256 : i32
      %div3A_262 = arith.divsi %add3A_257, %jit3A_261 : i32
      %sign3A_263 = arith.constant 0 : i32
      %sign3A_264 = arith.cmpi sgt, %add3A_257, %sign3A_263 : i32
      %sign3A_265 = arith.extui %sign3A_264 : i1 to i32
      %sign3A_266 = arith.constant 0 : i32
      %sign3A_267 = arith.cmpi slt, %add3A_257, %sign3A_266 : i32
      %sign3A_268 = arith.extui %sign3A_267 : i1 to i32
      %sign3A_269 = arith.subi %sign3A_265, %sign3A_268 : i32
      %sign3A_270 = arith.constant 0 : i32
      %sign3A_271 = arith.cmpi sgt, %jit3A_261, %sign3A_270 : i32
      %sign3A_272 = arith.extui %sign3A_271 : i1 to i32
      %sign3A_273 = arith.constant 0 : i32
      %sign3A_274 = arith.cmpi slt, %jit3A_261, %sign3A_273 : i32
      %sign3A_275 = arith.extui %sign3A_274 : i1 to i32
      %sign3A_276 = arith.subi %sign3A_272, %sign3A_275 : i32
      %ne3A_277 = arith.cmpi ne, %sign3A_269, %sign3A_276 : i32
      %rem3A_278 = arith.remsi %add3A_257, %jit3A_261 : i32
      %ne3A_279 = arith.constant 0 : i32
      %ne3A_280 = arith.cmpi ne, %rem3A_278, %ne3A_279 : i32
      %and3A_281 = arith.andi %ne3A_277, %ne3A_280 : i1
      %sub3A_282 = arith.constant 1 : i32
      %sub3A_283 = arith.subi %div3A_262, %sub3A_282 : i32
      %select_n3A_284 = arith.select %and3A_281, %sub3A_283, %div3A_262 : i32
      %jit3A_285 = arith.constant 256 : i32
      %eq3A_286 = arith.constant 0 : i32
      %eq3A_287 = arith.cmpi eq, %jit3A_285, %eq3A_286 : i32
      %jit3A_288 = arith.constant 1 : i32
      %select_n3A_289 = arith.select %eq3A_287, %jit3A_288, %jit3A_285 : i32
      %rem3A_290 = arith.remsi %add3A_257, %select_n3A_289 : i32
      %ne3A_291 = arith.constant 0 : i32
      %ne3A_292 = arith.cmpi ne, %rem3A_290, %ne3A_291 : i32
      %lt3A_293 = arith.constant 0 : i32
      %lt3A_294 = arith.cmpi slt, %rem3A_290, %lt3A_293 : i32
      %lt3A_295 = arith.constant 0 : i32
      %lt3A_296 = arith.cmpi slt, %select_n3A_289, %lt3A_295 : i32
      %ne3A_297 = arith.xori %lt3A_294, %lt3A_296 : i1
      %and3A_298 = arith.andi %ne3A_297, %ne3A_292 : i1
      %add3A_299 = arith.addi %rem3A_290, %select_n3A_289 : i32
      %select_n3A_300 = arith.select %and3A_298, %add3A_299, %rem3A_290 : i32
      %get3A_301 = arith.index_cast %select_n3A_284 : i32 to index
      %get3A_302 = arith.index_cast %select_n3A_300 : i32 to index
      %get3A_303 = tpu.vector_load %arg9[%get3A_301, %get3A_302] {strides = array<i32>} : memref<48x256xf32, #tpu.memory_space<vmem>>, vector<1x16xf32>,
      %get3A_304 = vector.shape_cast %get3A_303 : vector<1x16xf32> to vector<16xf32>
      %sub3A_305 = arith.subf %get3A_260, %get3A_304 : vector<16xf32>
      %mul3A_306 = arith.mulf %sub3A_305, %sub3A_305 : vector<16xf32>
      %add3A_307 = arith.addf %add3A_251, %mul3A_306 : vector<16xf32>
      %scan3A_308 = arith.constant 2 : i32
      %scan3A_309 = arith.addi %scan3A_196, %scan3A_308 : i32
      %mul3A_310 = arith.constant 16 : i32
      %mul3A_311 = arith.muli %scan3A_309, %mul3A_310 : i32
      %add3A_312 = arith.constant 3072 : i32
      %add3A_313 = arith.addi %add3A_312, %mul3A_311 : i32
      %get3A_314 = arith.index_cast %add3A_313 : i32 to index
      %get3A_315 = tpu.vector_load %arg8[%get3A_314] {strides = array<i32>} : memref<12288xf32, #tpu.memory_space<vmem>>, vector<16xf32>,
      %get3A_316 = vector.shape_cast %get3A_315 : vector<16xf32> to vector<16xf32>
      %jit3A_317 = arith.constant 256 : i32
      %div3A_318 = arith.divsi %add3A_313, %jit3A_317 : i32
      %sign3A_319 = arith.constant 0 : i32
      %sign3A_320 = arith.cmpi sgt, %add3A_313, %sign3A_319 : i32
      %sign3A_321 = arith.extui %sign3A_320 : i1 to i32
      %sign3A_322 = arith.constant 0 : i32
      %sign3A_323 = arith.cmpi slt, %add3A_313, %sign3A_322 : i32
      %sign3A_324 = arith.extui %sign3A_323 : i1 to i32
      %sign3A_325 = arith.subi %sign3A_321, %sign3A_324 : i32
      %sign3A_326 = arith.constant 0 : i32
      %sign3A_327 = arith.cmpi sgt, %jit3A_317, %sign3A_326 : i32
      %sign3A_328 = arith.extui %sign3A_327 : i1 to i32
      %sign3A_329 = arith.constant 0 : i32
      %sign3A_330 = arith.cmpi slt, %jit3A_317, %sign3A_329 : i32
      %sign3A_331 = arith.extui %sign3A_330 : i1 to i32
      %sign3A_332 = arith.subi %sign3A_328, %sign3A_331 : i32
      %ne3A_333 = arith.cmpi ne, %sign3A_325, %sign3A_332 : i32
      %rem3A_334 = arith.remsi %add3A_313, %jit3A_317 : i32
      %ne3A_335 = arith.constant 0 : i32
      %ne3A_336 = arith.cmpi ne, %rem3A_334, %ne3A_335 : i32
      %and3A_337 = arith.andi %ne3A_333, %ne3A_336 : i1
      %sub3A_338 = arith.constant 1 : i32
      %sub3A_339 = arith.subi %div3A_318, %sub3A_338 : i32
      %select_n3A_340 = arith.select %and3A_337, %sub3A_339, %div3A_318 : i32
      %jit3A_341 = arith.constant 256 : i32
      %eq3A_342 = arith.constant 0 : i32
      %eq3A_343 = arith.cmpi eq, %jit3A_341, %eq3A_342 : i32
      %jit3A_344 = arith.constant 1 : i32
      %select_n3A_345 = arith.select %eq3A_343, %jit3A_344, %jit3A_341 : i32
      %rem3A_346 = arith.remsi %add3A_313, %select_n3A_345 : i32
      %ne3A_347 = arith.constant 0 : i32
      %ne3A_348 = arith.cmpi ne, %rem3A_346, %ne3A_347 : i32
      %lt3A_349 = arith.constant 0 : i32
      %lt3A_350 = arith.cmpi slt, %rem3A_346, %lt3A_349 : i32
      %lt3A_351 = arith.constant 0 : i32
      %lt3A_352 = arith.cmpi slt, %select_n3A_345, %lt3A_351 : i32
      %ne3A_353 = arith.xori %lt3A_350, %lt3A_352 : i1
      %and3A_354 = arith.andi %ne3A_353, %ne3A_348 : i1
      %add3A_355 = arith.addi %rem3A_346, %select_n3A_345 : i32
      %select_n3A_356 = arith.select %and3A_354, %add3A_355, %rem3A_346 : i32
      %get3A_357 = arith.index_cast %select_n3A_340 : i32 to index
      %get3A_358 = arith.index_cast %select_n3A_356 : i32 to index
      %get3A_359 = tpu.vector_load %arg9[%get3A_357, %get3A_358] {strides = array<i32>} : memref<48x256xf32, #tpu.memory_space<vmem>>, vector<1x16xf32>,
      %get3A_360 = vector.shape_cast %get3A_359 : vector<1x16xf32> to vector<16xf32>
      %sub3A_361 = arith.subf %get3A_316, %get3A_360 : vector<16xf32>
      %mul3A_362 = arith.mulf %sub3A_361, %sub3A_361 : vector<16xf32>
      %add3A_363 = arith.addf %add3A_307, %mul3A_362 : vector<16xf32>
      %scan3A_364 = arith.constant 3 : i32
      %scan3A_365 = arith.addi %scan3A_196, %scan3A_364 : i32
      %mul3A_366 = arith.constant 16 : i32
      %mul3A_367 = arith.muli %scan3A_365, %mul3A_366 : i32
      %add3A_368 = arith.constant 3072 : i32
      %add3A_369 = arith.addi %add3A_368, %mul3A_367 : i32
      %get3A_370 = arith.index_cast %add3A_369 : i32 to index
      %get3A_371 = tpu.vector_load %arg8[%get3A_370] {strides = array<i32>} : memref<12288xf32, #tpu.memory_space<vmem>>, vector<16xf32>,
      %get3A_372 = vector.shape_cast %get3A_371 : vector<16xf32> to vector<16xf32>
      %jit3A_373 = arith.constant 256 : i32
      %div3A_374 = arith.divsi %add3A_369, %jit3A_373 : i32
      %sign3A_375 = arith.constant 0 : i32
      %sign3A_376 = arith.cmpi sgt, %add3A_369, %sign3A_375 : i32
      %sign3A_377 = arith.extui %sign3A_376 : i1 to i32
      %sign3A_378 = arith.constant 0 : i32
      %sign3A_379 = arith.cmpi slt, %add3A_369, %sign3A_378 : i32
      %sign3A_380 = arith.extui %sign3A_379 : i1 to i32
      %sign3A_381 = arith.subi %sign3A_377, %sign3A_380 : i32
      %sign3A_382 = arith.constant 0 : i32
      %sign3A_383 = arith.cmpi sgt, %jit3A_373, %sign3A_382 : i32
      %sign3A_384 = arith.extui %sign3A_383 : i1 to i32
      %sign3A_385 = arith.constant 0 : i32
      %sign3A_386 = arith.cmpi slt, %jit3A_373, %sign3A_385 : i32
      %sign3A_387 = arith.extui %sign3A_386 : i1 to i32
      %sign3A_388 = arith.subi %sign3A_384, %sign3A_387 : i32
      %ne3A_389 = arith.cmpi ne, %sign3A_381, %sign3A_388 : i32
      %rem3A_390 = arith.remsi %add3A_369, %jit3A_373 : i32
      %ne3A_391 = arith.constant 0 : i32
      %ne3A_392 = arith.cmpi ne, %rem3A_390, %ne3A_391 : i32
      %and3A_393 = arith.andi %ne3A_389, %ne3A_392 : i1
      %sub3A_394 = arith.constant 1 : i32
      %sub3A_395 = arith.subi %div3A_374, %sub3A_394 : i32
      %select_n3A_396 = arith.select %and3A_393, %sub3A_395, %div3A_374 : i32
      %jit3A_397 = arith.constant 256 : i32
      %eq3A_398 = arith.constant 0 : i32
      %eq3A_399 = arith.cmpi eq, %jit3A_397, %eq3A_398 : i32
      %jit3A_400 = arith.constant 1 : i32
      %select_n3A_401 = arith.select %eq3A_399, %jit3A_400, %jit3A_397 : i32
      %rem3A_402 = arith.remsi %add3A_369, %select_n3A_401 : i32
      %ne3A_403 = arith.constant 0 : i32
      %ne3A_404 = arith.cmpi ne, %rem3A_402, %ne3A_403 : i32
      %lt3A_405 = arith.constant 0 : i32
      %lt3A_406 = arith.cmpi slt, %rem3A_402, %lt3A_405 : i32
      %lt3A_407 = arith.constant 0 : i32
      %lt3A_408 = arith.cmpi slt, %select_n3A_401, %lt3A_407 : i32
      %ne3A_409 = arith.xori %lt3A_406, %lt3A_408 : i1
      %and3A_410 = arith.andi %ne3A_409, %ne3A_404 : i1
      %add3A_411 = arith.addi %rem3A_402, %select_n3A_401 : i32
      %select_n3A_412 = arith.select %and3A_410, %add3A_411, %rem3A_402 : i32
      %get3A_413 = arith.index_cast %select_n3A_396 : i32 to index
      %get3A_414 = arith.index_cast %select_n3A_412 : i32 to index
      %get3A_415 = tpu.vector_load %arg9[%get3A_413, %get3A_414] {strides = array<i32>} : memref<48x256xf32, #tpu.memory_space<vmem>>, vector<1x16xf32>,
      %get3A_416 = vector.shape_cast %get3A_415 : vector<1x16xf32> to vector<16xf32>
      %sub3A_417 = arith.subf %get3A_372, %get3A_416 : vector<16xf32>
      %mul3A_418 = arith.mulf %sub3A_417, %sub3A_417 : vector<16xf32>
      %add3A_419 = arith.addf %add3A_363, %mul3A_418 : vector<16xf32>
      %scan3A_420 = arith.constant 4 : i32
      %scan3A_421 = arith.addi %scan3A_196, %scan3A_420 : i32
      %mul3A_422 = arith.constant 16 : i32
      %mul3A_423 = arith.muli %scan3A_421, %mul3A_422 : i32
      %add3A_424 = arith.constant 3072 : i32
      %add3A_425 = arith.addi %add3A_424, %mul3A_423 : i32
      %get3A_426 = arith.index_cast %add3A_425 : i32 to index
      %get3A_427 = tpu.vector_load %arg8[%get3A_426] {strides = array<i32>} : memref<12288xf32, #tpu.memory_space<vmem>>, vector<16xf32>,
      %get3A_428 = vector.shape_cast %get3A_427 : vector<16xf32> to vector<16xf32>
      %jit3A_429 = arith.constant 256 : i32
      %div3A_430 = arith.divsi %add3A_425, %jit3A_429 : i32
      %sign3A_431 = arith.constant 0 : i32
      %sign3A_432 = arith.cmpi sgt, %add3A_425, %sign3A_431 : i32
      %sign3A_433 = arith.extui %sign3A_432 : i1 to i32
      %sign3A_434 = arith.constant 0 : i32
      %sign3A_435 = arith.cmpi slt, %add3A_425, %sign3A_434 : i32
      %sign3A_436 = arith.extui %sign3A_435 : i1 to i32
      %sign3A_437 = arith.subi %sign3A_433, %sign3A_436 : i32
      %sign3A_438 = arith.constant 0 : i32
      %sign3A_439 = arith.cmpi sgt, %jit3A_429, %sign3A_438 : i32
      %sign3A_440 = arith.extui %sign3A_439 : i1 to i32
      %sign3A_441 = arith.constant 0 : i32
      %sign3A_442 = arith.cmpi slt, %jit3A_429, %sign3A_441 : i32
      %sign3A_443 = arith.extui %sign3A_442 : i1 to i32
      %sign3A_444 = arith.subi %sign3A_440, %sign3A_443 : i32
      %ne3A_445 = arith.cmpi ne, %sign3A_437, %sign3A_444 : i32
      %rem3A_446 = arith.remsi %add3A_425, %jit3A_429 : i32
      %ne3A_447 = arith.constant 0 : i32
      %ne3A_448 = arith.cmpi ne, %rem3A_446, %ne3A_447 : i32
      %and3A_449 = arith.andi %ne3A_445, %ne3A_448 : i1
      %sub3A_450 = arith.constant 1 : i32
      %sub3A_451 = arith.subi %div3A_430, %sub3A_450 : i32
      %select_n3A_452 = arith.select %and3A_449, %sub3A_451, %div3A_430 : i32
      %jit3A_453 = arith.constant 256 : i32
      %eq3A_454 = arith.constant 0 : i32
      %eq3A_455 = arith.cmpi eq, %jit3A_453, %eq3A_454 : i32
      %jit3A_456 = arith.constant 1 : i32
      %select_n3A_457 = arith.select %eq3A_455, %jit3A_456, %jit3A_453 : i32
      %rem3A_458 = arith.remsi %add3A_425, %select_n3A_457 : i32
      %ne3A_459 = arith.constant 0 : i32
      %ne3A_460 = arith.cmpi ne, %rem3A_458, %ne3A_459 : i32
      %lt3A_461 = arith.constant 0 : i32
      %lt3A_462 = arith.cmpi slt, %rem3A_458, %lt3A_461 : i32
      %lt3A_463 = arith.constant 0 : i32
      %lt3A_464 = arith.cmpi slt, %select_n3A_457, %lt3A_463 : i32
      %ne3A_465 = arith.xori %lt3A_462, %lt3A_464 : i1
      %and3A_466 = arith.andi %ne3A_465, %ne3A_460 : i1
      %add3A_467 = arith.addi %rem3A_458, %select_n3A_457 : i32
      %select_n3A_468 = arith.select %and3A_466, %add3A_467, %rem3A_458 : i32
      %get3A_469 = arith.index_cast %select_n3A_452 : i32 to index
      %get3A_470 = arith.index_cast %select_n3A_468 : i32 to index
      %get3A_471 = tpu.vector_load %arg9[%get3A_469, %get3A_470] {strides = array<i32>} : memref<48x256xf32, #tpu.memory_space<vmem>>, vector<1x16xf32>,
      %get3A_472 = vector.shape_cast %get3A_471 : vector<1x16xf32> to vector<16xf32>
      %sub3A_473 = arith.subf %get3A_428, %get3A_472 : vector<16xf32>
      %mul3A_474 = arith.mulf %sub3A_473, %sub3A_473 : vector<16xf32>
      %add3A_475 = arith.addf %add3A_419, %mul3A_474 : vector<16xf32>
      %scan3A_476 = arith.constant 5 : i32
      %scan3A_477 = arith.addi %scan3A_196, %scan3A_476 : i32
      %mul3A_478 = arith.constant 16 : i32
      %mul3A_479 = arith.muli %scan3A_477, %mul3A_478 : i32
      %add3A_480 = arith.constant 3072 : i32
      %add3A_481 = arith.addi %add3A_480, %mul3A_479 : i32
      %get3A_482 = arith.index_cast %add3A_481 : i32 to index
      %get3A_483 = tpu.vector_load %arg8[%get3A_482] {strides = array<i32>} : memref<12288xf32, #tpu.memory_space<vmem>>, vector<16xf32>,
      %get3A_484 = vector.shape_cast %get3A_483 : vector<16xf32> to vector<16xf32>
      %jit3A_485 = arith.constant 256 : i32
      %div3A_486 = arith.divsi %add3A_481, %jit3A_485 : i32
      %sign3A_487 = arith.constant 0 : i32
      %sign3A_488 = arith.cmpi sgt, %add3A_481, %sign3A_487 : i32
      %sign3A_489 = arith.extui %sign3A_488 : i1 to i32
      %sign3A_490 = arith.constant 0 : i32
      %sign3A_491 = arith.cmpi slt, %add3A_481, %sign3A_490 : i32
      %sign3A_492 = arith.extui %sign3A_491 : i1 to i32
      %sign3A_493 = arith.subi %sign3A_489, %sign3A_492 : i32
      %sign3A_494 = arith.constant 0 : i32
      %sign3A_495 = arith.cmpi sgt, %jit3A_485, %sign3A_494 : i32
      %sign3A_496 = arith.extui %sign3A_495 : i1 to i32
      %sign3A_497 = arith.constant 0 : i32
      %sign3A_498 = arith.cmpi slt, %jit3A_485, %sign3A_497 : i32
      %sign3A_499 = arith.extui %sign3A_498 : i1 to i32
      %sign3A_500 = arith.subi %sign3A_496, %sign3A_499 : i32
      %ne3A_501 = arith.cmpi ne, %sign3A_493, %sign3A_500 : i32
      %rem3A_502 = arith.remsi %add3A_481, %jit3A_485 : i32
      %ne3A_503 = arith.constant 0 : i32
      %ne3A_504 = arith.cmpi ne, %rem3A_502, %ne3A_503 : i32
      %and3A_505 = arith.andi %ne3A_501, %ne3A_504 : i1
      %sub3A_506 = arith.constant 1 : i32
      %sub3A_507 = arith.subi %div3A_486, %sub3A_506 : i32
      %select_n3A_508 = arith.select %and3A_505, %sub3A_507, %div3A_486 : i32
      %jit3A_509 = arith.constant 256 : i32
      %eq3A_510 = arith.constant 0 : i32
      %eq3A_511 = arith.cmpi eq, %jit3A_509, %eq3A_510 : i32
      %jit3A_512 = arith.constant 1 : i32
      %select_n3A_513 = arith.select %eq3A_511, %jit3A_512, %jit3A_509 : i32
      %rem3A_514 = arith.remsi %add3A_481, %select_n3A_513 : i32
      %ne3A_515 = arith.constant 0 : i32
      %ne3A_516 = arith.cmpi ne, %rem3A_514, %ne3A_515 : i32
      %lt3A_517 = arith.constant 0 : i32
      %lt3A_518 = arith.cmpi slt, %rem3A_514, %lt3A_517 : i32
      %lt3A_519 = arith.constant 0 : i32
      %lt3A_520 = arith.cmpi slt, %select_n3A_513, %lt3A_519 : i32
      %ne3A_521 = arith.xori %lt3A_518, %lt3A_520 : i1
      %and3A_522 = arith.andi %ne3A_521, %ne3A_516 : i1
      %add3A_523 = arith.addi %rem3A_514, %select_n3A_513 : i32
      %select_n3A_524 = arith.select %and3A_522, %add3A_523, %rem3A_514 : i32
      %get3A_525 = arith.index_cast %select_n3A_508 : i32 to index
      %get3A_526 = arith.index_cast %select_n3A_524 : i32 to index
      %get3A_527 = tpu.vector_load %arg9[%get3A_525, %get3A_526] {strides = array<i32>} : memref<48x256xf32, #tpu.memory_space<vmem>>, vector<1x16xf32>,
      %get3A_528 = vector.shape_cast %get3A_527 : vector<1x16xf32> to vector<16xf32>
      %sub3A_529 = arith.subf %get3A_484, %get3A_528 : vector<16xf32>
      %mul3A_530 = arith.mulf %sub3A_529, %sub3A_529 : vector<16xf32>
      %add3A_531 = arith.addf %add3A_475, %mul3A_530 : vector<16xf32>
      %scan3A_532 = arith.constant 6 : i32
      %scan3A_533 = arith.addi %scan3A_196, %scan3A_532 : i32
      %mul3A_534 = arith.constant 16 : i32
      %mul3A_535 = arith.muli %scan3A_533, %mul3A_534 : i32
      %add3A_536 = arith.constant 3072 : i32
      %add3A_537 = arith.addi %add3A_536, %mul3A_535 : i32
      %get3A_538 = arith.index_cast %add3A_537 : i32 to index
      %get3A_539 = tpu.vector_load %arg8[%get3A_538] {strides = array<i32>} : memref<12288xf32, #tpu.memory_space<vmem>>, vector<16xf32>,
      %get3A_540 = vector.shape_cast %get3A_539 : vector<16xf32> to vector<16xf32>
      %jit3A_541 = arith.constant 256 : i32
      %div3A_542 = arith.divsi %add3A_537, %jit3A_541 : i32
      %sign3A_543 = arith.constant 0 : i32
      %sign3A_544 = arith.cmpi sgt, %add3A_537, %sign3A_543 : i32
      %sign3A_545 = arith.extui %sign3A_544 : i1 to i32
      %sign3A_546 = arith.constant 0 : i32
      %sign3A_547 = arith.cmpi slt, %add3A_537, %sign3A_546 : i32
      %sign3A_548 = arith.extui %sign3A_547 : i1 to i32
      %sign3A_549 = arith.subi %sign3A_545, %sign3A_548 : i32
      %sign3A_550 = arith.constant 0 : i32
      %sign3A_551 = arith.cmpi sgt, %jit3A_541, %sign3A_550 : i32
      %sign3A_552 = arith.extui %sign3A_551 : i1 to i32
      %sign3A_553 = arith.constant 0 : i32
      %sign3A_554 = arith.cmpi slt, %jit3A_541, %sign3A_553 : i32
      %sign3A_555 = arith.extui %sign3A_554 : i1 to i32
      %sign3A_556 = arith.subi %sign3A_552, %sign3A_555 : i32
      %ne3A_557 = arith.cmpi ne, %sign3A_549, %sign3A_556 : i32
      %rem3A_558 = arith.remsi %add3A_537, %jit3A_541 : i32
      %ne3A_559 = arith.constant 0 : i32
      %ne3A_560 = arith.cmpi ne, %rem3A_558, %ne3A_559 : i32
      %and3A_561 = arith.andi %ne3A_557, %ne3A_560 : i1
      %sub3A_562 = arith.constant 1 : i32
      %sub3A_563 = arith.subi %div3A_542, %sub3A_562 : i32
      %select_n3A_564 = arith.select %and3A_561, %sub3A_563, %div3A_542 : i32
      %jit3A_565 = arith.constant 256 : i32
      %eq3A_566 = arith.constant 0 : i32
      %eq3A_567 = arith.cmpi eq, %jit3A_565, %eq3A_566 : i32
      %jit3A_568 = arith.constant 1 : i32
      %select_n3A_569 = arith.select %eq3A_567, %jit3A_568, %jit3A_565 : i32
      %rem3A_570 = arith.remsi %add3A_537, %select_n3A_569 : i32
      %ne3A_571 = arith.constant 0 : i32
      %ne3A_572 = arith.cmpi ne, %rem3A_570, %ne3A_571 : i32
      %lt3A_573 = arith.constant 0 : i32
      %lt3A_574 = arith.cmpi slt, %rem3A_570, %lt3A_573 : i32
      %lt3A_575 = arith.constant 0 : i32
      %lt3A_576 = arith.cmpi slt, %select_n3A_569, %lt3A_575 : i32
      %ne3A_577 = arith.xori %lt3A_574, %lt3A_576 : i1
      %and3A_578 = arith.andi %ne3A_577, %ne3A_572 : i1
      %add3A_579 = arith.addi %rem3A_570, %select_n3A_569 : i32
      %select_n3A_580 = arith.select %and3A_578, %add3A_579, %rem3A_570 : i32
      %get3A_581 = arith.index_cast %select_n3A_564 : i32 to index
      %get3A_582 = arith.index_cast %select_n3A_580 : i32 to index
      %get3A_583 = tpu.vector_load %arg9[%get3A_581, %get3A_582] {strides = array<i32>} : memref<48x256xf32, #tpu.memory_space<vmem>>, vector<1x16xf32>,
      %get3A_584 = vector.shape_cast %get3A_583 : vector<1x16xf32> to vector<16xf32>
      %sub3A_585 = arith.subf %get3A_540, %get3A_584 : vector<16xf32>
      %mul3A_586 = arith.mulf %sub3A_585, %sub3A_585 : vector<16xf32>
      %add3A_587 = arith.addf %add3A_531, %mul3A_586 : vector<16xf32>
      %scan3A_588 = arith.constant 7 : i32
      %scan3A_589 = arith.addi %scan3A_196, %scan3A_588 : i32
      %mul3A_590 = arith.constant 16 : i32
      %mul3A_591 = arith.muli %scan3A_589, %mul3A_590 : i32
      %add3A_592 = arith.constant 3072 : i32
      %add3A_593 = arith.addi %add3A_592, %mul3A_591 : i32
      %get3A_594 = arith.index_cast %add3A_593 : i32 to index
      %get3A_595 = tpu.vector_load %arg8[%get3A_594] {strides = array<i32>} : memref<12288xf32, #tpu.memory_space<vmem>>, vector<16xf32>,
      %get3A_596 = vector.shape_cast %get3A_595 : vector<16xf32> to vector<16xf32>
      %jit3A_597 = arith.constant 256 : i32
      %div3A_598 = arith.divsi %add3A_593, %jit3A_597 : i32
      %sign3A_599 = arith.constant 0 : i32
      %sign3A_600 = arith.cmpi sgt, %add3A_593, %sign3A_599 : i32
      %sign3A_601 = arith.extui %sign3A_600 : i1 to i32
      %sign3A_602 = arith.constant 0 : i32
      %sign3A_603 = arith.cmpi slt, %add3A_593, %sign3A_602 : i32
      %sign3A_604 = arith.extui %sign3A_603 : i1 to i32
      %sign3A_605 = arith.subi %sign3A_601, %sign3A_604 : i32
      %sign3A_606 = arith.constant 0 : i32
      %sign3A_607 = arith.cmpi sgt, %jit3A_597, %sign3A_606 : i32
      %sign3A_608 = arith.extui %sign3A_607 : i1 to i32
      %sign3A_609 = arith.constant 0 : i32
      %sign3A_610 = arith.cmpi slt, %jit3A_597, %sign3A_609 : i32
      %sign3A_611 = arith.extui %sign3A_610 : i1 to i32
      %sign3A_612 = arith.subi %sign3A_608, %sign3A_611 : i32
      %ne3A_613 = arith.cmpi ne, %sign3A_605, %sign3A_612 : i32
      %rem3A_614 = arith.remsi %add3A_593, %jit3A_597 : i32
      %ne3A_615 = arith.constant 0 : i32
      %ne3A_616 = arith.cmpi ne, %rem3A_614, %ne3A_615 : i32
      %and3A_617 = arith.andi %ne3A_613, %ne3A_616 : i1
      %sub3A_618 = arith.constant 1 : i32
      %sub3A_619 = arith.subi %div3A_598, %sub3A_618 : i32
      %select_n3A_620 = arith.select %and3A_617, %sub3A_619, %div3A_598 : i32
      %jit3A_621 = arith.constant 256 : i32
      %eq3A_622 = arith.constant 0 : i32
      %eq3A_623 = arith.cmpi eq, %jit3A_621, %eq3A_622 : i32
      %jit3A_624 = arith.constant 1 : i32
      %select_n3A_625 = arith.select %eq3A_623, %jit3A_624, %jit3A_621 : i32
      %rem3A_626 = arith.remsi %add3A_593, %select_n3A_625 : i32
      %ne3A_627 = arith.constant 0 : i32
      %ne3A_628 = arith.cmpi ne, %rem3A_626, %ne3A_627 : i32
      %lt3A_629 = arith.constant 0 : i32
      %lt3A_630 = arith.cmpi slt, %rem3A_626, %lt3A_629 : i32
      %lt3A_631 = arith.constant 0 : i32
      %lt3A_632 = arith.cmpi slt, %select_n3A_625, %lt3A_631 : i32
      %ne3A_633 = arith.xori %lt3A_630, %lt3A_632 : i1
      %and3A_634 = arith.andi %ne3A_633, %ne3A_628 : i1
      %add3A_635 = arith.addi %rem3A_626, %select_n3A_625 : i32
      %select_n3A_636 = arith.select %and3A_634, %add3A_635, %rem3A_626 : i32
      %get3A_637 = arith.index_cast %select_n3A_620 : i32 to index
      %get3A_638 = arith.index_cast %select_n3A_636 : i32 to index
      %get3A_639 = tpu.vector_load %arg9[%get3A_637, %get3A_638] {strides = array<i32>} : memref<48x256xf32, #tpu.memory_space<vmem>>, vector<1x16xf32>,
      %get3A_640 = vector.shape_cast %get3A_639 : vector<1x16xf32> to vector<16xf32>
      %sub3A_641 = arith.subf %get3A_596, %get3A_640 : vector<16xf32>
      %mul3A_642 = arith.mulf %sub3A_641, %sub3A_641 : vector<16xf32>
      %add3A_643 = arith.addf %add3A_587, %mul3A_642 : vector<16xf32>
      scf.yield %add3A_643 : vector<16xf32>
    }
    %scan3A_168 = arith.constant 192 : i32
    %dma_wait3A_169 = arith.constant 6144 : i32
    %dma_wait3A_170 = tpu.memref_slice %arg8[%dma_wait3A_169] : memref<12288xf32, #tpu.memory_space<vmem>> -> memref<3072xf32, #tpu.memory_space<vmem>>
    %dma_wait3A_171 = arith.constant 6144 : i32
    %dma_wait3A_172 = tpu.memref_slice %arg7[%dma_wait3A_171] : memref<12288xi32, #tpu.memory_space<vmem>> -> memref<3072xi32, #tpu.memory_space<vmem>>
    %dma_wait3A_173 = arith.constant 0 : i32
    %dma_wait3A_174 = tpu.memref_slice %arg2[%dma_wait3A_173] : memref<67108864xf32, #tpu.memory_space<hbm>> -> memref<67108864xf32, #tpu.memory_space<hbm>>
    tpu.wait_indirect_dma semaphore(%arg14 : memref<!tpu.dma_semaphore, #tpu.memory_space<semaphore_mem>>) src(%dma_wait3A_174 : memref<67108864xf32, #tpu.memory_space<hbm>>) dst(%dma_wait3A_170 : memref<3072xf32, #tpu.memory_space<vmem>>)
    %scan3A_175 = arith.constant 0 : i32
    %scan3A_176 = arith.constant 192 : i32
    %scan3A_177 = arith.addi %scan3A_175, %scan3A_176 : i32
    %scan3A_178 = arith.constant 8 : i32
    %scan3A_179 = scf.for %scan3A_196 = %scan3A_175 to %scan3A_177 step %scan3A_178 iter_args(%scan3A_197 = %scan3A_167) -> (vector<16xf32>)  : i32 {
      %mul3A_198 = arith.constant 16 : i32
      %mul3A_199 = arith.muli %scan3A_196, %mul3A_198 : i32
      %add3A_200 = arith.constant 6144 : i32
      %add3A_201 = arith.addi %add3A_200, %mul3A_199 : i32
      %get3A_202 = arith.index_cast %add3A_201 : i32 to index
      %get3A_203 = tpu.vector_load %arg8[%get3A_202] {strides = array<i32>} : memref<12288xf32, #tpu.memory_space<vmem>>, vector<16xf32>,
      %get3A_204 = vector.shape_cast %get3A_203 : vector<16xf32> to vector<16xf32>
      %jit3A_205 = arith.constant 256 : i32
      %div3A_206 = arith.divsi %add3A_201, %jit3A_205 : i32
      %sign3A_207 = arith.constant 0 : i32
      %sign3A_208 = arith.cmpi sgt, %add3A_201, %sign3A_207 : i32
      %sign3A_209 = arith.extui %sign3A_208 : i1 to i32
      %sign3A_210 = arith.constant 0 : i32
      %sign3A_211 = arith.cmpi slt, %add3A_201, %sign3A_210 : i32
      %sign3A_212 = arith.extui %sign3A_211 : i1 to i32
      %sign3A_213 = arith.subi %sign3A_209, %sign3A_212 : i32
      %sign3A_214 = arith.constant 0 : i32
      %sign3A_215 = arith.cmpi sgt, %jit3A_205, %sign3A_214 : i32
      %sign3A_216 = arith.extui %sign3A_215 : i1 to i32
      %sign3A_217 = arith.constant 0 : i32
      %sign3A_218 = arith.cmpi slt, %jit3A_205, %sign3A_217 : i32
      %sign3A_219 = arith.extui %sign3A_218 : i1 to i32
      %sign3A_220 = arith.subi %sign3A_216, %sign3A_219 : i32
      %ne3A_221 = arith.cmpi ne, %sign3A_213, %sign3A_220 : i32
      %rem3A_222 = arith.remsi %add3A_201, %jit3A_205 : i32
      %ne3A_223 = arith.constant 0 : i32
      %ne3A_224 = arith.cmpi ne, %rem3A_222, %ne3A_223 : i32
      %and3A_225 = arith.andi %ne3A_221, %ne3A_224 : i1
      %sub3A_226 = arith.constant 1 : i32
      %sub3A_227 = arith.subi %div3A_206, %sub3A_226 : i32
      %select_n3A_228 = arith.select %and3A_225, %sub3A_227, %div3A_206 : i32
      %jit3A_229 = arith.constant 256 : i32
      %eq3A_230 = arith.constant 0 : i32
      %eq3A_231 = arith.cmpi eq, %jit3A_229, %eq3A_230 : i32
      %jit3A_232 = arith.constant 1 : i32
      %select_n3A_233 = arith.select %eq3A_231, %jit3A_232, %jit3A_229 : i32
      %rem3A_234 = arith.remsi %add3A_201, %select_n3A_233 : i32
      %ne3A_235 = arith.constant 0 : i32
      %ne3A_236 = arith.cmpi ne, %rem3A_234, %ne3A_235 : i32
      %lt3A_237 = arith.constant 0 : i32
      %lt3A_238 = arith.cmpi slt, %rem3A_234, %lt3A_237 : i32
      %lt3A_239 = arith.constant 0 : i32
      %lt3A_240 = arith.cmpi slt, %select_n3A_233, %lt3A_239 : i32
      %ne3A_241 = arith.xori %lt3A_238, %lt3A_240 : i1
      %and3A_242 = arith.andi %ne3A_241, %ne3A_236 : i1
      %add3A_243 = arith.addi %rem3A_234, %select_n3A_233 : i32
      %select_n3A_244 = arith.select %and3A_242, %add3A_243, %rem3A_234 : i32
      %get3A_245 = arith.index_cast %select_n3A_228 : i32 to index
      %get3A_246 = arith.index_cast %select_n3A_244 : i32 to index
      %get3A_247 = tpu.vector_load %arg9[%get3A_245, %get3A_246] {strides = array<i32>} : memref<48x256xf32, #tpu.memory_space<vmem>>, vector<1x16xf32>,
      %get3A_248 = vector.shape_cast %get3A_247 : vector<1x16xf32> to vector<16xf32>
      %sub3A_249 = arith.subf %get3A_204, %get3A_248 : vector<16xf32>
      %mul3A_250 = arith.mulf %sub3A_249, %sub3A_249 : vector<16xf32>
      %add3A_251 = arith.addf %scan3A_197, %mul3A_250 : vector<16xf32>
      %scan3A_252 = arith.constant 1 : i32
      %scan3A_253 = arith.addi %scan3A_196, %scan3A_252 : i32
      %mul3A_254 = arith.constant 16 : i32
      %mul3A_255 = arith.muli %scan3A_253, %mul3A_254 : i32
      %add3A_256 = arith.constant 6144 : i32
      %add3A_257 = arith.addi %add3A_256, %mul3A_255 : i32
      %get3A_258 = arith.index_cast %add3A_257 : i32 to index
      %get3A_259 = tpu.vector_load %arg8[%get3A_258] {strides = array<i32>} : memref<12288xf32, #tpu.memory_space<vmem>>, vector<16xf32>,
      %get3A_260 = vector.shape_cast %get3A_259 : vector<16xf32> to vector<16xf32>
      %jit3A_261 = arith.constant 256 : i32
      %div3A_262 = arith.divsi %add3A_257, %jit3A_261 : i32
      %sign3A_263 = arith.constant 0 : i32
      %sign3A_264 = arith.cmpi sgt, %add3A_257, %sign3A_263 : i32
      %sign3A_265 = arith.extui %sign3A_264 : i1 to i32
      %sign3A_266 = arith.constant 0 : i32
      %sign3A_267 = arith.cmpi slt, %add3A_257, %sign3A_266 : i32
      %sign3A_268 = arith.extui %sign3A_267 : i1 to i32
      %sign3A_269 = arith.subi %sign3A_265, %sign3A_268 : i32
      %sign3A_270 = arith.constant 0 : i32
      %sign3A_271 = arith.cmpi sgt, %jit3A_261, %sign3A_270 : i32
      %sign3A_272 = arith.extui %sign3A_271 : i1 to i32
      %sign3A_273 = arith.constant 0 : i32
      %sign3A_274 = arith.cmpi slt, %jit3A_261, %sign3A_273 : i32
      %sign3A_275 = arith.extui %sign3A_274 : i1 to i32
      %sign3A_276 = arith.subi %sign3A_272, %sign3A_275 : i32
      %ne3A_277 = arith.cmpi ne, %sign3A_269, %sign3A_276 : i32
      %rem3A_278 = arith.remsi %add3A_257, %jit3A_261 : i32
      %ne3A_279 = arith.constant 0 : i32
      %ne3A_280 = arith.cmpi ne, %rem3A_278, %ne3A_279 : i32
      %and3A_281 = arith.andi %ne3A_277, %ne3A_280 : i1
      %sub3A_282 = arith.constant 1 : i32
      %sub3A_283 = arith.subi %div3A_262, %sub3A_282 : i32
      %select_n3A_284 = arith.select %and3A_281, %sub3A_283, %div3A_262 : i32
      %jit3A_285 = arith.constant 256 : i32
      %eq3A_286 = arith.constant 0 : i32
      %eq3A_287 = arith.cmpi eq, %jit3A_285, %eq3A_286 : i32
      %jit3A_288 = arith.constant 1 : i32
      %select_n3A_289 = arith.select %eq3A_287, %jit3A_288, %jit3A_285 : i32
      %rem3A_290 = arith.remsi %add3A_257, %select_n3A_289 : i32
      %ne3A_291 = arith.constant 0 : i32
      %ne3A_292 = arith.cmpi ne, %rem3A_290, %ne3A_291 : i32
      %lt3A_293 = arith.constant 0 : i32
      %lt3A_294 = arith.cmpi slt, %rem3A_290, %lt3A_293 : i32
      %lt3A_295 = arith.constant 0 : i32
      %lt3A_296 = arith.cmpi slt, %select_n3A_289, %lt3A_295 : i32
      %ne3A_297 = arith.xori %lt3A_294, %lt3A_296 : i1
      %and3A_298 = arith.andi %ne3A_297, %ne3A_292 : i1
      %add3A_299 = arith.addi %rem3A_290, %select_n3A_289 : i32
      %select_n3A_300 = arith.select %and3A_298, %add3A_299, %rem3A_290 : i32
      %get3A_301 = arith.index_cast %select_n3A_284 : i32 to index
      %get3A_302 = arith.index_cast %select_n3A_300 : i32 to index
      %get3A_303 = tpu.vector_load %arg9[%get3A_301, %get3A_302] {strides = array<i32>} : memref<48x256xf32, #tpu.memory_space<vmem>>, vector<1x16xf32>,
      %get3A_304 = vector.shape_cast %get3A_303 : vector<1x16xf32> to vector<16xf32>
      %sub3A_305 = arith.subf %get3A_260, %get3A_304 : vector<16xf32>
      %mul3A_306 = arith.mulf %sub3A_305, %sub3A_305 : vector<16xf32>
      %add3A_307 = arith.addf %add3A_251, %mul3A_306 : vector<16xf32>
      %scan3A_308 = arith.constant 2 : i32
      %scan3A_309 = arith.addi %scan3A_196, %scan3A_308 : i32
      %mul3A_310 = arith.constant 16 : i32
      %mul3A_311 = arith.muli %scan3A_309, %mul3A_310 : i32
      %add3A_312 = arith.constant 6144 : i32
      %add3A_313 = arith.addi %add3A_312, %mul3A_311 : i32
      %get3A_314 = arith.index_cast %add3A_313 : i32 to index
      %get3A_315 = tpu.vector_load %arg8[%get3A_314] {strides = array<i32>} : memref<12288xf32, #tpu.memory_space<vmem>>, vector<16xf32>,
      %get3A_316 = vector.shape_cast %get3A_315 : vector<16xf32> to vector<16xf32>
      %jit3A_317 = arith.constant 256 : i32
      %div3A_318 = arith.divsi %add3A_313, %jit3A_317 : i32
      %sign3A_319 = arith.constant 0 : i32
      %sign3A_320 = arith.cmpi sgt, %add3A_313, %sign3A_319 : i32
      %sign3A_321 = arith.extui %sign3A_320 : i1 to i32
      %sign3A_322 = arith.constant 0 : i32
      %sign3A_323 = arith.cmpi slt, %add3A_313, %sign3A_322 : i32
      %sign3A_324 = arith.extui %sign3A_323 : i1 to i32
      %sign3A_325 = arith.subi %sign3A_321, %sign3A_324 : i32
      %sign3A_326 = arith.constant 0 : i32
      %sign3A_327 = arith.cmpi sgt, %jit3A_317, %sign3A_326 : i32
      %sign3A_328 = arith.extui %sign3A_327 : i1 to i32
      %sign3A_329 = arith.constant 0 : i32
      %sign3A_330 = arith.cmpi slt, %jit3A_317, %sign3A_329 : i32
      %sign3A_331 = arith.extui %sign3A_330 : i1 to i32
      %sign3A_332 = arith.subi %sign3A_328, %sign3A_331 : i32
      %ne3A_333 = arith.cmpi ne, %sign3A_325, %sign3A_332 : i32
      %rem3A_334 = arith.remsi %add3A_313, %jit3A_317 : i32
      %ne3A_335 = arith.constant 0 : i32
      %ne3A_336 = arith.cmpi ne, %rem3A_334, %ne3A_335 : i32
      %and3A_337 = arith.andi %ne3A_333, %ne3A_336 : i1
      %sub3A_338 = arith.constant 1 : i32
      %sub3A_339 = arith.subi %div3A_318, %sub3A_338 : i32
      %select_n3A_340 = arith.select %and3A_337, %sub3A_339, %div3A_318 : i32
      %jit3A_341 = arith.constant 256 : i32
      %eq3A_342 = arith.constant 0 : i32
      %eq3A_343 = arith.cmpi eq, %jit3A_341, %eq3A_342 : i32
      %jit3A_344 = arith.constant 1 : i32
      %select_n3A_345 = arith.select %eq3A_343, %jit3A_344, %jit3A_341 : i32
      %rem3A_346 = arith.remsi %add3A_313, %select_n3A_345 : i32
      %ne3A_347 = arith.constant 0 : i32
      %ne3A_348 = arith.cmpi ne, %rem3A_346, %ne3A_347 : i32
      %lt3A_349 = arith.constant 0 : i32
      %lt3A_350 = arith.cmpi slt, %rem3A_346, %lt3A_349 : i32
      %lt3A_351 = arith.constant 0 : i32
      %lt3A_352 = arith.cmpi slt, %select_n3A_345, %lt3A_351 : i32
      %ne3A_353 = arith.xori %lt3A_350, %lt3A_352 : i1
      %and3A_354 = arith.andi %ne3A_353, %ne3A_348 : i1
      %add3A_355 = arith.addi %rem3A_346, %select_n3A_345 : i32
      %select_n3A_356 = arith.select %and3A_354, %add3A_355, %rem3A_346 : i32
      %get3A_357 = arith.index_cast %select_n3A_340 : i32 to index
      %get3A_358 = arith.index_cast %select_n3A_356 : i32 to index
      %get3A_359 = tpu.vector_load %arg9[%get3A_357, %get3A_358] {strides = array<i32>} : memref<48x256xf32, #tpu.memory_space<vmem>>, vector<1x16xf32>,
      %get3A_360 = vector.shape_cast %get3A_359 : vector<1x16xf32> to vector<16xf32>
      %sub3A_361 = arith.subf %get3A_316, %get3A_360 : vector<16xf32>
      %mul3A_362 = arith.mulf %sub3A_361, %sub3A_361 : vector<16xf32>
      %add3A_363 = arith.addf %add3A_307, %mul3A_362 : vector<16xf32>
      %scan3A_364 = arith.constant 3 : i32
      %scan3A_365 = arith.addi %scan3A_196, %scan3A_364 : i32
      %mul3A_366 = arith.constant 16 : i32
      %mul3A_367 = arith.muli %scan3A_365, %mul3A_366 : i32
      %add3A_368 = arith.constant 6144 : i32
      %add3A_369 = arith.addi %add3A_368, %mul3A_367 : i32
      %get3A_370 = arith.index_cast %add3A_369 : i32 to index
      %get3A_371 = tpu.vector_load %arg8[%get3A_370] {strides = array<i32>} : memref<12288xf32, #tpu.memory_space<vmem>>, vector<16xf32>,
      %get3A_372 = vector.shape_cast %get3A_371 : vector<16xf32> to vector<16xf32>
      %jit3A_373 = arith.constant 256 : i32
      %div3A_374 = arith.divsi %add3A_369, %jit3A_373 : i32
      %sign3A_375 = arith.constant 0 : i32
      %sign3A_376 = arith.cmpi sgt, %add3A_369, %sign3A_375 : i32
      %sign3A_377 = arith.extui %sign3A_376 : i1 to i32
      %sign3A_378 = arith.constant 0 : i32
      %sign3A_379 = arith.cmpi slt, %add3A_369, %sign3A_378 : i32
      %sign3A_380 = arith.extui %sign3A_379 : i1 to i32
      %sign3A_381 = arith.subi %sign3A_377, %sign3A_380 : i32
      %sign3A_382 = arith.constant 0 : i32
      %sign3A_383 = arith.cmpi sgt, %jit3A_373, %sign3A_382 : i32
      %sign3A_384 = arith.extui %sign3A_383 : i1 to i32
      %sign3A_385 = arith.constant 0 : i32
      %sign3A_386 = arith.cmpi slt, %jit3A_373, %sign3A_385 : i32
      %sign3A_387 = arith.extui %sign3A_386 : i1 to i32
      %sign3A_388 = arith.subi %sign3A_384, %sign3A_387 : i32
      %ne3A_389 = arith.cmpi ne, %sign3A_381, %sign3A_388 : i32
      %rem3A_390 = arith.remsi %add3A_369, %jit3A_373 : i32
      %ne3A_391 = arith.constant 0 : i32
      %ne3A_392 = arith.cmpi ne, %rem3A_390, %ne3A_391 : i32
      %and3A_393 = arith.andi %ne3A_389, %ne3A_392 : i1
      %sub3A_394 = arith.constant 1 : i32
      %sub3A_395 = arith.subi %div3A_374, %sub3A_394 : i32
      %select_n3A_396 = arith.select %and3A_393, %sub3A_395, %div3A_374 : i32
      %jit3A_397 = arith.constant 256 : i32
      %eq3A_398 = arith.constant 0 : i32
      %eq3A_399 = arith.cmpi eq, %jit3A_397, %eq3A_398 : i32
      %jit3A_400 = arith.constant 1 : i32
      %select_n3A_401 = arith.select %eq3A_399, %jit3A_400, %jit3A_397 : i32
      %rem3A_402 = arith.remsi %add3A_369, %select_n3A_401 : i32
      %ne3A_403 = arith.constant 0 : i32
      %ne3A_404 = arith.cmpi ne, %rem3A_402, %ne3A_403 : i32
      %lt3A_405 = arith.constant 0 : i32
      %lt3A_406 = arith.cmpi slt, %rem3A_402, %lt3A_405 : i32
      %lt3A_407 = arith.constant 0 : i32
      %lt3A_408 = arith.cmpi slt, %select_n3A_401, %lt3A_407 : i32
      %ne3A_409 = arith.xori %lt3A_406, %lt3A_408 : i1
      %and3A_410 = arith.andi %ne3A_409, %ne3A_404 : i1
      %add3A_411 = arith.addi %rem3A_402, %select_n3A_401 : i32
      %select_n3A_412 = arith.select %and3A_410, %add3A_411, %rem3A_402 : i32
      %get3A_413 = arith.index_cast %select_n3A_396 : i32 to index
      %get3A_414 = arith.index_cast %select_n3A_412 : i32 to index
      %get3A_415 = tpu.vector_load %arg9[%get3A_413, %get3A_414] {strides = array<i32>} : memref<48x256xf32, #tpu.memory_space<vmem>>, vector<1x16xf32>,
      %get3A_416 = vector.shape_cast %get3A_415 : vector<1x16xf32> to vector<16xf32>
      %sub3A_417 = arith.subf %get3A_372, %get3A_416 : vector<16xf32>
      %mul3A_418 = arith.mulf %sub3A_417, %sub3A_417 : vector<16xf32>
      %add3A_419 = arith.addf %add3A_363, %mul3A_418 : vector<16xf32>
      %scan3A_420 = arith.constant 4 : i32
      %scan3A_421 = arith.addi %scan3A_196, %scan3A_420 : i32
      %mul3A_422 = arith.constant 16 : i32
      %mul3A_423 = arith.muli %scan3A_421, %mul3A_422 : i32
      %add3A_424 = arith.constant 6144 : i32
      %add3A_425 = arith.addi %add3A_424, %mul3A_423 : i32
      %get3A_426 = arith.index_cast %add3A_425 : i32 to index
      %get3A_427 = tpu.vector_load %arg8[%get3A_426] {strides = array<i32>} : memref<12288xf32, #tpu.memory_space<vmem>>, vector<16xf32>,
      %get3A_428 = vector.shape_cast %get3A_427 : vector<16xf32> to vector<16xf32>
      %jit3A_429 = arith.constant 256 : i32
      %div3A_430 = arith.divsi %add3A_425, %jit3A_429 : i32
      %sign3A_431 = arith.constant 0 : i32
      %sign3A_432 = arith.cmpi sgt, %add3A_425, %sign3A_431 : i32
      %sign3A_433 = arith.extui %sign3A_432 : i1 to i32
      %sign3A_434 = arith.constant 0 : i32
      %sign3A_435 = arith.cmpi slt, %add3A_425, %sign3A_434 : i32
      %sign3A_436 = arith.extui %sign3A_435 : i1 to i32
      %sign3A_437 = arith.subi %sign3A_433, %sign3A_436 : i32
      %sign3A_438 = arith.constant 0 : i32
      %sign3A_439 = arith.cmpi sgt, %jit3A_429, %sign3A_438 : i32
      %sign3A_440 = arith.extui %sign3A_439 : i1 to i32
      %sign3A_441 = arith.constant 0 : i32
      %sign3A_442 = arith.cmpi slt, %jit3A_429, %sign3A_441 : i32
      %sign3A_443 = arith.extui %sign3A_442 : i1 to i32
      %sign3A_444 = arith.subi %sign3A_440, %sign3A_443 : i32
      %ne3A_445 = arith.cmpi ne, %sign3A_437, %sign3A_444 : i32
      %rem3A_446 = arith.remsi %add3A_425, %jit3A_429 : i32
      %ne3A_447 = arith.constant 0 : i32
      %ne3A_448 = arith.cmpi ne, %rem3A_446, %ne3A_447 : i32
      %and3A_449 = arith.andi %ne3A_445, %ne3A_448 : i1
      %sub3A_450 = arith.constant 1 : i32
      %sub3A_451 = arith.subi %div3A_430, %sub3A_450 : i32
      %select_n3A_452 = arith.select %and3A_449, %sub3A_451, %div3A_430 : i32
      %jit3A_453 = arith.constant 256 : i32
      %eq3A_454 = arith.constant 0 : i32
      %eq3A_455 = arith.cmpi eq, %jit3A_453, %eq3A_454 : i32
      %jit3A_456 = arith.constant 1 : i32
      %select_n3A_457 = arith.select %eq3A_455, %jit3A_456, %jit3A_453 : i32
      %rem3A_458 = arith.remsi %add3A_425, %select_n3A_457 : i32
      %ne3A_459 = arith.constant 0 : i32
      %ne3A_460 = arith.cmpi ne, %rem3A_458, %ne3A_459 : i32
      %lt3A_461 = arith.constant 0 : i32
      %lt3A_462 = arith.cmpi slt, %rem3A_458, %lt3A_461 : i32
      %lt3A_463 = arith.constant 0 : i32
      %lt3A_464 = arith.cmpi slt, %select_n3A_457, %lt3A_463 : i32
      %ne3A_465 = arith.xori %lt3A_462, %lt3A_464 : i1
      %and3A_466 = arith.andi %ne3A_465, %ne3A_460 : i1
      %add3A_467 = arith.addi %rem3A_458, %select_n3A_457 : i32
      %select_n3A_468 = arith.select %and3A_466, %add3A_467, %rem3A_458 : i32
      %get3A_469 = arith.index_cast %select_n3A_452 : i32 to index
      %get3A_470 = arith.index_cast %select_n3A_468 : i32 to index
      %get3A_471 = tpu.vector_load %arg9[%get3A_469, %get3A_470] {strides = array<i32>} : memref<48x256xf32, #tpu.memory_space<vmem>>, vector<1x16xf32>,
      %get3A_472 = vector.shape_cast %get3A_471 : vector<1x16xf32> to vector<16xf32>
      %sub3A_473 = arith.subf %get3A_428, %get3A_472 : vector<16xf32>
      %mul3A_474 = arith.mulf %sub3A_473, %sub3A_473 : vector<16xf32>
      %add3A_475 = arith.addf %add3A_419, %mul3A_474 : vector<16xf32>
      %scan3A_476 = arith.constant 5 : i32
      %scan3A_477 = arith.addi %scan3A_196, %scan3A_476 : i32
      %mul3A_478 = arith.constant 16 : i32
      %mul3A_479 = arith.muli %scan3A_477, %mul3A_478 : i32
      %add3A_480 = arith.constant 6144 : i32
      %add3A_481 = arith.addi %add3A_480, %mul3A_479 : i32
      %get3A_482 = arith.index_cast %add3A_481 : i32 to index
      %get3A_483 = tpu.vector_load %arg8[%get3A_482] {strides = array<i32>} : memref<12288xf32, #tpu.memory_space<vmem>>, vector<16xf32>,
      %get3A_484 = vector.shape_cast %get3A_483 : vector<16xf32> to vector<16xf32>
      %jit3A_485 = arith.constant 256 : i32
      %div3A_486 = arith.divsi %add3A_481, %jit3A_485 : i32
      %sign3A_487 = arith.constant 0 : i32
      %sign3A_488 = arith.cmpi sgt, %add3A_481, %sign3A_487 : i32
      %sign3A_489 = arith.extui %sign3A_488 : i1 to i32
      %sign3A_490 = arith.constant 0 : i32
      %sign3A_491 = arith.cmpi slt, %add3A_481, %sign3A_490 : i32
      %sign3A_492 = arith.extui %sign3A_491 : i1 to i32
      %sign3A_493 = arith.subi %sign3A_489, %sign3A_492 : i32
      %sign3A_494 = arith.constant 0 : i32
      %sign3A_495 = arith.cmpi sgt, %jit3A_485, %sign3A_494 : i32
      %sign3A_496 = arith.extui %sign3A_495 : i1 to i32
      %sign3A_497 = arith.constant 0 : i32
      %sign3A_498 = arith.cmpi slt, %jit3A_485, %sign3A_497 : i32
      %sign3A_499 = arith.extui %sign3A_498 : i1 to i32
      %sign3A_500 = arith.subi %sign3A_496, %sign3A_499 : i32
      %ne3A_501 = arith.cmpi ne, %sign3A_493, %sign3A_500 : i32
      %rem3A_502 = arith.remsi %add3A_481, %jit3A_485 : i32
      %ne3A_503 = arith.constant 0 : i32
      %ne3A_504 = arith.cmpi ne, %rem3A_502, %ne3A_503 : i32
      %and3A_505 = arith.andi %ne3A_501, %ne3A_504 : i1
      %sub3A_506 = arith.constant 1 : i32
      %sub3A_507 = arith.subi %div3A_486, %sub3A_506 : i32
      %select_n3A_508 = arith.select %and3A_505, %sub3A_507, %div3A_486 : i32
      %jit3A_509 = arith.constant 256 : i32
      %eq3A_510 = arith.constant 0 : i32
      %eq3A_511 = arith.cmpi eq, %jit3A_509, %eq3A_510 : i32
      %jit3A_512 = arith.constant 1 : i32
      %select_n3A_513 = arith.select %eq3A_511, %jit3A_512, %jit3A_509 : i32
      %rem3A_514 = arith.remsi %add3A_481, %select_n3A_513 : i32
      %ne3A_515 = arith.constant 0 : i32
      %ne3A_516 = arith.cmpi ne, %rem3A_514, %ne3A_515 : i32
      %lt3A_517 = arith.constant 0 : i32
      %lt3A_518 = arith.cmpi slt, %rem3A_514, %lt3A_517 : i32
      %lt3A_519 = arith.constant 0 : i32
      %lt3A_520 = arith.cmpi slt, %select_n3A_513, %lt3A_519 : i32
      %ne3A_521 = arith.xori %lt3A_518, %lt3A_520 : i1
      %and3A_522 = arith.andi %ne3A_521, %ne3A_516 : i1
      %add3A_523 = arith.addi %rem3A_514, %select_n3A_513 : i32
      %select_n3A_524 = arith.select %and3A_522, %add3A_523, %rem3A_514 : i32
      %get3A_525 = arith.index_cast %select_n3A_508 : i32 to index
      %get3A_526 = arith.index_cast %select_n3A_524 : i32 to index
      %get3A_527 = tpu.vector_load %arg9[%get3A_525, %get3A_526] {strides = array<i32>} : memref<48x256xf32, #tpu.memory_space<vmem>>, vector<1x16xf32>,
      %get3A_528 = vector.shape_cast %get3A_527 : vector<1x16xf32> to vector<16xf32>
      %sub3A_529 = arith.subf %get3A_484, %get3A_528 : vector<16xf32>
      %mul3A_530 = arith.mulf %sub3A_529, %sub3A_529 : vector<16xf32>
      %add3A_531 = arith.addf %add3A_475, %mul3A_530 : vector<16xf32>
      %scan3A_532 = arith.constant 6 : i32
      %scan3A_533 = arith.addi %scan3A_196, %scan3A_532 : i32
      %mul3A_534 = arith.constant 16 : i32
      %mul3A_535 = arith.muli %scan3A_533, %mul3A_534 : i32
      %add3A_536 = arith.constant 6144 : i32
      %add3A_537 = arith.addi %add3A_536, %mul3A_535 : i32
      %get3A_538 = arith.index_cast %add3A_537 : i32 to index
      %get3A_539 = tpu.vector_load %arg8[%get3A_538] {strides = array<i32>} : memref<12288xf32, #tpu.memory_space<vmem>>, vector<16xf32>,
      %get3A_540 = vector.shape_cast %get3A_539 : vector<16xf32> to vector<16xf32>
      %jit3A_541 = arith.constant 256 : i32
      %div3A_542 = arith.divsi %add3A_537, %jit3A_541 : i32
      %sign3A_543 = arith.constant 0 : i32
      %sign3A_544 = arith.cmpi sgt, %add3A_537, %sign3A_543 : i32
      %sign3A_545 = arith.extui %sign3A_544 : i1 to i32
      %sign3A_546 = arith.constant 0 : i32
      %sign3A_547 = arith.cmpi slt, %add3A_537, %sign3A_546 : i32
      %sign3A_548 = arith.extui %sign3A_547 : i1 to i32
      %sign3A_549 = arith.subi %sign3A_545, %sign3A_548 : i32
      %sign3A_550 = arith.constant 0 : i32
      %sign3A_551 = arith.cmpi sgt, %jit3A_541, %sign3A_550 : i32
      %sign3A_552 = arith.extui %sign3A_551 : i1 to i32
      %sign3A_553 = arith.constant 0 : i32
      %sign3A_554 = arith.cmpi slt, %jit3A_541, %sign3A_553 : i32
      %sign3A_555 = arith.extui %sign3A_554 : i1 to i32
      %sign3A_556 = arith.subi %sign3A_552, %sign3A_555 : i32
      %ne3A_557 = arith.cmpi ne, %sign3A_549, %sign3A_556 : i32
      %rem3A_558 = arith.remsi %add3A_537, %jit3A_541 : i32
      %ne3A_559 = arith.constant 0 : i32
      %ne3A_560 = arith.cmpi ne, %rem3A_558, %ne3A_559 : i32
      %and3A_561 = arith.andi %ne3A_557, %ne3A_560 : i1
      %sub3A_562 = arith.constant 1 : i32
      %sub3A_563 = arith.subi %div3A_542, %sub3A_562 : i32
      %select_n3A_564 = arith.select %and3A_561, %sub3A_563, %div3A_542 : i32
      %jit3A_565 = arith.constant 256 : i32
      %eq3A_566 = arith.constant 0 : i32
      %eq3A_567 = arith.cmpi eq, %jit3A_565, %eq3A_566 : i32
      %jit3A_568 = arith.constant 1 : i32
      %select_n3A_569 = arith.select %eq3A_567, %jit3A_568, %jit3A_565 : i32
      %rem3A_570 = arith.remsi %add3A_537, %select_n3A_569 : i32
      %ne3A_571 = arith.constant 0 : i32
      %ne3A_572 = arith.cmpi ne, %rem3A_570, %ne3A_571 : i32
      %lt3A_573 = arith.constant 0 : i32
      %lt3A_574 = arith.cmpi slt, %rem3A_570, %lt3A_573 : i32
      %lt3A_575 = arith.constant 0 : i32
      %lt3A_576 = arith.cmpi slt, %select_n3A_569, %lt3A_575 : i32
      %ne3A_577 = arith.xori %lt3A_574, %lt3A_576 : i1
      %and3A_578 = arith.andi %ne3A_577, %ne3A_572 : i1
      %add3A_579 = arith.addi %rem3A_570, %select_n3A_569 : i32
      %select_n3A_580 = arith.select %and3A_578, %add3A_579, %rem3A_570 : i32
      %get3A_581 = arith.index_cast %select_n3A_564 : i32 to index
      %get3A_582 = arith.index_cast %select_n3A_580 : i32 to index
      %get3A_583 = tpu.vector_load %arg9[%get3A_581, %get3A_582] {strides = array<i32>} : memref<48x256xf32, #tpu.memory_space<vmem>>, vector<1x16xf32>,
      %get3A_584 = vector.shape_cast %get3A_583 : vector<1x16xf32> to vector<16xf32>
      %sub3A_585 = arith.subf %get3A_540, %get3A_584 : vector<16xf32>
      %mul3A_586 = arith.mulf %sub3A_585, %sub3A_585 : vector<16xf32>
      %add3A_587 = arith.addf %add3A_531, %mul3A_586 : vector<16xf32>
      %scan3A_588 = arith.constant 7 : i32
      %scan3A_589 = arith.addi %scan3A_196, %scan3A_588 : i32
      %mul3A_590 = arith.constant 16 : i32
      %mul3A_591 = arith.muli %scan3A_589, %mul3A_590 : i32
      %add3A_592 = arith.constant 6144 : i32
      %add3A_593 = arith.addi %add3A_592, %mul3A_591 : i32
      %get3A_594 = arith.index_cast %add3A_593 : i32 to index
      %get3A_595 = tpu.vector_load %arg8[%get3A_594] {strides = array<i32>} : memref<12288xf32, #tpu.memory_space<vmem>>, vector<16xf32>,
      %get3A_596 = vector.shape_cast %get3A_595 : vector<16xf32> to vector<16xf32>
      %jit3A_597 = arith.constant 256 : i32
      %div3A_598 = arith.divsi %add3A_593, %jit3A_597 : i32
      %sign3A_599 = arith.constant 0 : i32
      %sign3A_600 = arith.cmpi sgt, %add3A_593, %sign3A_599 : i32
      %sign3A_601 = arith.extui %sign3A_600 : i1 to i32
      %sign3A_602 = arith.constant 0 : i32
      %sign3A_603 = arith.cmpi slt, %add3A_593, %sign3A_602 : i32
      %sign3A_604 = arith.extui %sign3A_603 : i1 to i32
      %sign3A_605 = arith.subi %sign3A_601, %sign3A_604 : i32
      %sign3A_606 = arith.constant 0 : i32
      %sign3A_607 = arith.cmpi sgt, %jit3A_597, %sign3A_606 : i32
      %sign3A_608 = arith.extui %sign3A_607 : i1 to i32
      %sign3A_609 = arith.constant 0 : i32
      %sign3A_610 = arith.cmpi slt, %jit3A_597, %sign3A_609 : i32
      %sign3A_611 = arith.extui %sign3A_610 : i1 to i32
      %sign3A_612 = arith.subi %sign3A_608, %sign3A_611 : i32
      %ne3A_613 = arith.cmpi ne, %sign3A_605, %sign3A_612 : i32
      %rem3A_614 = arith.remsi %add3A_593, %jit3A_597 : i32
      %ne3A_615 = arith.constant 0 : i32
      %ne3A_616 = arith.cmpi ne, %rem3A_614, %ne3A_615 : i32
      %and3A_617 = arith.andi %ne3A_613, %ne3A_616 : i1
      %sub3A_618 = arith.constant 1 : i32
      %sub3A_619 = arith.subi %div3A_598, %sub3A_618 : i32
      %select_n3A_620 = arith.select %and3A_617, %sub3A_619, %div3A_598 : i32
      %jit3A_621 = arith.constant 256 : i32
      %eq3A_622 = arith.constant 0 : i32
      %eq3A_623 = arith.cmpi eq, %jit3A_621, %eq3A_622 : i32
      %jit3A_624 = arith.constant 1 : i32
      %select_n3A_625 = arith.select %eq3A_623, %jit3A_624, %jit3A_621 : i32
      %rem3A_626 = arith.remsi %add3A_593, %select_n3A_625 : i32
      %ne3A_627 = arith.constant 0 : i32
      %ne3A_628 = arith.cmpi ne, %rem3A_626, %ne3A_627 : i32
      %lt3A_629 = arith.constant 0 : i32
      %lt3A_630 = arith.cmpi slt, %rem3A_626, %lt3A_629 : i32
      %lt3A_631 = arith.constant 0 : i32
      %lt3A_632 = arith.cmpi slt, %select_n3A_625, %lt3A_631 : i32
      %ne3A_633 = arith.xori %lt3A_630, %lt3A_632 : i1
      %and3A_634 = arith.andi %ne3A_633, %ne3A_628 : i1
      %add3A_635 = arith.addi %rem3A_626, %select_n3A_625 : i32
      %select_n3A_636 = arith.select %and3A_634, %add3A_635, %rem3A_626 : i32
      %get3A_637 = arith.index_cast %select_n3A_620 : i32 to index
      %get3A_638 = arith.index_cast %select_n3A_636 : i32 to index
      %get3A_639 = tpu.vector_load %arg9[%get3A_637, %get3A_638] {strides = array<i32>} : memref<48x256xf32, #tpu.memory_space<vmem>>, vector<1x16xf32>,
      %get3A_640 = vector.shape_cast %get3A_639 : vector<1x16xf32> to vector<16xf32>
      %sub3A_641 = arith.subf %get3A_596, %get3A_640 : vector<16xf32>
      %mul3A_642 = arith.mulf %sub3A_641, %sub3A_641 : vector<16xf32>
      %add3A_643 = arith.addf %add3A_587, %mul3A_642 : vector<16xf32>
      scf.yield %add3A_643 : vector<16xf32>
    }
    %scan3A_180 = arith.constant 192 : i32
    %dma_wait3A_181 = arith.constant 9216 : i32
    %dma_wait3A_182 = tpu.memref_slice %arg8[%dma_wait3A_181] : memref<12288xf32, #tpu.memory_space<vmem>> -> memref<3072xf32, #tpu.memory_space<vmem>>
    %dma_wait3A_183 = arith.constant 9216 : i32
    %dma_wait3A_184 = tpu.memref_slice %arg7[%dma_wait3A_183] : memref<12288xi32, #tpu.memory_space<vmem>> -> memref<3072xi32, #tpu.memory_space<vmem>>
    %dma_wait3A_185 = arith.constant 0 : i32
    %dma_wait3A_186 = tpu.memref_slice %arg2[%dma_wait3A_185] : memref<67108864xf32, #tpu.memory_space<hbm>> -> memref<67108864xf32, #tpu.memory_space<hbm>>
    tpu.wait_indirect_dma semaphore(%arg15 : memref<!tpu.dma_semaphore, #tpu.memory_space<semaphore_mem>>) src(%dma_wait3A_186 : memref<67108864xf32, #tpu.memory_space<hbm>>) dst(%dma_wait3A_182 : memref<3072xf32, #tpu.memory_space<vmem>>)
    %scan3A_187 = arith.constant 0 : i32
    %scan3A_188 = arith.constant 192 : i32
    %scan3A_189 = arith.addi %scan3A_187, %scan3A_188 : i32
    %scan3A_190 = arith.constant 8 : i32
    %scan3A_191 = scf.for %scan3A_196 = %scan3A_187 to %scan3A_189 step %scan3A_190 iter_args(%scan3A_197 = %scan3A_179) -> (vector<16xf32>)  : i32 {
      %mul3A_198 = arith.constant 16 : i32
      %mul3A_199 = arith.muli %scan3A_196, %mul3A_198 : i32
      %add3A_200 = arith.constant 9216 : i32
      %add3A_201 = arith.addi %add3A_200, %mul3A_199 : i32
      %get3A_202 = arith.index_cast %add3A_201 : i32 to index
      %get3A_203 = tpu.vector_load %arg8[%get3A_202] {strides = array<i32>} : memref<12288xf32, #tpu.memory_space<vmem>>, vector<16xf32>,
      %get3A_204 = vector.shape_cast %get3A_203 : vector<16xf32> to vector<16xf32>
      %jit3A_205 = arith.constant 256 : i32
      %div3A_206 = arith.divsi %add3A_201, %jit3A_205 : i32
      %sign3A_207 = arith.constant 0 : i32
      %sign3A_208 = arith.cmpi sgt, %add3A_201, %sign3A_207 : i32
      %sign3A_209 = arith.extui %sign3A_208 : i1 to i32
      %sign3A_210 = arith.constant 0 : i32
      %sign3A_211 = arith.cmpi slt, %add3A_201, %sign3A_210 : i32
      %sign3A_212 = arith.extui %sign3A_211 : i1 to i32
      %sign3A_213 = arith.subi %sign3A_209, %sign3A_212 : i32
      %sign3A_214 = arith.constant 0 : i32
      %sign3A_215 = arith.cmpi sgt, %jit3A_205, %sign3A_214 : i32
      %sign3A_216 = arith.extui %sign3A_215 : i1 to i32
      %sign3A_217 = arith.constant 0 : i32
      %sign3A_218 = arith.cmpi slt, %jit3A_205, %sign3A_217 : i32
      %sign3A_219 = arith.extui %sign3A_218 : i1 to i32
      %sign3A_220 = arith.subi %sign3A_216, %sign3A_219 : i32
      %ne3A_221 = arith.cmpi ne, %sign3A_213, %sign3A_220 : i32
      %rem3A_222 = arith.remsi %add3A_201, %jit3A_205 : i32
      %ne3A_223 = arith.constant 0 : i32
      %ne3A_224 = arith.cmpi ne, %rem3A_222, %ne3A_223 : i32
      %and3A_225 = arith.andi %ne3A_221, %ne3A_224 : i1
      %sub3A_226 = arith.constant 1 : i32
      %sub3A_227 = arith.subi %div3A_206, %sub3A_226 : i32
      %select_n3A_228 = arith.select %and3A_225, %sub3A_227, %div3A_206 : i32
      %jit3A_229 = arith.constant 256 : i32
      %eq3A_230 = arith.constant 0 : i32
      %eq3A_231 = arith.cmpi eq, %jit3A_229, %eq3A_230 : i32
      %jit3A_232 = arith.constant 1 : i32
      %select_n3A_233 = arith.select %eq3A_231, %jit3A_232, %jit3A_229 : i32
      %rem3A_234 = arith.remsi %add3A_201, %select_n3A_233 : i32
      %ne3A_235 = arith.constant 0 : i32
      %ne3A_236 = arith.cmpi ne, %rem3A_234, %ne3A_235 : i32
      %lt3A_237 = arith.constant 0 : i32
      %lt3A_238 = arith.cmpi slt, %rem3A_234, %lt3A_237 : i32
      %lt3A_239 = arith.constant 0 : i32
      %lt3A_240 = arith.cmpi slt, %select_n3A_233, %lt3A_239 : i32
      %ne3A_241 = arith.xori %lt3A_238, %lt3A_240 : i1
      %and3A_242 = arith.andi %ne3A_241, %ne3A_236 : i1
      %add3A_243 = arith.addi %rem3A_234, %select_n3A_233 : i32
      %select_n3A_244 = arith.select %and3A_242, %add3A_243, %rem3A_234 : i32
      %get3A_245 = arith.index_cast %select_n3A_228 : i32 to index
      %get3A_246 = arith.index_cast %select_n3A_244 : i32 to index
      %get3A_247 = tpu.vector_load %arg9[%get3A_245, %get3A_246] {strides = array<i32>} : memref<48x256xf32, #tpu.memory_space<vmem>>, vector<1x16xf32>,
      %get3A_248 = vector.shape_cast %get3A_247 : vector<1x16xf32> to vector<16xf32>
      %sub3A_249 = arith.subf %get3A_204, %get3A_248 : vector<16xf32>
      %mul3A_250 = arith.mulf %sub3A_249, %sub3A_249 : vector<16xf32>
      %add3A_251 = arith.addf %scan3A_197, %mul3A_250 : vector<16xf32>
      %scan3A_252 = arith.constant 1 : i32
      %scan3A_253 = arith.addi %scan3A_196, %scan3A_252 : i32
      %mul3A_254 = arith.constant 16 : i32
      %mul3A_255 = arith.muli %scan3A_253, %mul3A_254 : i32
      %add3A_256 = arith.constant 9216 : i32
      %add3A_257 = arith.addi %add3A_256, %mul3A_255 : i32
      %get3A_258 = arith.index_cast %add3A_257 : i32 to index
      %get3A_259 = tpu.vector_load %arg8[%get3A_258] {strides = array<i32>} : memref<12288xf32, #tpu.memory_space<vmem>>, vector<16xf32>,
      %get3A_260 = vector.shape_cast %get3A_259 : vector<16xf32> to vector<16xf32>
      %jit3A_261 = arith.constant 256 : i32
      %div3A_262 = arith.divsi %add3A_257, %jit3A_261 : i32
      %sign3A_263 = arith.constant 0 : i32
      %sign3A_264 = arith.cmpi sgt, %add3A_257, %sign3A_263 : i32
      %sign3A_265 = arith.extui %sign3A_264 : i1 to i32
      %sign3A_266 = arith.constant 0 : i32
      %sign3A_267 = arith.cmpi slt, %add3A_257, %sign3A_266 : i32
      %sign3A_268 = arith.extui %sign3A_267 : i1 to i32
      %sign3A_269 = arith.subi %sign3A_265, %sign3A_268 : i32
      %sign3A_270 = arith.constant 0 : i32
      %sign3A_271 = arith.cmpi sgt, %jit3A_261, %sign3A_270 : i32
      %sign3A_272 = arith.extui %sign3A_271 : i1 to i32
      %sign3A_273 = arith.constant 0 : i32
      %sign3A_274 = arith.cmpi slt, %jit3A_261, %sign3A_273 : i32
      %sign3A_275 = arith.extui %sign3A_274 : i1 to i32
      %sign3A_276 = arith.subi %sign3A_272, %sign3A_275 : i32
      %ne3A_277 = arith.cmpi ne, %sign3A_269, %sign3A_276 : i32
      %rem3A_278 = arith.remsi %add3A_257, %jit3A_261 : i32
      %ne3A_279 = arith.constant 0 : i32
      %ne3A_280 = arith.cmpi ne, %rem3A_278, %ne3A_279 : i32
      %and3A_281 = arith.andi %ne3A_277, %ne3A_280 : i1
      %sub3A_282 = arith.constant 1 : i32
      %sub3A_283 = arith.subi %div3A_262, %sub3A_282 : i32
      %select_n3A_284 = arith.select %and3A_281, %sub3A_283, %div3A_262 : i32
      %jit3A_285 = arith.constant 256 : i32
      %eq3A_286 = arith.constant 0 : i32
      %eq3A_287 = arith.cmpi eq, %jit3A_285, %eq3A_286 : i32
      %jit3A_288 = arith.constant 1 : i32
      %select_n3A_289 = arith.select %eq3A_287, %jit3A_288, %jit3A_285 : i32
      %rem3A_290 = arith.remsi %add3A_257, %select_n3A_289 : i32
      %ne3A_291 = arith.constant 0 : i32
      %ne3A_292 = arith.cmpi ne, %rem3A_290, %ne3A_291 : i32
      %lt3A_293 = arith.constant 0 : i32
      %lt3A_294 = arith.cmpi slt, %rem3A_290, %lt3A_293 : i32
      %lt3A_295 = arith.constant 0 : i32
      %lt3A_296 = arith.cmpi slt, %select_n3A_289, %lt3A_295 : i32
      %ne3A_297 = arith.xori %lt3A_294, %lt3A_296 : i1
      %and3A_298 = arith.andi %ne3A_297, %ne3A_292 : i1
      %add3A_299 = arith.addi %rem3A_290, %select_n3A_289 : i32
      %select_n3A_300 = arith.select %and3A_298, %add3A_299, %rem3A_290 : i32
      %get3A_301 = arith.index_cast %select_n3A_284 : i32 to index
      %get3A_302 = arith.index_cast %select_n3A_300 : i32 to index
      %get3A_303 = tpu.vector_load %arg9[%get3A_301, %get3A_302] {strides = array<i32>} : memref<48x256xf32, #tpu.memory_space<vmem>>, vector<1x16xf32>,
      %get3A_304 = vector.shape_cast %get3A_303 : vector<1x16xf32> to vector<16xf32>
      %sub3A_305 = arith.subf %get3A_260, %get3A_304 : vector<16xf32>
      %mul3A_306 = arith.mulf %sub3A_305, %sub3A_305 : vector<16xf32>
      %add3A_307 = arith.addf %add3A_251, %mul3A_306 : vector<16xf32>
      %scan3A_308 = arith.constant 2 : i32
      %scan3A_309 = arith.addi %scan3A_196, %scan3A_308 : i32
      %mul3A_310 = arith.constant 16 : i32
      %mul3A_311 = arith.muli %scan3A_309, %mul3A_310 : i32
      %add3A_312 = arith.constant 9216 : i32
      %add3A_313 = arith.addi %add3A_312, %mul3A_311 : i32
      %get3A_314 = arith.index_cast %add3A_313 : i32 to index
      %get3A_315 = tpu.vector_load %arg8[%get3A_314] {strides = array<i32>} : memref<12288xf32, #tpu.memory_space<vmem>>, vector<16xf32>,
      %get3A_316 = vector.shape_cast %get3A_315 : vector<16xf32> to vector<16xf32>
      %jit3A_317 = arith.constant 256 : i32
      %div3A_318 = arith.divsi %add3A_313, %jit3A_317 : i32
      %sign3A_319 = arith.constant 0 : i32
      %sign3A_320 = arith.cmpi sgt, %add3A_313, %sign3A_319 : i32
      %sign3A_321 = arith.extui %sign3A_320 : i1 to i32
      %sign3A_322 = arith.constant 0 : i32
      %sign3A_323 = arith.cmpi slt, %add3A_313, %sign3A_322 : i32
      %sign3A_324 = arith.extui %sign3A_323 : i1 to i32
      %sign3A_325 = arith.subi %sign3A_321, %sign3A_324 : i32
      %sign3A_326 = arith.constant 0 : i32
      %sign3A_327 = arith.cmpi sgt, %jit3A_317, %sign3A_326 : i32
      %sign3A_328 = arith.extui %sign3A_327 : i1 to i32
      %sign3A_329 = arith.constant 0 : i32
      %sign3A_330 = arith.cmpi slt, %jit3A_317, %sign3A_329 : i32
      %sign3A_331 = arith.extui %sign3A_330 : i1 to i32
      %sign3A_332 = arith.subi %sign3A_328, %sign3A_331 : i32
      %ne3A_333 = arith.cmpi ne, %sign3A_325, %sign3A_332 : i32
      %rem3A_334 = arith.remsi %add3A_313, %jit3A_317 : i32
      %ne3A_335 = arith.constant 0 : i32
      %ne3A_336 = arith.cmpi ne, %rem3A_334, %ne3A_335 : i32
      %and3A_337 = arith.andi %ne3A_333, %ne3A_336 : i1
      %sub3A_338 = arith.constant 1 : i32
      %sub3A_339 = arith.subi %div3A_318, %sub3A_338 : i32
      %select_n3A_340 = arith.select %and3A_337, %sub3A_339, %div3A_318 : i32
      %jit3A_341 = arith.constant 256 : i32
      %eq3A_342 = arith.constant 0 : i32
      %eq3A_343 = arith.cmpi eq, %jit3A_341, %eq3A_342 : i32
      %jit3A_344 = arith.constant 1 : i32
      %select_n3A_345 = arith.select %eq3A_343, %jit3A_344, %jit3A_341 : i32
      %rem3A_346 = arith.remsi %add3A_313, %select_n3A_345 : i32
      %ne3A_347 = arith.constant 0 : i32
      %ne3A_348 = arith.cmpi ne, %rem3A_346, %ne3A_347 : i32
      %lt3A_349 = arith.constant 0 : i32
      %lt3A_350 = arith.cmpi slt, %rem3A_346, %lt3A_349 : i32
      %lt3A_351 = arith.constant 0 : i32
      %lt3A_352 = arith.cmpi slt, %select_n3A_345, %lt3A_351 : i32
      %ne3A_353 = arith.xori %lt3A_350, %lt3A_352 : i1
      %and3A_354 = arith.andi %ne3A_353, %ne3A_348 : i1
      %add3A_355 = arith.addi %rem3A_346, %select_n3A_345 : i32
      %select_n3A_356 = arith.select %and3A_354, %add3A_355, %rem3A_346 : i32
      %get3A_357 = arith.index_cast %select_n3A_340 : i32 to index
      %get3A_358 = arith.index_cast %select_n3A_356 : i32 to index
      %get3A_359 = tpu.vector_load %arg9[%get3A_357, %get3A_358] {strides = array<i32>} : memref<48x256xf32, #tpu.memory_space<vmem>>, vector<1x16xf32>,
      %get3A_360 = vector.shape_cast %get3A_359 : vector<1x16xf32> to vector<16xf32>
      %sub3A_361 = arith.subf %get3A_316, %get3A_360 : vector<16xf32>
      %mul3A_362 = arith.mulf %sub3A_361, %sub3A_361 : vector<16xf32>
      %add3A_363 = arith.addf %add3A_307, %mul3A_362 : vector<16xf32>
      %scan3A_364 = arith.constant 3 : i32
      %scan3A_365 = arith.addi %scan3A_196, %scan3A_364 : i32
      %mul3A_366 = arith.constant 16 : i32
      %mul3A_367 = arith.muli %scan3A_365, %mul3A_366 : i32
      %add3A_368 = arith.constant 9216 : i32
      %add3A_369 = arith.addi %add3A_368, %mul3A_367 : i32
      %get3A_370 = arith.index_cast %add3A_369 : i32 to index
      %get3A_371 = tpu.vector_load %arg8[%get3A_370] {strides = array<i32>} : memref<12288xf32, #tpu.memory_space<vmem>>, vector<16xf32>,
      %get3A_372 = vector.shape_cast %get3A_371 : vector<16xf32> to vector<16xf32>
      %jit3A_373 = arith.constant 256 : i32
      %div3A_374 = arith.divsi %add3A_369, %jit3A_373 : i32
      %sign3A_375 = arith.constant 0 : i32
      %sign3A_376 = arith.cmpi sgt, %add3A_369, %sign3A_375 : i32
      %sign3A_377 = arith.extui %sign3A_376 : i1 to i32
      %sign3A_378 = arith.constant 0 : i32
      %sign3A_379 = arith.cmpi slt, %add3A_369, %sign3A_378 : i32
      %sign3A_380 = arith.extui %sign3A_379 : i1 to i32
      %sign3A_381 = arith.subi %sign3A_377, %sign3A_380 : i32
      %sign3A_382 = arith.constant 0 : i32
      %sign3A_383 = arith.cmpi sgt, %jit3A_373, %sign3A_382 : i32
      %sign3A_384 = arith.extui %sign3A_383 : i1 to i32
      %sign3A_385 = arith.constant 0 : i32
      %sign3A_386 = arith.cmpi slt, %jit3A_373, %sign3A_385 : i32
      %sign3A_387 = arith.extui %sign3A_386 : i1 to i32
      %sign3A_388 = arith.subi %sign3A_384, %sign3A_387 : i32
      %ne3A_389 = arith.cmpi ne, %sign3A_381, %sign3A_388 : i32
      %rem3A_390 = arith.remsi %add3A_369, %jit3A_373 : i32
      %ne3A_391 = arith.constant 0 : i32
      %ne3A_392 = arith.cmpi ne, %rem3A_390, %ne3A_391 : i32
      %and3A_393 = arith.andi %ne3A_389, %ne3A_392 : i1
      %sub3A_394 = arith.constant 1 : i32
      %sub3A_395 = arith.subi %div3A_374, %sub3A_394 : i32
      %select_n3A_396 = arith.select %and3A_393, %sub3A_395, %div3A_374 : i32
      %jit3A_397 = arith.constant 256 : i32
      %eq3A_398 = arith.constant 0 : i32
      %eq3A_399 = arith.cmpi eq, %jit3A_397, %eq3A_398 : i32
      %jit3A_400 = arith.constant 1 : i32
      %select_n3A_401 = arith.select %eq3A_399, %jit3A_400, %jit3A_397 : i32
      %rem3A_402 = arith.remsi %add3A_369, %select_n3A_401 : i32
      %ne3A_403 = arith.constant 0 : i32
      %ne3A_404 = arith.cmpi ne, %rem3A_402, %ne3A_403 : i32
      %lt3A_405 = arith.constant 0 : i32
      %lt3A_406 = arith.cmpi slt, %rem3A_402, %lt3A_405 : i32
      %lt3A_407 = arith.constant 0 : i32
      %lt3A_408 = arith.cmpi slt, %select_n3A_401, %lt3A_407 : i32
      %ne3A_409 = arith.xori %lt3A_406, %lt3A_408 : i1
      %and3A_410 = arith.andi %ne3A_409, %ne3A_404 : i1
      %add3A_411 = arith.addi %rem3A_402, %select_n3A_401 : i32
      %select_n3A_412 = arith.select %and3A_410, %add3A_411, %rem3A_402 : i32
      %get3A_413 = arith.index_cast %select_n3A_396 : i32 to index
      %get3A_414 = arith.index_cast %select_n3A_412 : i32 to index
      %get3A_415 = tpu.vector_load %arg9[%get3A_413, %get3A_414] {strides = array<i32>} : memref<48x256xf32, #tpu.memory_space<vmem>>, vector<1x16xf32>,
      %get3A_416 = vector.shape_cast %get3A_415 : vector<1x16xf32> to vector<16xf32>
      %sub3A_417 = arith.subf %get3A_372, %get3A_416 : vector<16xf32>
      %mul3A_418 = arith.mulf %sub3A_417, %sub3A_417 : vector<16xf32>
      %add3A_419 = arith.addf %add3A_363, %mul3A_418 : vector<16xf32>
      %scan3A_420 = arith.constant 4 : i32
      %scan3A_421 = arith.addi %scan3A_196, %scan3A_420 : i32
      %mul3A_422 = arith.constant 16 : i32
      %mul3A_423 = arith.muli %scan3A_421, %mul3A_422 : i32
      %add3A_424 = arith.constant 9216 : i32
      %add3A_425 = arith.addi %add3A_424, %mul3A_423 : i32
      %get3A_426 = arith.index_cast %add3A_425 : i32 to index
      %get3A_427 = tpu.vector_load %arg8[%get3A_426] {strides = array<i32>} : memref<12288xf32, #tpu.memory_space<vmem>>, vector<16xf32>,
      %get3A_428 = vector.shape_cast %get3A_427 : vector<16xf32> to vector<16xf32>
      %jit3A_429 = arith.constant 256 : i32
      %div3A_430 = arith.divsi %add3A_425, %jit3A_429 : i32
      %sign3A_431 = arith.constant 0 : i32
      %sign3A_432 = arith.cmpi sgt, %add3A_425, %sign3A_431 : i32
      %sign3A_433 = arith.extui %sign3A_432 : i1 to i32
      %sign3A_434 = arith.constant 0 : i32
      %sign3A_435 = arith.cmpi slt, %add3A_425, %sign3A_434 : i32
      %sign3A_436 = arith.extui %sign3A_435 : i1 to i32
      %sign3A_437 = arith.subi %sign3A_433, %sign3A_436 : i32
      %sign3A_438 = arith.constant 0 : i32
      %sign3A_439 = arith.cmpi sgt, %jit3A_429, %sign3A_438 : i32
      %sign3A_440 = arith.extui %sign3A_439 : i1 to i32
      %sign3A_441 = arith.constant 0 : i32
      %sign3A_442 = arith.cmpi slt, %jit3A_429, %sign3A_441 : i32
      %sign3A_443 = arith.extui %sign3A_442 : i1 to i32
      %sign3A_444 = arith.subi %sign3A_440, %sign3A_443 : i32
      %ne3A_445 = arith.cmpi ne, %sign3A_437, %sign3A_444 : i32
      %rem3A_446 = arith.remsi %add3A_425, %jit3A_429 : i32
      %ne3A_447 = arith.constant 0 : i32
      %ne3A_448 = arith.cmpi ne, %rem3A_446, %ne3A_447 : i32
      %and3A_449 = arith.andi %ne3A_445, %ne3A_448 : i1
      %sub3A_450 = arith.constant 1 : i32
      %sub3A_451 = arith.subi %div3A_430, %sub3A_450 : i32
      %select_n3A_452 = arith.select %and3A_449, %sub3A_451, %div3A_430 : i32
      %jit3A_453 = arith.constant 256 : i32
      %eq3A_454 = arith.constant 0 : i32
      %eq3A_455 = arith.cmpi eq, %jit3A_453, %eq3A_454 : i32
      %jit3A_456 = arith.constant 1 : i32
      %select_n3A_457 = arith.select %eq3A_455, %jit3A_456, %jit3A_453 : i32
      %rem3A_458 = arith.remsi %add3A_425, %select_n3A_457 : i32
      %ne3A_459 = arith.constant 0 : i32
      %ne3A_460 = arith.cmpi ne, %rem3A_458, %ne3A_459 : i32
      %lt3A_461 = arith.constant 0 : i32
      %lt3A_462 = arith.cmpi slt, %rem3A_458, %lt3A_461 : i32
      %lt3A_463 = arith.constant 0 : i32
      %lt3A_464 = arith.cmpi slt, %select_n3A_457, %lt3A_463 : i32
      %ne3A_465 = arith.xori %lt3A_462, %lt3A_464 : i1
      %and3A_466 = arith.andi %ne3A_465, %ne3A_460 : i1
      %add3A_467 = arith.addi %rem3A_458, %select_n3A_457 : i32
      %select_n3A_468 = arith.select %and3A_466, %add3A_467, %rem3A_458 : i32
      %get3A_469 = arith.index_cast %select_n3A_452 : i32 to index
      %get3A_470 = arith.index_cast %select_n3A_468 : i32 to index
      %get3A_471 = tpu.vector_load %arg9[%get3A_469, %get3A_470] {strides = array<i32>} : memref<48x256xf32, #tpu.memory_space<vmem>>, vector<1x16xf32>,
      %get3A_472 = vector.shape_cast %get3A_471 : vector<1x16xf32> to vector<16xf32>
      %sub3A_473 = arith.subf %get3A_428, %get3A_472 : vector<16xf32>
      %mul3A_474 = arith.mulf %sub3A_473, %sub3A_473 : vector<16xf32>
      %add3A_475 = arith.addf %add3A_419, %mul3A_474 : vector<16xf32>
      %scan3A_476 = arith.constant 5 : i32
      %scan3A_477 = arith.addi %scan3A_196, %scan3A_476 : i32
      %mul3A_478 = arith.constant 16 : i32
      %mul3A_479 = arith.muli %scan3A_477, %mul3A_478 : i32
      %add3A_480 = arith.constant 9216 : i32
      %add3A_481 = arith.addi %add3A_480, %mul3A_479 : i32
      %get3A_482 = arith.index_cast %add3A_481 : i32 to index
      %get3A_483 = tpu.vector_load %arg8[%get3A_482] {strides = array<i32>} : memref<12288xf32, #tpu.memory_space<vmem>>, vector<16xf32>,
      %get3A_484 = vector.shape_cast %get3A_483 : vector<16xf32> to vector<16xf32>
      %jit3A_485 = arith.constant 256 : i32
      %div3A_486 = arith.divsi %add3A_481, %jit3A_485 : i32
      %sign3A_487 = arith.constant 0 : i32
      %sign3A_488 = arith.cmpi sgt, %add3A_481, %sign3A_487 : i32
      %sign3A_489 = arith.extui %sign3A_488 : i1 to i32
      %sign3A_490 = arith.constant 0 : i32
      %sign3A_491 = arith.cmpi slt, %add3A_481, %sign3A_490 : i32
      %sign3A_492 = arith.extui %sign3A_491 : i1 to i32
      %sign3A_493 = arith.subi %sign3A_489, %sign3A_492 : i32
      %sign3A_494 = arith.constant 0 : i32
      %sign3A_495 = arith.cmpi sgt, %jit3A_485, %sign3A_494 : i32
      %sign3A_496 = arith.extui %sign3A_495 : i1 to i32
      %sign3A_497 = arith.constant 0 : i32
      %sign3A_498 = arith.cmpi slt, %jit3A_485, %sign3A_497 : i32
      %sign3A_499 = arith.extui %sign3A_498 : i1 to i32
      %sign3A_500 = arith.subi %sign3A_496, %sign3A_499 : i32
      %ne3A_501 = arith.cmpi ne, %sign3A_493, %sign3A_500 : i32
      %rem3A_502 = arith.remsi %add3A_481, %jit3A_485 : i32
      %ne3A_503 = arith.constant 0 : i32
      %ne3A_504 = arith.cmpi ne, %rem3A_502, %ne3A_503 : i32
      %and3A_505 = arith.andi %ne3A_501, %ne3A_504 : i1
      %sub3A_506 = arith.constant 1 : i32
      %sub3A_507 = arith.subi %div3A_486, %sub3A_506 : i32
      %select_n3A_508 = arith.select %and3A_505, %sub3A_507, %div3A_486 : i32
      %jit3A_509 = arith.constant 256 : i32
      %eq3A_510 = arith.constant 0 : i32
      %eq3A_511 = arith.cmpi eq, %jit3A_509, %eq3A_510 : i32
      %jit3A_512 = arith.constant 1 : i32
      %select_n3A_513 = arith.select %eq3A_511, %jit3A_512, %jit3A_509 : i32
      %rem3A_514 = arith.remsi %add3A_481, %select_n3A_513 : i32
      %ne3A_515 = arith.constant 0 : i32
      %ne3A_516 = arith.cmpi ne, %rem3A_514, %ne3A_515 : i32
      %lt3A_517 = arith.constant 0 : i32
      %lt3A_518 = arith.cmpi slt, %rem3A_514, %lt3A_517 : i32
      %lt3A_519 = arith.constant 0 : i32
      %lt3A_520 = arith.cmpi slt, %select_n3A_513, %lt3A_519 : i32
      %ne3A_521 = arith.xori %lt3A_518, %lt3A_520 : i1
      %and3A_522 = arith.andi %ne3A_521, %ne3A_516 : i1
      %add3A_523 = arith.addi %rem3A_514, %select_n3A_513 : i32
      %select_n3A_524 = arith.select %and3A_522, %add3A_523, %rem3A_514 : i32
      %get3A_525 = arith.index_cast %select_n3A_508 : i32 to index
      %get3A_526 = arith.index_cast %select_n3A_524 : i32 to index
      %get3A_527 = tpu.vector_load %arg9[%get3A_525, %get3A_526] {strides = array<i32>} : memref<48x256xf32, #tpu.memory_space<vmem>>, vector<1x16xf32>,
      %get3A_528 = vector.shape_cast %get3A_527 : vector<1x16xf32> to vector<16xf32>
      %sub3A_529 = arith.subf %get3A_484, %get3A_528 : vector<16xf32>
      %mul3A_530 = arith.mulf %sub3A_529, %sub3A_529 : vector<16xf32>
      %add3A_531 = arith.addf %add3A_475, %mul3A_530 : vector<16xf32>
      %scan3A_532 = arith.constant 6 : i32
      %scan3A_533 = arith.addi %scan3A_196, %scan3A_532 : i32
      %mul3A_534 = arith.constant 16 : i32
      %mul3A_535 = arith.muli %scan3A_533, %mul3A_534 : i32
      %add3A_536 = arith.constant 9216 : i32
      %add3A_537 = arith.addi %add3A_536, %mul3A_535 : i32
      %get3A_538 = arith.index_cast %add3A_537 : i32 to index
      %get3A_539 = tpu.vector_load %arg8[%get3A_538] {strides = array<i32>} : memref<12288xf32, #tpu.memory_space<vmem>>, vector<16xf32>,
      %get3A_540 = vector.shape_cast %get3A_539 : vector<16xf32> to vector<16xf32>
      %jit3A_541 = arith.constant 256 : i32
      %div3A_542 = arith.divsi %add3A_537, %jit3A_541 : i32
      %sign3A_543 = arith.constant 0 : i32
      %sign3A_544 = arith.cmpi sgt, %add3A_537, %sign3A_543 : i32
      %sign3A_545 = arith.extui %sign3A_544 : i1 to i32
      %sign3A_546 = arith.constant 0 : i32
      %sign3A_547 = arith.cmpi slt, %add3A_537, %sign3A_546 : i32
      %sign3A_548 = arith.extui %sign3A_547 : i1 to i32
      %sign3A_549 = arith.subi %sign3A_545, %sign3A_548 : i32
      %sign3A_550 = arith.constant 0 : i32
      %sign3A_551 = arith.cmpi sgt, %jit3A_541, %sign3A_550 : i32
      %sign3A_552 = arith.extui %sign3A_551 : i1 to i32
      %sign3A_553 = arith.constant 0 : i32
      %sign3A_554 = arith.cmpi slt, %jit3A_541, %sign3A_553 : i32
      %sign3A_555 = arith.extui %sign3A_554 : i1 to i32
      %sign3A_556 = arith.subi %sign3A_552, %sign3A_555 : i32
      %ne3A_557 = arith.cmpi ne, %sign3A_549, %sign3A_556 : i32
      %rem3A_558 = arith.remsi %add3A_537, %jit3A_541 : i32
      %ne3A_559 = arith.constant 0 : i32
      %ne3A_560 = arith.cmpi ne, %rem3A_558, %ne3A_559 : i32
      %and3A_561 = arith.andi %ne3A_557, %ne3A_560 : i1
      %sub3A_562 = arith.constant 1 : i32
      %sub3A_563 = arith.subi %div3A_542, %sub3A_562 : i32
      %select_n3A_564 = arith.select %and3A_561, %sub3A_563, %div3A_542 : i32
      %jit3A_565 = arith.constant 256 : i32
      %eq3A_566 = arith.constant 0 : i32
      %eq3A_567 = arith.cmpi eq, %jit3A_565, %eq3A_566 : i32
      %jit3A_568 = arith.constant 1 : i32
      %select_n3A_569 = arith.select %eq3A_567, %jit3A_568, %jit3A_565 : i32
      %rem3A_570 = arith.remsi %add3A_537, %select_n3A_569 : i32
      %ne3A_571 = arith.constant 0 : i32
      %ne3A_572 = arith.cmpi ne, %rem3A_570, %ne3A_571 : i32
      %lt3A_573 = arith.constant 0 : i32
      %lt3A_574 = arith.cmpi slt, %rem3A_570, %lt3A_573 : i32
      %lt3A_575 = arith.constant 0 : i32
      %lt3A_576 = arith.cmpi slt, %select_n3A_569, %lt3A_575 : i32
      %ne3A_577 = arith.xori %lt3A_574, %lt3A_576 : i1
      %and3A_578 = arith.andi %ne3A_577, %ne3A_572 : i1
      %add3A_579 = arith.addi %rem3A_570, %select_n3A_569 : i32
      %select_n3A_580 = arith.select %and3A_578, %add3A_579, %rem3A_570 : i32
      %get3A_581 = arith.index_cast %select_n3A_564 : i32 to index
      %get3A_582 = arith.index_cast %select_n3A_580 : i32 to index
      %get3A_583 = tpu.vector_load %arg9[%get3A_581, %get3A_582] {strides = array<i32>} : memref<48x256xf32, #tpu.memory_space<vmem>>, vector<1x16xf32>,
      %get3A_584 = vector.shape_cast %get3A_583 : vector<1x16xf32> to vector<16xf32>
      %sub3A_585 = arith.subf %get3A_540, %get3A_584 : vector<16xf32>
      %mul3A_586 = arith.mulf %sub3A_585, %sub3A_585 : vector<16xf32>
      %add3A_587 = arith.addf %add3A_531, %mul3A_586 : vector<16xf32>
      %scan3A_588 = arith.constant 7 : i32
      %scan3A_589 = arith.addi %scan3A_196, %scan3A_588 : i32
      %mul3A_590 = arith.constant 16 : i32
      %mul3A_591 = arith.muli %scan3A_589, %mul3A_590 : i32
      %add3A_592 = arith.constant 9216 : i32
      %add3A_593 = arith.addi %add3A_592, %mul3A_591 : i32
      %get3A_594 = arith.index_cast %add3A_593 : i32 to index
      %get3A_595 = tpu.vector_load %arg8[%get3A_594] {strides = array<i32>} : memref<12288xf32, #tpu.memory_space<vmem>>, vector<16xf32>,
      %get3A_596 = vector.shape_cast %get3A_595 : vector<16xf32> to vector<16xf32>
      %jit3A_597 = arith.constant 256 : i32
      %div3A_598 = arith.divsi %add3A_593, %jit3A_597 : i32
      %sign3A_599 = arith.constant 0 : i32
      %sign3A_600 = arith.cmpi sgt, %add3A_593, %sign3A_599 : i32
      %sign3A_601 = arith.extui %sign3A_600 : i1 to i32
      %sign3A_602 = arith.constant 0 : i32
      %sign3A_603 = arith.cmpi slt, %add3A_593, %sign3A_602 : i32
      %sign3A_604 = arith.extui %sign3A_603 : i1 to i32
      %sign3A_605 = arith.subi %sign3A_601, %sign3A_604 : i32
      %sign3A_606 = arith.constant 0 : i32
      %sign3A_607 = arith.cmpi sgt, %jit3A_597, %sign3A_606 : i32
      %sign3A_608 = arith.extui %sign3A_607 : i1 to i32
      %sign3A_609 = arith.constant 0 : i32
      %sign3A_610 = arith.cmpi slt, %jit3A_597, %sign3A_609 : i32
      %sign3A_611 = arith.extui %sign3A_610 : i1 to i32
      %sign3A_612 = arith.subi %sign3A_608, %sign3A_611 : i32
      %ne3A_613 = arith.cmpi ne, %sign3A_605, %sign3A_612 : i32
      %rem3A_614 = arith.remsi %add3A_593, %jit3A_597 : i32
      %ne3A_615 = arith.constant 0 : i32
      %ne3A_616 = arith.cmpi ne, %rem3A_614, %ne3A_615 : i32
      %and3A_617 = arith.andi %ne3A_613, %ne3A_616 : i1
      %sub3A_618 = arith.constant 1 : i32
      %sub3A_619 = arith.subi %div3A_598, %sub3A_618 : i32
      %select_n3A_620 = arith.select %and3A_617, %sub3A_619, %div3A_598 : i32
      %jit3A_621 = arith.constant 256 : i32
      %eq3A_622 = arith.constant 0 : i32
      %eq3A_623 = arith.cmpi eq, %jit3A_621, %eq3A_622 : i32
      %jit3A_624 = arith.constant 1 : i32
      %select_n3A_625 = arith.select %eq3A_623, %jit3A_624, %jit3A_621 : i32
      %rem3A_626 = arith.remsi %add3A_593, %select_n3A_625 : i32
      %ne3A_627 = arith.constant 0 : i32
      %ne3A_628 = arith.cmpi ne, %rem3A_626, %ne3A_627 : i32
      %lt3A_629 = arith.constant 0 : i32
      %lt3A_630 = arith.cmpi slt, %rem3A_626, %lt3A_629 : i32
      %lt3A_631 = arith.constant 0 : i32
      %lt3A_632 = arith.cmpi slt, %select_n3A_625, %lt3A_631 : i32
      %ne3A_633 = arith.xori %lt3A_630, %lt3A_632 : i1
      %and3A_634 = arith.andi %ne3A_633, %ne3A_628 : i1
      %add3A_635 = arith.addi %rem3A_626, %select_n3A_625 : i32
      %select_n3A_636 = arith.select %and3A_634, %add3A_635, %rem3A_626 : i32
      %get3A_637 = arith.index_cast %select_n3A_620 : i32 to index
      %get3A_638 = arith.index_cast %select_n3A_636 : i32 to index
      %get3A_639 = tpu.vector_load %arg9[%get3A_637, %get3A_638] {strides = array<i32>} : memref<48x256xf32, #tpu.memory_space<vmem>>, vector<1x16xf32>,
      %get3A_640 = vector.shape_cast %get3A_639 : vector<1x16xf32> to vector<16xf32>
      %sub3A_641 = arith.subf %get3A_596, %get3A_640 : vector<16xf32>
      %mul3A_642 = arith.mulf %sub3A_641, %sub3A_641 : vector<16xf32>
      %add3A_643 = arith.addf %add3A_587, %mul3A_642 : vector<16xf32>
      scf.yield %add3A_643 : vector<16xf32>
    }
    %scan3A_192 = arith.constant 192 : i32
    %swap3A = arith.constant 0 : index
    %swap3A_193 = tpu.vector_load %arg10[%swap3A] {strides = array<i32>} : memref<16xf32, #tpu.memory_space<vmem>>, vector<16xf32>,
    %swap3A_194 = vector.shape_cast %swap3A_193 : vector<16xf32> to vector<16xf32>
    %swap3A_195 = vector.shape_cast %scan3A_191 : vector<16xf32> to vector<16xf32>
    tpu.vector_store %arg10[%swap3A], %swap3A_195 {strides = array<i32>} : memref<16xf32, #tpu.memory_space<vmem>>, vector<16xf32>,
    "tpu.region"() ({
      %run_scoped3A = tpu.sem_alloc : memref<!tpu.dma_semaphore, #tpu.memory_space<semaphore_mem>>
      %dma_start3A_196 = arith.constant 0 : i32
      %dma_start3A_197 = tpu.memref_slice %arg5[%add3A, %dma_start3A_196] : memref<32x16xf32, #tpu.memory_space<hbm>> -> memref<1x16xf32, #tpu.memory_space<hbm>>
      %dma_start3A_198 = tpu.memref_squeeze %dma_start3A_197 : memref<1x16xf32, #tpu.memory_space<hbm>> -> memref<16xf32, #tpu.memory_space<hbm>>
      %dma_start3A_199 = arith.constant 0 : i32
      %dma_start3A_200 = tpu.memref_slice %arg5[%add3A, %dma_start3A_199] : memref<32x16xf32, #tpu.memory_space<hbm>> -> memref<1x16xf32, #tpu.memory_space<hbm>>
      %dma_start3A_201 = tpu.memref_squeeze %dma_start3A_200 : memref<1x16xf32, #tpu.memory_space<hbm>> -> memref<16xf32, #tpu.memory_space<hbm>>
      tpu.enqueue_dma source(%arg10 : memref<16xf32, #tpu.memory_space<vmem>>) target(%dma_start3A_201 : memref<16xf32, #tpu.memory_space<hbm>>) target_semaphore(%run_scoped3A : memref<!tpu.dma_semaphore, #tpu.memory_space<semaphore_mem>>)
      %dma_wait3A_202 = arith.constant 0 : i32
      %dma_wait3A_203 = tpu.memref_slice %arg5[%add3A, %dma_wait3A_202] : memref<32x16xf32, #tpu.memory_space<hbm>> -> memref<1x16xf32, #tpu.memory_space<hbm>>
      %dma_wait3A_204 = tpu.memref_squeeze %dma_wait3A_203 : memref<1x16xf32, #tpu.memory_space<hbm>> -> memref<16xf32, #tpu.memory_space<hbm>>
      %dma_wait3A_205 = arith.constant 0 : i32
      %dma_wait3A_206 = tpu.memref_slice %arg5[%add3A, %dma_wait3A_205] : memref<32x16xf32, #tpu.memory_space<hbm>> -> memref<1x16xf32, #tpu.memory_space<hbm>>
      %dma_wait3A_207 = tpu.memref_squeeze %dma_wait3A_206 : memref<1x16xf32, #tpu.memory_space<hbm>> -> memref<16xf32, #tpu.memory_space<hbm>>
      tpu.wait_dma2 semaphore(%run_scoped3A : memref<!tpu.dma_semaphore, #tpu.memory_space<semaphore_mem>>) src(%arg10 : memref<16xf32, #tpu.memory_space<vmem>>) dst(%dma_wait3A_207 : memref<16xf32, #tpu.memory_space<hbm>>)
      tpu.yield
    }) : () -> ()
    return
  }
}

module attributes {stable_mosaic.version = 14 : i64} {
  func.func @_tc_body(%arg0: i32, %arg1: memref<8xi32, #tpu.memory_space<smem>>, %arg2: memref<1x32x256x128xf32, #tpu.memory_space<vmem>>, %arg3: memref<1x32x256xf32, #tpu.memory_space<vmem>>, %arg4: memref<1x1xf32, #tpu.memory_space<smem>>) attributes {dimension_semantics = [#tpu.dimension_semantics<arbitrary>], iteration_bounds = array<i64: 16>, scalar_prefetch = 1 : i64, scratch_operands = 0 : i64, tpu.core_type = #tpu.core_type<tc>, window_params = [{transform_indices = @transform_0, window_bounds = array<i64: 1, 32, 256, 128>}, {transform_indices = @transform_1, window_bounds = array<i64: 1, 32, 256>}, {transform_indices = @transform_2, window_bounds = array<i64: 1, 1>}]} {
    %jit3A = arith.constant 2 : i32
    %div3A = arith.divsi %arg0, %jit3A : i32
    %sign3A = arith.constant 0 : i32
    %sign3A_0 = arith.cmpi sgt, %arg0, %sign3A : i32
    %sign3A_1 = arith.extui %sign3A_0 : i1 to i32
    %sign3A_2 = arith.constant 0 : i32
    %sign3A_3 = arith.cmpi slt, %arg0, %sign3A_2 : i32
    %sign3A_4 = arith.extui %sign3A_3 : i1 to i32
    %sign3A_5 = arith.subi %sign3A_1, %sign3A_4 : i32
    %sign3A_6 = arith.constant 0 : i32
    %sign3A_7 = arith.cmpi sgt, %jit3A, %sign3A_6 : i32
    %sign3A_8 = arith.extui %sign3A_7 : i1 to i32
    %sign3A_9 = arith.constant 0 : i32
    %sign3A_10 = arith.cmpi slt, %jit3A, %sign3A_9 : i32
    %sign3A_11 = arith.extui %sign3A_10 : i1 to i32
    %sign3A_12 = arith.subi %sign3A_8, %sign3A_11 : i32
    %ne3A = arith.cmpi ne, %sign3A_5, %sign3A_12 : i32
    %rem3A = arith.remsi %arg0, %jit3A : i32
    %ne3A_13 = arith.constant 0 : i32
    %ne3A_14 = arith.cmpi ne, %rem3A, %ne3A_13 : i32
    %and3A = arith.andi %ne3A, %ne3A_14 : i1
    %sub3A = arith.constant 1 : i32
    %sub3A_15 = arith.subi %div3A, %sub3A : i32
    %select_n3A = arith.select %and3A, %sub3A_15, %div3A : i32
    %get3A = arith.index_cast %select_n3A : i32 to index
    %get3A_16 = memref.load %arg1[%get3A] : memref<8xi32, #tpu.memory_space<smem>>
    %get3A_17 = arith.constant 0 : index
    %get3A_18 = arith.constant 0 : index
    %get3A_19 = arith.constant 0 : index
    %get3A_20 = arith.constant 0 : index
    %get3A_21 = vector.load %arg2[%get3A_17, %get3A_18, %get3A_19, %get3A_20] : memref<1x32x256x128xf32, #tpu.memory_space<vmem>>, vector<1x32x256x128xf32>
    %get3A_22 = vector.shape_cast %get3A_21 : vector<1x32x256x128xf32> to vector<32x256x128xf32>
    %iota3A = tpu.iota {dimensions = array<i32: 2>} : vector<32x256x128xi32>
    %eq3A = vector.broadcast %get3A_16 : i32 to vector<32x256x128xi32>
    %eq3A_23 = arith.cmpi eq, %iota3A, %eq3A : vector<32x256x128xi32>
    %jit3A_24 = arith.constant 0.000000e+00 : f32
    %broadcast_in_dim3A = vector.broadcast %jit3A_24 : f32 to vector<32x256x128xf32>
    %select_n3A_25 = arith.select %eq3A_23, %get3A_22, %broadcast_in_dim3A : vector<32x256x128xi1>, vector<32x256x128xf32>
    %reduce_sum3A = arith.constant dense<0.000000e+00> : vector<32x256xf32>
    %reduce_sum3A_26 = vector.multi_reduction <add>, %select_n3A_25, %reduce_sum3A [2] : vector<32x256x128xf32> to vector<32x256xf32>
    %get3A_27 = arith.constant 0 : index
    %get3A_28 = arith.constant 0 : index
    %get3A_29 = arith.constant 0 : index
    %get3A_30 = vector.load %arg3[%get3A_27, %get3A_28, %get3A_29] : memref<1x32x256xf32, #tpu.memory_space<vmem>>, vector<1x32x256xf32>
    %get3A_31 = vector.shape_cast %get3A_30 : vector<1x32x256xf32> to vector<32x256xf32>
    %sub3A_32 = arith.subf %reduce_sum3A_26, %get3A_31 : vector<32x256xf32>
    %eq3A_33 = arith.constant 0 : i32
    %eq3A_34 = arith.cmpi eq, %arg0, %eq3A_33 : i32
    %convert_element_type3A = arith.extui %eq3A_34 : i1 to i32
    %cond3A = arith.constant 0 : i32
    %cond3A_35 = arith.cmpi ne, %convert_element_type3A, %cond3A : i32
    scf.if %cond3A_35 {
      %swap3A_46 = arith.constant 0.000000e+00 : f32
      %swap3A_47 = arith.constant 0 : index
      %swap3A_48 = arith.constant 0 : index
      %swap3A_49 = memref.load %arg4[%swap3A_47, %swap3A_48] : memref<1x1xf32, #tpu.memory_space<smem>>
      memref.store %swap3A_46, %arg4[%swap3A_47, %swap3A_48] : memref<1x1xf32, #tpu.memory_space<smem>>
    } else {
    }
    %get3A_36 = arith.constant 0 : index
    %get3A_37 = arith.constant 0 : index
    %get3A_38 = memref.load %arg4[%get3A_36, %get3A_37] : memref<1x1xf32, #tpu.memory_space<smem>>
    %mul3A = arith.mulf %sub3A_32, %sub3A_32 : vector<32x256xf32>
    %reduce_sum3A_39 = vector.shape_cast %mul3A : vector<32x256xf32> to vector<1x32x256xf32>
    %reduce_sum3A_40 = arith.constant dense<0.000000e+00> : vector<1xf32>
    %reduce_sum3A_41 = vector.multi_reduction <add>, %reduce_sum3A_39, %reduce_sum3A_40 [1, 2] : vector<1x32x256xf32> to vector<1xf32>
    %reduce_sum3A_42 = vector.shape_cast %reduce_sum3A_41 : vector<1xf32> to vector<1x1x1xf32>
    %reduce_sum3A_43 = vector.extract %reduce_sum3A_42[0, 0, 0] : f32 from vector<1x1x1xf32>
    %add3A = arith.addf %get3A_38, %reduce_sum3A_43 : f32
    %swap3A = arith.constant 0 : index
    %swap3A_44 = arith.constant 0 : index
    %swap3A_45 = memref.load %arg4[%swap3A, %swap3A_44] : memref<1x1xf32, #tpu.memory_space<smem>>
    memref.store %add3A, %arg4[%swap3A, %swap3A_44] : memref<1x1xf32, #tpu.memory_space<smem>>
    return
  }
  func.func @transform_0(%arg0: i32, %arg1: memref<8xi32, #tpu.memory_space<smem>>) -> (i32, i32, i32, i32) {
    %jit3A = arith.constant 2 : i32
    %div3A = arith.divsi %arg0, %jit3A : i32
    %sign3A = arith.constant 0 : i32
    %sign3A_0 = arith.cmpi sgt, %arg0, %sign3A : i32
    %sign3A_1 = arith.extui %sign3A_0 : i1 to i32
    %sign3A_2 = arith.constant 0 : i32
    %sign3A_3 = arith.cmpi slt, %arg0, %sign3A_2 : i32
    %sign3A_4 = arith.extui %sign3A_3 : i1 to i32
    %sign3A_5 = arith.subi %sign3A_1, %sign3A_4 : i32
    %sign3A_6 = arith.constant 0 : i32
    %sign3A_7 = arith.cmpi sgt, %jit3A, %sign3A_6 : i32
    %sign3A_8 = arith.extui %sign3A_7 : i1 to i32
    %sign3A_9 = arith.constant 0 : i32
    %sign3A_10 = arith.cmpi slt, %jit3A, %sign3A_9 : i32
    %sign3A_11 = arith.extui %sign3A_10 : i1 to i32
    %sign3A_12 = arith.subi %sign3A_8, %sign3A_11 : i32
    %ne3A = arith.cmpi ne, %sign3A_5, %sign3A_12 : i32
    %rem3A = arith.remsi %arg0, %jit3A : i32
    %ne3A_13 = arith.constant 0 : i32
    %ne3A_14 = arith.cmpi ne, %rem3A, %ne3A_13 : i32
    %and3A = arith.andi %ne3A, %ne3A_14 : i1
    %sub3A = arith.constant 1 : i32
    %sub3A_15 = arith.subi %div3A, %sub3A : i32
    %select_n3A = arith.select %and3A, %sub3A_15, %div3A : i32
    %jit3A_16 = arith.constant 2 : i32
    %eq3A = arith.constant 0 : i32
    %eq3A_17 = arith.cmpi eq, %jit3A_16, %eq3A : i32
    %jit3A_18 = arith.constant 1 : i32
    %select_n3A_19 = arith.select %eq3A_17, %jit3A_18, %jit3A_16 : i32
    %rem3A_20 = arith.remsi %arg0, %select_n3A_19 : i32
    %ne3A_21 = arith.constant 0 : i32
    %ne3A_22 = arith.cmpi ne, %rem3A_20, %ne3A_21 : i32
    %lt3A = arith.constant 0 : i32
    %lt3A_23 = arith.cmpi slt, %rem3A_20, %lt3A : i32
    %lt3A_24 = arith.constant 0 : i32
    %lt3A_25 = arith.cmpi slt, %select_n3A_19, %lt3A_24 : i32
    %ne3A_26 = arith.xori %lt3A_23, %lt3A_25 : i1
    %and3A_27 = arith.andi %ne3A_26, %ne3A_22 : i1
    %add3A = arith.addi %rem3A_20, %select_n3A_19 : i32
    %select_n3A_28 = arith.select %and3A_27, %add3A, %rem3A_20 : i32
    %add3A_29 = arith.constant 6 : i32
    %add3A_30 = arith.addi %add3A_29, %select_n3A_28 : i32
    %c0_i32 = arith.constant 0 : i32
    %c0_i32_31 = arith.constant 0 : i32
    %c0_i32_32 = arith.constant 0 : i32
    return %select_n3A, %add3A_30, %c0_i32, %c0_i32_31 : i32, i32, i32, i32
  }
  func.func @transform_1(%arg0: i32, %arg1: memref<8xi32, #tpu.memory_space<smem>>) -> (i32, i32, i32) {
    %jit3A = arith.constant 2 : i32
    %div3A = arith.divsi %arg0, %jit3A : i32
    %sign3A = arith.constant 0 : i32
    %sign3A_0 = arith.cmpi sgt, %arg0, %sign3A : i32
    %sign3A_1 = arith.extui %sign3A_0 : i1 to i32
    %sign3A_2 = arith.constant 0 : i32
    %sign3A_3 = arith.cmpi slt, %arg0, %sign3A_2 : i32
    %sign3A_4 = arith.extui %sign3A_3 : i1 to i32
    %sign3A_5 = arith.subi %sign3A_1, %sign3A_4 : i32
    %sign3A_6 = arith.constant 0 : i32
    %sign3A_7 = arith.cmpi sgt, %jit3A, %sign3A_6 : i32
    %sign3A_8 = arith.extui %sign3A_7 : i1 to i32
    %sign3A_9 = arith.constant 0 : i32
    %sign3A_10 = arith.cmpi slt, %jit3A, %sign3A_9 : i32
    %sign3A_11 = arith.extui %sign3A_10 : i1 to i32
    %sign3A_12 = arith.subi %sign3A_8, %sign3A_11 : i32
    %ne3A = arith.cmpi ne, %sign3A_5, %sign3A_12 : i32
    %rem3A = arith.remsi %arg0, %jit3A : i32
    %ne3A_13 = arith.constant 0 : i32
    %ne3A_14 = arith.cmpi ne, %rem3A, %ne3A_13 : i32
    %and3A = arith.andi %ne3A, %ne3A_14 : i1
    %sub3A = arith.constant 1 : i32
    %sub3A_15 = arith.subi %div3A, %sub3A : i32
    %select_n3A = arith.select %and3A, %sub3A_15, %div3A : i32
    %jit3A_16 = arith.constant 2 : i32
    %eq3A = arith.constant 0 : i32
    %eq3A_17 = arith.cmpi eq, %jit3A_16, %eq3A : i32
    %jit3A_18 = arith.constant 1 : i32
    %select_n3A_19 = arith.select %eq3A_17, %jit3A_18, %jit3A_16 : i32
    %rem3A_20 = arith.remsi %arg0, %select_n3A_19 : i32
    %ne3A_21 = arith.constant 0 : i32
    %ne3A_22 = arith.cmpi ne, %rem3A_20, %ne3A_21 : i32
    %lt3A = arith.constant 0 : i32
    %lt3A_23 = arith.cmpi slt, %rem3A_20, %lt3A : i32
    %lt3A_24 = arith.constant 0 : i32
    %lt3A_25 = arith.cmpi slt, %select_n3A_19, %lt3A_24 : i32
    %ne3A_26 = arith.xori %lt3A_23, %lt3A_25 : i1
    %and3A_27 = arith.andi %ne3A_26, %ne3A_22 : i1
    %add3A = arith.addi %rem3A_20, %select_n3A_19 : i32
    %select_n3A_28 = arith.select %and3A_27, %add3A, %rem3A_20 : i32
    %add3A_29 = arith.constant 6 : i32
    %add3A_30 = arith.addi %add3A_29, %select_n3A_28 : i32
    %c0_i32 = arith.constant 0 : i32
    %c0_i32_31 = arith.constant 0 : i32
    return %select_n3A, %add3A_30, %c0_i32 : i32, i32, i32
  }
  func.func @transform_2(%arg0: i32, %arg1: memref<8xi32, #tpu.memory_space<smem>>) -> (i32, i32) {
    %c0_i32 = arith.constant 0 : i32
    %c0_i32_0 = arith.constant 0 : i32
    %c0_i32_1 = arith.constant 0 : i32
    return %c0_i32, %c0_i32_0 : i32, i32
  }
}

</mosaic_0001>

<sc_bundles>
// kernel: kernel.4.cloned.1.call-start
scs
__scs_entry_jumppad:
0x0: {  	(pc) =	sbr.rel $0x88, $3  }
0x1: {  	(tag) =	ssettag $0x0;
	lr =	simm.s32 $0x1  }
0x2: {  	[smem:$0x3F9E] =	sst lr;
	_ =	strace $0xD0000000  }
0x3: {  	_ = 	snop  }
0x4: {  	_ = 	snop  }
0x5: {  	_ = 	snop  }
0x6: {  	_ = 	snop  }
0x7: {  	_ = 	snop  }
__scs_overlays_trampoline_lowered:
0x8: {  	[smem:$0x3FAD] =	sst s0  }
0x9: {  	[smem:$0x3FAE] =	sst s1  }
0xa: {  	[smem:$0x3FAF] =	sst s2  }
0xb: {  	[smem:$0x3FB0] =	sst s3  }
0xc: {  	[smem:$0x3FB1] =	sst s4  }
0xd: {  	[smem:$0x3FB2] =	sst s5  }
0xe: {  	[smem:$0x3FB3] =	sst s6  }
0xf: {  	[smem:$0x3FB4] =	sst s7  }
0x10: {  	[smem:$0x3FB5] =	sst s8  }
0x11: {  	[smem:$0x3FB6] =	sst s9;
	s0 =	simm.s32 @!p0 $0x0  }
0x12: {  	s1 =	sld [smem:$0x3F9C];
	s0 =	simm.s32 @p0 $0x1  }
0x13: {  	[smem:$0x3FB7] =	sst s0;
	s0 =	simm.s32 @!p1 $0x0  }
0x14: {  	s2 =	sld [smem:$0x3F9B];
	s0 =	simm.s32 @p1 $0x1  }
0x15: {  	[smem:$0x3FB8] =	sst s0;
	s0 =	simm.s32 @!p2 $0x0  }
0x16: {  	s3 =	sld [smem:$0x3FDB];
	s0 =	simm.s32 @p2 $0x1  }
0x17: {  	s4 =	simm.s32 $0x1BF5;
	[smem:$0x3FBA] =	sst s0  }
0x18: {  	s0 =	sld [smem:$0x3F9D];
	_ =	swait.ge [sflag:s4], $0x0  }
0x19: {  	s7 =	sld [smem:$0x3F9E]  }
0x1a: {  	s8 =	sadd.s32 $0xFFFFE003, lr  }
0x1b: {  	s9 =	sadd.s32 $0xFFFFFEF7, lr;
	s5 =	simm.s32 $0xFFFFFFFF;
	p2 =	slt.u32 s8, $0xFFFFF086  }
0x1c: {  	p1 =	slt.u32 s9, $0xF7A;
	s5 =	simm.s32 @!p2 $0x0  }
0x1d: {  	s5 =	simm.s32 @p1 $0x1;
	p0 =	seq.s32 s7, s2  }
0x1e: {  	s7 =	smul.u32 @!p0 $0xF7A, s2;
	p2 =	seq.s32 @!p0 s5, $0x0  }
0x1f: {  	s9 =	smul.u32 $0xF7A, s1;
	s8 =	simm.s32 @!p0 $0x1BF5;
	p2 =	por !p2, p0  }
0x20: {  	[sflag:s8] =	ssyncset.s32 @!p0 $0xFFFFF086;
	s6 =	sadd.s32 @!p0 s3, s7;
	s7 =	simm.s32 @!p0 $0x108  }
0x21: {  	s3 =	sadd.s32 s3, s9;
	s6 =	sadd.s32 @!p0 $0x88, s6;
	s7 =	simm.s32 @p2 $0x1082  }
0x22: {  	[simem:s7], [sflag:s8] =	dma.local @!p0 [hbm:s6], $0xF7A  }
0x23: {  	s9 =	sor.u32 $0xD0000000, s2;
	s6 =	simm.s32 $0x108;
	_ =	swait.ge @!p0 [sflag:s8], $0x0  }
0x24: {  	s3 =	sadd.s32 $0x88, s3;
	s6 =	simm.s32 @!p1 $0x1082;
	[sflag:s4] =	ssyncset.s32 $0xFFFFF086  }
0x25: {  	[simem:s6], [sflag:s4] =	dma.local [hbm:s3], $0xF7A  }
0x26: {  	[smem:$0x3F9E] =	sst s1;
	(tag) =	ssettag s2;
	_ =	strace s9  }
0x27: {  	s1 =	sld [smem:$0x3FAE]  }
0x28: {  	s2 =	sld [smem:$0x3FAF]  }
0x29: {  	s4 =	sld [smem:$0x3FB1]  }
0x2a: {  	p0 =	seq.s32 s5, $0x0;
	s5 =	sld [smem:$0x3FB2]  }
0x2b: {  	s6 =	sld [smem:$0x3FB3]  }
0x2c: {  	s7 =	sld [smem:$0x3FB4]  }
0x2d: {  	s3 =	simm.s32 $0x108;
	s8 =	sld [smem:$0x3FB5]  }
0x2e: {  	s3 =	simm.s32 @!p0 $0x1082;
	s9 =	sld [smem:$0x3FB6]  }
0x2f: {  	lr =	sadd.s32 s0, s3;
	s0 =	sld [smem:$0x3FAD]  }
0x30: {  	s3 =	sld [smem:$0x3FB0]  }
0x31: {  	[smem:$0x3FB9] =	sst s10  }
0x32: {  	s10 =	sld [smem:$0x3FB7];
	_ =	sdelay $0x3  }
0x33: {  	p0 =	seq.s32 s10, $0x1;
	s10 =	sld [smem:$0x3FB9];
	_ =	sdelay $0x3  }
0x34: {  	[smem:$0x3FB9] =	sst s10  }
0x35: {  	s10 =	sld [smem:$0x3FB8];
	_ =	sdelay $0x3  }
0x36: {  	p1 =	seq.s32 s10, $0x1;
	s10 =	sld [smem:$0x3FB9];
	_ =	sdelay $0x3  }
0x37: {  	[smem:$0x3FB9] =	sst s10  }
0x38: {  	s10 =	sld [smem:$0x3FBA]  }
0x39: {  	_ = 	snop;
	(pc) =	sbr.ind lr, $3  }
0x3a: {  	_ = 	snop  }
0x3b: {  	_ = 	snop  }
0x3c: {  	p2 =	seq.s32 s10, $0x1;
	s10 =	sld [smem:$0x3FB9]  }
0x3d: {  	_ =	shalt  }
0x3e: {  	_ =	shalt  }
0x3f: {  	_ =	shalt  }
0x40: {  	_ =	shalt  }
0x41: {  	_ =	shalt  }
0x42: {  	_ =	shalt  }
0x43: {  	_ =	shalt  }
0x44: {  	_ =	shalt  }
0x45: {  	_ =	shalt  }
0x46: {  	_ =	shalt  }
0x47: {  	_ =	shalt  }
0x48: {  	_ =	shalt  }
0x49: {  	_ =	shalt  }
0x4a: {  	_ =	shalt  }
0x4b: {  	_ =	shalt  }
0x4c: {  	_ =	shalt  }
0x4d: {  	_ =	shalt  }
0x4e: {  	_ =	shalt  }
0x4f: {  	_ =	shalt  }
0x50: {  	_ =	shalt  }
0x51: {  	_ =	shalt  }
0x52: {  	_ =	shalt  }
0x53: {  	_ =	shalt  }
0x54: {  	_ =	shalt  }
0x55: {  	_ =	shalt  }
0x56: {  	_ =	shalt  }
0x57: {  	_ =	shalt  }
0x58: {  	_ =	shalt  }
0x59: {  	_ =	shalt  }
0x5a: {  	_ =	shalt  }
0x5b: {  	_ =	shalt  }
0x5c: {  	_ =	shalt  }
0x5d: {  	_ =	shalt  }
0x5e: {  	_ =	shalt  }
0x5f: {  	_ =	shalt  }
0x60: {  	_ =	shalt  }
0x61: {  	_ =	shalt  }
0x62: {  	_ =	shalt  }
0x63: {  	_ =	shalt  }
0x64: {  	_ =	shalt  }
0x65: {  	_ =	shalt  }
0x66: {  	_ =	shalt  }
0x67: {  	_ =	shalt  }
0x68: {  	_ =	shalt  }
0x69: {  	_ =	shalt  }
0x6a: {  	_ =	shalt  }
0x6b: {  	_ =	shalt  }
0x6c: {  	_ =	shalt  }
0x6d: {  	_ =	shalt  }
0x6e: {  	_ =	shalt  }
0x6f: {  	_ =	shalt  }
0x70: {  	_ =	shalt  }
0x71: {  	_ =	shalt  }
0x72: {  	_ =	shalt  }
0x73: {  	_ =	shalt  }
0x74: {  	_ =	shalt  }
0x75: {  	_ =	shalt  }
0x76: {  	_ =	shalt  }
0x77: {  	_ =	shalt  }
0x78: {  	_ =	shalt  }
0x79: {  	_ =	shalt  }
0x7a: {  	_ =	shalt  }
0x7b: {  	_ =	shalt  }
0x7c: {  	_ =	shalt  }
0x7d: {  	_ =	shalt  }
0x7e: {  	_ =	shalt  }
0x7f: {  	_ =	shalt  }
0x80: {  	_ =	shalt  }
0x81: {  	_ =	shalt  }
0x82: {  	_ =	shalt  }
0x83: {  	_ =	shalt  }
0x84: {  	_ =	shalt  }
0x85: {  	_ =	shalt  }
0x86: {  	_ =	shalt  }
0x87: {  	_ =	shalt  }
.Lfunc_end0:
.L_simem_size_0:
called_computation_lowered:
.L_overlay_start_0:
0x88: {  	s2 =	sld [smem:$0x3FD9]  }
0x89: {  	s3 =	sld [smem:$0x3FFE];
	_ =	sdelay $0x1  }
0x8a: {  	s1 =	srdreg.scid  }
0x8b: {  	s0 =	sand.u32 $0x1, s1  }
0x8c: {  	s17 =	sshll.u32 s0, $0xA;
	s2 =	sadd.s32 s3, s2  }
0x8d: {  	s2 =	sadd.s32 s2, s17  }
0x8e: {  	[smem:$0x3FC5] =	sst s2  }
0x8f: {  	_ = 	snop  }
0x90: {  	s2 =	sld [smem:$0x3FC9]  }
0x91: {  	s18 =	sld [smem:$0x3FC8]  }
0x92: {  	s4 =	sld [smem:$0x3FC7];
	(tm) =	ssettm $0x1  }
0x93: {  	s5 =	sld [smem:$0x3FFB];
	_ =	sdelay $0x3  }
0x94: {  	_ =	strace s5  }
0x95: {  	s5 =	sld [smem:$0x3FFC];
	_ =	sdelay $0x3  }
0x96: {  	_ =	strace s5  }
0x97: {  	s5 =	sld [smem:$0x3FFD];
	_ =	sdelay $0x3  }
0x98: {  	_ =	strace s5  }
0x99: {  	_ =	strace $0x8FFFFFFF  }
0x9a: {  	s19 =	sld [smem:$0x3FDB];
	_ =	sdelay $0x1  }
0x9b: {  	s6 =	simm.s32 $_scs_section_size  }
0x9c: {  	s7 =	simm.s32 $_size__tile_overlayer_lowered;
	s8 =	simm.s32 $_tile_overlayer_lowered  }
0x9d: {  	s22 =	simm.s32 $0x1BFF;
	s21 =	sshll.u32 s8, $0x1;
	s5 =	sadd.s32 s6, s19  }
0x9e: {  	s9 =	simm.s32 $0x0;
	s20 =	sshll.u32 s7, $0x1;
	s7 =	sadd.s32 s21, s5  }
0x9f: {  	[timem:s9], [sflag:s22] =	dma.local [hbm:s7], s20  }
0xa0: {  	_ =	swait.ge [sflag:s22], s20  }
0xa1: {  	s6 =	ssub.s32 $0x0, s20;
	[sflag:s22] =	ssyncset.done $0x0  }
0xa2: {  	[sflag:s22] =	ssyncadd.s32 s6;
	_ =	sdelay $0x1  }
0xa3: {  	s23 =	simm.s32 $0x1B8B  }
0xa4: {  	_ =	swait.ge [sflag:s23], $0x1  }
0xa5: {  	[sflag:s23] =	ssyncset.done $0x0  }
0xa6: {  	s25 =	simm.s32 $0x1B8E;
	s24 =	sld [smem:$0x3FFE];
	[sflag:s23] =	ssyncadd.s32 $0xFFFFFFFF  }
0xa7: {  	s26 =	simm.s32 $execute0_lowered;
	[smem:$0x3FD2] =	sst s25  }
0xa8: {  	s7 =	sshll.u32 s26, $0x1;
	_ =	strace $0x80000046;
	[dreg:$0x1] =	wrdreg $0xFFFFFFFF  }
0xa9: {  	s28 =	simm.s32 $_size_execute0_lowered;
	s5 =	sadd.s32 s5, s7;
	[dreg:$0x0] =	wrdreg $0x0  }
0xaa: {  	s7 =	sshll.u32 s28, $0x1;
	[dreg:$0x2] =	wrdreg s5  }
0xab: {  	[dreg:$0x3] =	wrdreg s7  }
0xac: {  	[dreg:$0x4] =	wrdreg $0xC0  }
0xad: {  	_ =	task [dreg:s9], $0x5FFFF  }
0xae: {  	[dreg:$0x1] =	wrdreg $0xFFFFFFFF  }
0xaf: {  	[dreg:$0x0] =	wrdreg $0x60  }
0xb0: {  	[dreg:$0x2] =	wrdreg s2  }
0xb1: {  	[dreg:$0x3] =	wrdreg s18  }
0xb2: {  	[dreg:$0x4] =	wrdreg s4  }
0xb3: {  	[dreg:$0x5] =	wrdreg s24  }
0xb4: {  	[dreg:$0x6] =	wrdreg $0x9  }
0xb5: {  	_ =	task.clear_ibuf [dreg:s9], $0x7FFFF;
	_ =	strace $0x90000046  }
0xb6: {  	s29 =	simm.s32 $0x9;
	_ =	strace $0x80000048  }
0xb7: {  	_ =	swait.ge [sflag:s29], $0x1  }
0xb8: {  	[sflag:s29] =	ssyncadd.s32 $0xFFFFFFFF  }
0xb9: {  	_ =	strace $0x90000048  }
0xba: {  	_ =	sfence  }
0xbb: {  	s30 =	sld [smem:$0x0];
	_ =	sdelay $0x2  }
0xbc: {  	s31 =	sshll.u32 s1, $0xD;
	s1 =	sshrl.u32 s1, $0x2  }
0xbd: {  	s3 =	sand.u32 $0x4000, s31;
	s1 =	sadd.s32 s1, s30  }
0xbe: {  	s0 =	sor.u32 s3, s0;
	s1 =	sshll.u32 s1, $0x11  }
0xbf: {  	s0 =	sor.u32 s1, s0  }
0xc0: {  	s0 =	sadd.s32 $0x8F2B, s0  }
0xc1: {  	[sflag:s0] =	ssyncadd.remote.s32 $0x1  }
0xc2: {  	_ =	sfence.sel $0xFFFF  }
0xc3: {  	[dreg:$0x0] =	wrdreg $0xFFFFFFFF;
	(pc) =	sbr.abs _section_cstart, $3  }
0xc4: {  	[dreg:$0x1] =	wrdreg $0xFFFFFFFF  }
0xc5: {  	_ =	task.clear_ibuf [dreg:s9], $0x2FFFF;
	_ =	strace $0x9FFFFFFF  }
0xc6: {  	(tm) =	ssettm $0x7FFFFFFF  }
0xc7: {  	_ =	shalt  }
tec
execute0_lowered:
.L_overlay_start_1:
0x0: {  	(tag) =	ssettag $0x1  }
0x1: {  	s1 =	rddreg [dreg:$0x0]  }
0x2: {  	s0 =	rddreg [dreg:$0x1]  }
0x3: {  	s2 =	rddreg [dreg:$0x3]  }
0x4: {  	s3 =	srdreg.scid;
	s7 =	stileid.u32  }
0x5: {  	s4 =	simm.s32 $0x0;
	s10 =	simm.s32 $0x6;
	s11 =	simm.s32 $0xC00  }
0x6: {  	s20 =	simm.s32 $0x1;
	s21 =	simm.s32 $0x2;
	s22 =	simm.s32 $0x3  }
0x7: {  	s23 =	simm.s32 $0x4;
	s24 =	simm.s32 $0x5;
	s3 =	sand.u32 $0x1, s3  }
0x8: {  	s5 =	sshll.u32 s7, $0x1;
	[smem:$0x7FF] =	sst s4;
	s9 =	sshrl.u32 s7, $0x1  }
0x9: {  	s5 =	sor.u32 s3, s5;
	_ =	strace $0x80000047;
	s3 =	ssub.s32 $0x2, s3  }
0xa: {  	s28 =	sshll.u32 s9, $0x10;
	s29 =	sshll.u32 s9, $0x17;
	s6 =	sand.u32 $0x3, s5  }
0xb: {  	p0 =	seq.s32 s9, $0x7;
	p2 =	seq.s32 s9, $0x5;
	s26 =	smul.u32 $0x3000, s6  }
0xc: {  	p3 =	seq.s32 s9, $0x4;
	p4 =	seq.s32 s9, $0x3;
	s5 =	sshll.u32 s5, $0x4  }
0xd: {  	p5 =	seq.s32 s9, $0x2;
	s2 =	sadd.s32 s5, s2;
	s5 =	sor.u32 s28, s26  }
0xe: {  	p6 =	seq.s32 s9, $0x1;
	s8 =	sshrl.u32 s3, $0x1;
	s5 =	sshrl.u32 s5, $0x3  }
0xf: {  	s6 =	smul.u32 $0x180000, s6;
	s3 =	ssub.s32 s3, s8;
	s0 =	sadd.s32 s0, s5  }
0x10: {  	s31 =	sadd.s32 $0x400, s2;
	[dreg:$0x5] =	wrdreg s0;
	s0 =	simm.s32 @!p0 $0x0  }
0x11: {  	[dreg:$0x7] =	wrdreg s31;
	s0 =	simm.s32 @p0 $0x1;
	p0 =	seq.s32 s9, $0x6  }
0x12: {  	s30 =	sor.u32 s29, s6;
	[smem:$0x7FC] =	sst s0;
	s0 =	simm.s32 @!p0 $0x0  }
0x13: {  	v0 =	vlaneseq.u32;
	s8 =	smax.u32 s3, $0x1;
	[dreg:$0x6] =	wrdreg s30;
	s0 =	simm.s32 @p0 $0x1  }
0x14: {  	v0 =	vmul.u32 $0x80, v0;
	s26 =	simm.s32 $0x0;
	p0 =	seq.s32 s9, $0x0;
	[smem:$0x7FD] =	sst s0  }
.LBB2_1:
0x15: {  	s0 =	rddreg [dreg:$0x5];
	s2 =	simm.s32 $0x6080  }
0x16: {  	[tilespmem:s2], [sflag:$0x1] =	stream.linear.gather [hbm4b:s0+s4], $0x3000, $0x38;
	[tilespmem:$0x9100] =	vst v63  }
0x17: {  	s14 =	rddreg [dreg:$0x2]  }
0x18: {  	[tilespmem:s4], [sflag:$0x6] =	stream.linear.gather [hbm4b:s14+s4], $0x8, $0x38;
	[tilespmem:$0x9100] =	vst v63  }
0x19: {  	_ =	swait.ge [sflag:s10], $0x8  }
0x1a: {  	[sflag:s10] =	ssyncset.done $0x0  }
0x1b: {  	[sflag:s10] =	ssyncadd.s32 $0xFFFFFFF8  }
0x1c: {  	v1 =	vld [tilespmem:$0x0];
	_ =	sdelay $0x4  }
0x1d: {  	(v2sf) =	vpush v1, $0x0  }
0x1e: {  	(v2sf) =	vpush v1, $0x1  }
0x1f: {  	(v2sf) =	vpush v1, $0x2  }
0x20: {  	(v2sf) =	vpush v1, $0x3  }
0x21: {  	(v2sf) =	vpush v1, $0x4  }
0x22: {  	(v2sf) =	vpush v1, $0x5  }
0x23: {  	(v2sf) =	vpush v1, $0x6  }
0x24: {  	(v2sf) =	vpush v1, $0x7;
	_ =	sdelay $0x7  }
0x25: {  	s0 =	spop (v2sf)  }
0x26: {  	s2 =	spop (v2sf);
	s0 =	simm.s32 @!p0 $0x0  }
0x27: {  	s3 =	spop (v2sf);
	s0 =	smov.u32 @p6 s2  }
0x28: {  	s15 =	sld [smem:$0x7FD];
	s2 =	spop (v2sf);
	s0 =	smov.u32 @p5 s3  }
0x29: {  	s16 =	sld [smem:$0x7FC];
	s3 =	spop (v2sf);
	s0 =	smov.u32 @p4 s2  }
0x2a: {  	s2 =	spop (v2sf);
	s0 =	smov.u32 @p3 s3  }
0x2b: {  	p1 =	seq.s32 s15, $0x1;
	s3 =	spop (v2sf);
	s0 =	smov.u32 @p2 s2  }
0x2c: {  	s0 =	smov.u32 @p1 s3;
	s2 =	spop (v2sf);
	p1 =	seq.s32 s16, $0x1  }
0x2d: {  	s17 =	rddreg [dreg:$0x6];
	s0 =	smov.u32 @p1 s2  }
0x2e: {  	s0 =	sadd.s32 s17, s0  }
0x2f: {  	s18 =	simm.s32 $0x3800;
	v1 =	vadd.s32 s0, v0  }
0x30: {  	s19 =	simm.s32 $0x800;
	s0 =	simm.s32 $0xC0;
	v2 =	vadd.s32 s18, v1  }
0x31: {  	s30 =	simm.s32 $0x2800;
	v3 =	vadd.s32 s19, v1;
	[tilespmem:s0+$0x30] =	vst v2  }
0x32: {  	s25 =	simm.s32 $0x1000;
	v4 =	vadd.s32 s30, v1;
	[tilespmem:s0+$0xFFFFFFD0] =	vst v3  }
0x33: {  	s28 =	simm.s32 $0x1800;
	v2 =	vadd.s32 s25, v1;
	[tilespmem:s0+$0x10] =	vst v4  }
0x34: {  	s29 =	simm.s32 $0x2000;
	v3 =	vadd.s32 s28, v1;
	[tilespmem:s0+$0xFFFFFFE0] =	vst v2  }
0x35: {  	s31 =	simm.s32 $0x3000;
	v2 =	vadd.s32 s29, v1;
	[tilespmem:s0+$0xFFFFFFF0] =	vst v3  }
0x36: {  	s3 =	simm.s32 $0x4000;
	s2 =	simm.s32 $0x0;
	v3 =	vadd.s32 s31, v1;
	[tilespmem:s0+$0x0] =	vst v2;
	v2 =	vadd.s32 s4, v1  }
.LBB2_2:
0x37: {  	v4 =	vadd.s32 s3, v1;
	s9 =	sadd.s32 $0x800, s3;
	s12 =	sadd.s32 $0x3800, s3;
	s2 =	sadd.s32 $0x8, s2;
	[tilespmem:s0+$0x20] =	vst v3  }
0x38: {  	v3 =	vadd.s32 s9, v1;
	s9 =	sadd.s32 $0x1000, s3;
	v5 =	vadd.s32 s12, v1;
	p1 =	slt.u32 s2, $0xB8;
	[tilespmem:s0+$0xFFFFFFC0] =	vst v2;
	s0 =	sadd.s32 $0x80, s0;
	v2 =	vmov v4  }
0x39: {  	s13 =	sadd.s32 $0x2800, s3;
	s12 =	sadd.s32 $0x2000, s3;
	v4 =	vadd.s32 s9, v1;
	s9 =	sadd.s32 $0x1800, s3;
	[tilespmem:s0+$0x30] =	vst v5  }
.Ltmp0:
0x3a: {  	v7 =	vadd.s32 s13, v1;
	v6 =	vadd.s32 s12, v1;
	[tilespmem:s0+$0xFFFFFFD0] =	vst v3;
	v5 =	vadd.s32 s9, v1;
	s9 =	sadd.s32 $0x3000, s3;
	(pc) =	sbr.rel @p1 .LBB2_2-.Ltmp0, $4  }
0x3b: {  	[tilespmem:s0+$0xFFFFFFE0] =	vst v4;
	v3 =	vadd.s32 s9, v1  }
0x3c: {  	[tilespmem:s0+$0xFFFFFFF0] =	vst v5  }
0x3d: {  	[tilespmem:s0+$0x0] =	vst v6  }
0x3e: {  	s3 =	sadd.s32 $0x4000, s3;
	[tilespmem:s0+$0x10] =	vst v7  }
0x3f: {  	[tilespmem:s0+$0x20] =	vst v3;
	s18 =	simm.s32 $0x80;
	s2 =	simm.s32 $0x3080  }
0x40: {  	[tilespmem:s0+$0xFFFFFFC0] =	vst v2;
	s19 =	simm.s32 $0x63800;
	s0 =	simm.s32 $0xCF0;
	s3 =	simm.s32 $0x60800  }
0x41: {  	[tilespmem:s2], [sflag:$0x2] =	stream.indirect.gather [hbm4b:s1+s11], $0x1, s18, s11, $0xb8;
	v2 =	vadd.s32 s19, v1;
	[tilespmem:$0x9100] =	vst v63  }
0x42: {  	s30 =	simm.s32 $0x62800;
	v3 =	vadd.s32 s3, v1;
	[tilespmem:s0+$0x0] =	vst v2  }
0x43: {  	s25 =	simm.s32 $0x61000;
	v4 =	vadd.s32 s30, v1;
	[tilespmem:s0+$0xFFFFFFA0] =	vst v3  }
0x44: {  	s28 =	simm.s32 $0x61800;
	v2 =	vadd.s32 s25, v1;
	[tilespmem:s0+$0xFFFFFFE0] =	vst v4  }
0x45: {  	s29 =	simm.s32 $0x62000;
	v3 =	vadd.s32 s28, v1;
	[tilespmem:s0+$0xFFFFFFB0] =	vst v2  }
0x46: {  	s31 =	simm.s32 $0x60000;
	s9 =	simm.s32 $0x63000;
	v2 =	vadd.s32 s29, v1;
	[tilespmem:s0+$0xFFFFFFC0] =	vst v3  }
0x47: {  	s2 =	simm.s32 $0x0;
	s3 =	simm.s32 $0x64000;
	v3 =	vadd.s32 s9, v1;
	[tilespmem:s0+$0xFFFFFFD0] =	vst v2;
	v2 =	vadd.s32 s31, v1  }
.LBB2_4:
0x48: {  	v4 =	vadd.s32 s3, v1;
	s9 =	sadd.s32 $0x800, s3;
	s12 =	sadd.s32 $0x3800, s3;
	s2 =	sadd.s32 $0x8, s2;
	[tilespmem:s0+$0xFFFFFFF0] =	vst v3  }
0x49: {  	v3 =	vadd.s32 s9, v1;
	s9 =	sadd.s32 $0x1000, s3;
	v5 =	vadd.s32 s12, v1;
	p1 =	slt.u32 s2, $0xB8;
	[tilespmem:s0+$0xFFFFFF90] =	vst v2;
	s0 =	sadd.s32 $0x80, s0;
	v2 =	vmov v4  }
0x4a: {  	s13 =	sadd.s32 $0x2800, s3;
	s12 =	sadd.s32 $0x2000, s3;
	v4 =	vadd.s32 s9, v1;
	s9 =	sadd.s32 $0x1800, s3;
	[tilespmem:s0+$0x0] =	vst v5  }
.Ltmp1:
0x4b: {  	v7 =	vadd.s32 s13, v1;
	v6 =	vadd.s32 s12, v1;
	[tilespmem:s0+$0xFFFFFFA0] =	vst v3;
	v5 =	vadd.s32 s9, v1;
	s9 =	sadd.s32 $0x3000, s3;
	(pc) =	sbr.rel @p1 .LBB2_4-.Ltmp1, $4  }
0x4c: {  	[tilespmem:s0+$0xFFFFFFB0] =	vst v4;
	v3 =	vadd.s32 s9, v1  }
0x4d: {  	[tilespmem:s0+$0xFFFFFFC0] =	vst v5  }
0x4e: {  	[tilespmem:s0+$0xFFFFFFD0] =	vst v6  }
0x4f: {  	s3 =	sadd.s32 $0x4000, s3;
	[tilespmem:s0+$0xFFFFFFE0] =	vst v7  }
0x50: {  	[tilespmem:s0+$0xFFFFFFF0] =	vst v3;
	s18 =	simm.s32 $0xC80;
	s2 =	simm.s32 $0x3C80  }
0x51: {  	[tilespmem:s0+$0xFFFFFF90] =	vst v2;
	s19 =	simm.s32 $0xC3800;
	s0 =	simm.s32 $0x18F0;
	s3 =	simm.s32 $0xC0800  }
0x52: {  	[tilespmem:s2], [sflag:$0x3] =	stream.indirect.gather [hbm4b:s1+s11], $0x1, s18, s11, $0xb8;
	v2 =	vadd.s32 s19, v1;
	[tilespmem:$0x9100] =	vst v63  }
0x53: {  	s30 =	simm.s32 $0xC2800;
	v3 =	vadd.s32 s3, v1;
	[tilespmem:s0+$0x0] =	vst v2  }
0x54: {  	s25 =	simm.s32 $0xC1000;
	v4 =	vadd.s32 s30, v1;
	[tilespmem:s0+$0xFFFFFFA0] =	vst v3  }
0x55: {  	s28 =	simm.s32 $0xC1800;
	v2 =	vadd.s32 s25, v1;
	[tilespmem:s0+$0xFFFFFFE0] =	vst v4  }
0x56: {  	s29 =	simm.s32 $0xC2000;
	v3 =	vadd.s32 s28, v1;
	[tilespmem:s0+$0xFFFFFFB0] =	vst v2  }
0x57: {  	s31 =	simm.s32 $0xC0000;
	s9 =	simm.s32 $0xC3000;
	v2 =	vadd.s32 s29, v1;
	[tilespmem:s0+$0xFFFFFFC0] =	vst v3  }
0x58: {  	s2 =	simm.s32 $0x0;
	s3 =	simm.s32 $0xC4000;
	v3 =	vadd.s32 s9, v1;
	[tilespmem:s0+$0xFFFFFFD0] =	vst v2;
	v2 =	vadd.s32 s31, v1  }
.LBB2_6:
0x59: {  	v4 =	vadd.s32 s3, v1;
	s9 =	sadd.s32 $0x800, s3;
	s12 =	sadd.s32 $0x3800, s3;
	s2 =	sadd.s32 $0x8, s2;
	[tilespmem:s0+$0xFFFFFFF0] =	vst v3  }
0x5a: {  	v3 =	vadd.s32 s9, v1;
	s9 =	sadd.s32 $0x1000, s3;
	v5 =	vadd.s32 s12, v1;
	p1 =	slt.u32 s2, $0xB8;
	[tilespmem:s0+$0xFFFFFF90] =	vst v2;
	s0 =	sadd.s32 $0x80, s0;
	v2 =	vmov v4  }
0x5b: {  	s13 =	sadd.s32 $0x2800, s3;
	s12 =	sadd.s32 $0x2000, s3;
	v4 =	vadd.s32 s9, v1;
	s9 =	sadd.s32 $0x1800, s3;
	[tilespmem:s0+$0x0] =	vst v5  }
.Ltmp2:
0x5c: {  	v7 =	vadd.s32 s13, v1;
	v6 =	vadd.s32 s12, v1;
	[tilespmem:s0+$0xFFFFFFA0] =	vst v3;
	v5 =	vadd.s32 s9, v1;
	s9 =	sadd.s32 $0x3000, s3;
	(pc) =	sbr.rel @p1 .LBB2_6-.Ltmp2, $4  }
0x5d: {  	[tilespmem:s0+$0xFFFFFFB0] =	vst v4;
	v3 =	vadd.s32 s9, v1  }
0x5e: {  	[tilespmem:s0+$0xFFFFFFC0] =	vst v5  }
0x5f: {  	[tilespmem:s0+$0xFFFFFFD0] =	vst v6  }
0x60: {  	s3 =	sadd.s32 $0x4000, s3;
	[tilespmem:s0+$0xFFFFFFE0] =	vst v7  }
0x61: {  	[tilespmem:s0+$0xFFFFFFF0] =	vst v3;
	s18 =	simm.s32 $0x1880;
	s19 =	simm.s32 $0x123800  }
0x62: {  	[tilespmem:s0+$0xFFFFFF90] =	vst v2;
	s2 =	simm.s32 $0x4880;
	s0 =	simm.s32 $0x24F0;
	s3 =	simm.s32 $0x120800  }
0x63: {  	[tilespmem:s2], [sflag:$0x4] =	stream.indirect.gather [hbm4b:s1+s11], $0x1, s18, s11, $0xb8;
	v2 =	vadd.s32 s19, v1;
	[tilespmem:$0x9100] =	vst v63  }
0x64: {  	s30 =	simm.s32 $0x122800;
	v3 =	vadd.s32 s3, v1;
	[tilespmem:s0+$0x0] =	vst v2  }
0x65: {  	s25 =	simm.s32 $0x121000;
	v4 =	vadd.s32 s30, v1;
	[tilespmem:s0+$0xFFFFFFA0] =	vst v3  }
0x66: {  	s28 =	simm.s32 $0x121800;
	v2 =	vadd.s32 s25, v1;
	[tilespmem:s0+$0xFFFFFFE0] =	vst v4  }
0x67: {  	s29 =	simm.s32 $0x122000;
	v3 =	vadd.s32 s28, v1;
	[tilespmem:s0+$0xFFFFFFB0] =	vst v2  }
0x68: {  	s31 =	simm.s32 $0x120000;
	s9 =	simm.s32 $0x123000;
	v2 =	vadd.s32 s29, v1;
	[tilespmem:s0+$0xFFFFFFC0] =	vst v3  }
0x69: {  	s2 =	simm.s32 $0x0;
	s3 =	simm.s32 $0x124000;
	v3 =	vadd.s32 s9, v1;
	[tilespmem:s0+$0xFFFFFFD0] =	vst v2;
	v2 =	vadd.s32 s31, v1  }
.LBB2_8:
0x6a: {  	v4 =	vadd.s32 s3, v1;
	s9 =	sadd.s32 $0x800, s3;
	s12 =	sadd.s32 $0x3800, s3;
	s2 =	sadd.s32 $0x8, s2;
	[tilespmem:s0+$0xFFFFFFF0] =	vst v3  }
0x6b: {  	v3 =	vadd.s32 s9, v1;
	s9 =	sadd.s32 $0x1000, s3;
	v5 =	vadd.s32 s12, v1;
	p1 =	slt.u32 s2, $0xB8;
	[tilespmem:s0+$0xFFFFFF90] =	vst v2;
	s0 =	sadd.s32 $0x80, s0;
	v2 =	vmov v4  }
0x6c: {  	s13 =	sadd.s32 $0x2800, s3;
	s12 =	sadd.s32 $0x2000, s3;
	v4 =	vadd.s32 s9, v1;
	s9 =	sadd.s32 $0x1800, s3;
	[tilespmem:s0+$0x0] =	vst v5  }
.Ltmp3:
0x6d: {  	v7 =	vadd.s32 s13, v1;
	v6 =	vadd.s32 s12, v1;
	[tilespmem:s0+$0xFFFFFFA0] =	vst v3;
	v5 =	vadd.s32 s9, v1;
	s9 =	sadd.s32 $0x3000, s3;
	(pc) =	sbr.rel @p1 .LBB2_8-.Ltmp3, $4  }
0x6e: {  	[tilespmem:s0+$0xFFFFFFB0] =	vst v4;
	v3 =	vadd.s32 s9, v1  }
0x6f: {  	[tilespmem:s0+$0xFFFFFFC0] =	vst v5  }
0x70: {  	[tilespmem:s0+$0xFFFFFFD0] =	vst v6  }
0x71: {  	s3 =	sadd.s32 $0x4000, s3;
	[tilespmem:s0+$0xFFFFFFE0] =	vst v7  }
0x72: {  	[tilespmem:s0+$0xFFFFFFF0] =	vst v3  }
0x73: {  	[tilespmem:s0+$0xFFFFFF90] =	vst v2;
	s30 =	simm.s32 $0x2480;
	s2 =	simm.s32 $0x5480  }
0x74: {  	[tilespmem:s2], [sflag:$0x5] =	stream.indirect.gather [hbm4b:s1+s11], $0x1, s30, s11, $0xb8;
	[tilespmem:$0x9100] =	vst v63  }
0x75: {  	_ =	swait.ge [sflag:s20], $0x3000  }
0x76: {  	[sflag:s20] =	ssyncset.done $0x0  }
0x77: {  	s0 =	simm.s32 $0x0;
	s31 =	simm.s32 $0x0;
	[sflag:s20] =	ssyncadd.s32 $0xFFFFD000  }
0x78: {  	s12 =	simm.s32 $0x0;
	s3 =	sand.u32 $0x800, s31;
	_ =	swait.ge [sflag:s21], $0xC00  }
0x79: {  	s9 =	sand.u32 $0x400, s0;
	s2 =	simm.s32 $0x30C0;
	[sflag:s21] =	ssyncset.done $0x0  }
0x7a: {  	s12 =	sand.u32 $0x380, s12;
	s3 =	sor.u32 s9, s3;
	[sflag:s21] =	ssyncadd.s32 $0xFFFFF400  }
0x7b: {  	s3 =	sor.u32 s3, s12;
	v1 =	vld [tilespmem:s2+$0xFFFFFFC0]  }
0x7c: {  	v2 =	vld [tilespmem:s3+$0x6080]  }
0x7d: {  	v4 =	vld [tilespmem:s2+$0xFFFFFFD0]  }
0x7e: {  	v7 =	vld [tilespmem:s3+$0x6090]  }
0x7f: {  	v8 =	vld [tilespmem:s2+$0xFFFFFFE0]  }
0x80: {  	v10 =	vld [tilespmem:s3+$0x60A0]  }
0x81: {  	v5 =	vld [tilespmem:s2+$0xFFFFFFF0];
	v1 =	vsub.f32 v1, v2  }
0x82: {  	v6 =	vld [tilespmem:s3+$0x60B0]  }
0x83: {  	v3 =	vld [tilespmem:s2+$0x0];
	v9 =	vsub.f32 v4, v7;
	v2 =	vmul.f32 v1, v1  }
0x84: {  	v4 =	vld [tilespmem:s3+$0x60C0];
	v7 =	vimm.f32 $0.0e+00  }
0x85: {  	v8 =	vsub.f32 v8, v10;
	v1 =	vld [tilespmem:s2+$0x10];
	v9 =	vmul.f32 v9, v9;
	v7 =	vadd.f32 v2, v7  }
0x86: {  	s9 =	simm.s32 $0x0;
	v2 =	vld [tilespmem:s3+$0x60D0]  }
.LBB2_10:
0x87: {  	s9 =	sadd.s32 $0x8, s9;
	v7 =	vadd.f32 v9, v7;
	v8 =	vmul.f32 v8, v8;
	v5 =	vsub.f32 v5, v6;
	v6 =	vld [tilespmem:s2+$0x20]  }
0x88: {  	s0 =	sadd.s32 $0x400, s0;
	s12 =	sshll.u32 s9, $0x4;
	p1 =	slt.u32 s9, $0xB8;
	v9 =	vld [tilespmem:s3+$0x60E0]  }
0x89: {  	s13 =	sand.u32 $0x400, s0;
	s14 =	sshll.u32 s9, $0x3;
	s12 =	sand.u32 $0x800, s12;
	v7 =	vadd.f32 v8, v7;
	v5 =	vmul.f32 v5, v5;
	v3 =	vsub.f32 v3, v4;
	v4 =	vld [tilespmem:s2+$0x30]  }
0x8a: {  	s14 =	sand.u32 $0x380, s14;
	s2 =	sadd.s32 $0x80, s2;
	s12 =	sor.u32 s13, s12;
	v8 =	vld [tilespmem:s3+$0x60F0]  }
0x8b: {  	v10 =	vld [tilespmem:s2+$0xFFFFFFC0];
	s3 =	sor.u32 s12, s14;
	v5 =	vadd.f32 v5, v7;
	v3 =	vmul.f32 v3, v3;
	v1 =	vsub.f32 v1, v2  }
0x8c: {  	v2 =	vld [tilespmem:s3+$0x6080]  }
0x8d: {  	v7 =	vld [tilespmem:s2+$0xFFFFFFD0];
	v3 =	vadd.f32 v3, v5;
	v1 =	vmul.f32 v1, v1;
	v5 =	vsub.f32 v6, v9  }
0x8e: {  	v9 =	vld [tilespmem:s3+$0x6090]  }
0x8f: {  	v11 =	vld [tilespmem:s2+$0xFFFFFFE0];
	v1 =	vadd.f32 v1, v3;
	v3 =	vmul.f32 v5, v5;
	v4 =	vsub.f32 v4, v8  }
0x90: {  	v8 =	vld [tilespmem:s3+$0x60A0]  }
0x91: {  	v2 =	vsub.f32 v10, v2;
	v5 =	vld [tilespmem:s2+$0xFFFFFFF0];
	v1 =	vadd.f32 v3, v1;
	v4 =	vmul.f32 v4, v4  }
.Ltmp4:
0x92: {  	v6 =	vld [tilespmem:s3+$0x60B0];
	(pc) =	sbr.rel @p1 .LBB2_10-.Ltmp4, $4  }
0x93: {  	v2 =	vmul.f32 v2, v2;
	v9 =	vsub.f32 v7, v9;
	v3 =	vld [tilespmem:s2+$0x0];
	v1 =	vadd.f32 v4, v1  }
0x94: {  	v4 =	vld [tilespmem:s3+$0x60C0]  }
0x95: {  	v7 =	vadd.f32 v2, v1;
	v9 =	vmul.f32 v9, v9;
	v8 =	vsub.f32 v11, v8;
	v1 =	vld [tilespmem:s2+$0x10]  }
0x96: {  	v2 =	vld [tilespmem:s3+$0x60D0]  }
0x97: {  	v10 =	vld [tilespmem:s2+$0x20]  }
0x98: {  	v11 =	vld [tilespmem:s3+$0x60E0]  }
0x99: {  	v12 =	vld [tilespmem:s2+$0x30]  }
0x9a: {  	v13 =	vld [tilespmem:s3+$0x60F0];
	_ =	swait.ge [sflag:s22], $0xC00;
	s28 =	simm.s32 $0x3CF0;
	s3 =	simm.s32 $0x630  }
0x9b: {  	s29 =	simm.s32 $0xC50;
	s12 =	simm.s32 $0x628;
	s9 =	simm.s32 $0xC60  }
0x9c: {  	s13 =	simm.s32 $0x618;
	s14 =	simm.s32 $0xC40;
	s30 =	simm.s32 $0x620  }
0x9d: {  	s31 =	simm.s32 $0xC20;
	s15 =	simm.s32 $0x610;
	s16 =	simm.s32 $0xC30  }
0x9e: {  	s17 =	simm.s32 $0x600;
	s18 =	simm.s32 $0xC10;
	s19 =	simm.s32 $0xC00  }
0x9f: {  	v7 =	vadd.f32 v9, v7;
	v5 =	vsub.f32 v5, v6;
	v6 =	vmul.f32 v8, v8;
	s25 =	simm.s32 $0x0;
	s5 =	simm.s32 $0x608;
	s6 =	simm.s32 $0x6080  }
0xa0: {  	[sflag:s22] =	ssyncset.done $0x0;
	s19 =	sand.u32 $0x1800, s19;
	s25 =	sand.u32 $0x400, s25  }
0xa1: {  	s17 =	sand.u32 $0x380, s17;
	s18 =	sand.u32 $0x1800, s18;
	s7 =	sand.u32 $0x400, s6;
	v6 =	vadd.f32 v6, v7;
	v3 =	vsub.f32 v3, v4;
	v4 =	vmul.f32 v5, v5  }
0xa2: {  	s5 =	sand.u32 $0x380, s5;
	[sflag:s22] =	ssyncadd.s32 $0xFFFFF400;
	s19 =	sor.u32 s25, s19  }
0xa3: {  	s6 =	simm.s32 $0x6100;
	s15 =	sand.u32 $0x380, s15;
	s17 =	sor.u32 s19, s17;
	v4 =	vadd.f32 v4, v6;
	v3 =	vmul.f32 v3, v3;
	v1 =	vsub.f32 v1, v2;
	v2 =	vld [tilespmem:s28+$0xFFFFFF90]  }
0xa4: {  	s13 =	sand.u32 $0x380, s13;
	s25 =	sor.u32 s7, s18;
	s7 =	sand.u32 $0x1800, s31;
	v5 =	vld [tilespmem:s17+$0x6080]  }
0xa5: {  	s18 =	sand.u32 $0x400, s6;
	s5 =	sor.u32 s25, s5;
	s25 =	simm.s32 $0x6180;
	v6 =	vld [tilespmem:s28+$0xFFFFFFA0];
	v3 =	vadd.f32 v3, v4;
	v1 =	vmul.f32 v1, v1;
	v4 =	vsub.f32 v10, v11  }
0xa6: {  	s6 =	sand.u32 $0x1800, s16;
	s19 =	sor.u32 s18, s7;
	v7 =	vld [tilespmem:s5+$0x6090];
	s7 =	sand.u32 $0x400, s25  }
0xa7: {  	v8 =	vld [tilespmem:s28+$0xFFFFFFB0];
	s18 =	sand.u32 $0x1800, s14;
	s5 =	sor.u32 s19, s15;
	s16 =	sor.u32 s7, s6;
	v1 =	vadd.f32 v1, v3;
	v3 =	vmul.f32 v4, v4;
	v4 =	vsub.f32 v12, v13  }
0xa8: {  	s17 =	simm.s32 $0x6200;
	s25 =	sand.u32 $0x380, s30;
	v9 =	vld [tilespmem:s5+$0x60A0];
	s5 =	sor.u32 s16, s13  }
0xa9: {  	s15 =	sand.u32 $0x380, s12;
	s19 =	sand.u32 $0x400, s17;
	s6 =	simm.s32 $0x6280;
	v10 =	vld [tilespmem:s5+$0x60B0];
	v2 =	vsub.f32 v2, v5;
	v1 =	vadd.f32 v3, v1;
	v3 =	vmul.f32 v4, v4  }
0xaa: {  	s7 =	sand.u32 $0x1800, s29;
	s13 =	sor.u32 s19, s18;
	s14 =	sand.u32 $0x400, s6;
	v5 =	vld [tilespmem:s28+$0xFFFFFFC0]  }
0xab: {  	s17 =	simm.s32 $0x6300;
	v11 =	vld [tilespmem:s28+$0xFFFFFFD0];
	s5 =	sor.u32 s13, s25;
	s16 =	sor.u32 s14, s7;
	v2 =	vmul.f32 v2, v2;
	v1 =	vadd.f32 v3, v1;
	v3 =	vsub.f32 v6, v7  }
0xac: {  	s9 =	sand.u32 $0x1800, s9;
	s18 =	sand.u32 $0x400, s17;
	v63 =	vld [tilespmem:s5+$0x60C0];
	s5 =	sor.u32 s16, s15  }
0xad: {  	s3 =	sand.u32 $0x380, s3;
	s19 =	sor.u32 s18, s9;
	v4 =	vld [tilespmem:s5+$0x60D0];
	v6 =	vsub.f32 v8, v9;
	v2 =	vadd.f32 v2, v1;
	v3 =	vmul.f32 v3, v3  }
0xae: {  	s2 =	simm.s32 $0xC70;
	s29 =	simm.s32 $0x6380;
	s3 =	sor.u32 s19, s3;
	v1 =	vld [tilespmem:s28+$0xFFFFFFE0]  }
0xaf: {  	s0 =	simm.s32 $0x638;
	s2 =	sand.u32 $0x1800, s2;
	s25 =	sand.u32 $0x400, s29;
	v6 =	vmul.f32 v6, v6;
	v7 =	vsub.f32 v5, v10;
	v5 =	vld [tilespmem:s3+$0x60E0];
	v3 =	vadd.f32 v3, v2  }
0xb0: {  	s0 =	sand.u32 $0x380, s0;
	s31 =	simm.s32 $0x678;
	s2 =	sor.u32 s25, s2;
	v2 =	vld [tilespmem:s28+$0xFFFFFFF0]  }
0xb1: {  	s30 =	simm.s32 $0x0;
	v8 =	vsub.f32 v11, v63;
	s3 =	sor.u32 s2, s0;
	s0 =	simm.s32 $0xCF0;
	v7 =	vmul.f32 v7, v7;
	v6 =	vadd.f32 v6, v3;
	v3 =	vld [tilespmem:s28+$0x0]  }
.LBB2_12:
0xb2: {  	s2 =	sadd.s32 $0xFFFFFFF8, s31  }
0xb3: {  	v9 =	vld [tilespmem:s3+$0x60F0];
	s29 =	sadd.s32 $0x400, s29;
	s28 =	sadd.s32 $0x80, s28;
	s12 =	sadd.s32 $0xFFFFFFE0, s0  }
0xb4: {  	s9 =	sadd.s32 $0xFFFFFFF0, s31;
	s3 =	sadd.s32 $0xFFFFFFF0, s0;
	s5 =	sadd.s32 $0xFFFFFFE0, s31;
	v6 =	vadd.f32 v7, v6;
	v7 =	vmul.f32 v8, v8;
	v1 =	vsub.f32 v1, v4  }
0xb5: {  	s14 =	sadd.s32 $0xFFFFFFD0, s0;
	s13 =	sadd.s32 $0xFFFFFFE8, s31;
	s15 =	sadd.s32 $0xFFFFFFB0, s0  }
0xb6: {  	s16 =	sadd.s32 $0xFFFFFFD8, s31;
	s17 =	sadd.s32 $0xFFFFFFC0, s0;
	s18 =	sadd.s32 $0xFFFFFFC8, s31;
	v4 =	vadd.f32 v7, v6;
	v1 =	vmul.f32 v1, v1;
	v2 =	vsub.f32 v2, v5  }
0xb7: {  	s19 =	sadd.s32 $0xFFFFFFA0, s0;
	s25 =	sadd.s32 $0xFFFFFFD0, s31;
	s6 =	sadd.s32 $0xFFFFFF90, s0  }
0xb8: {  	s30 =	sadd.s32 $0x8, s30;
	s7 =	sadd.s32 $0xFFFF9C80, s29;
	s6 =	sand.u32 $0x1800, s6;
	v1 =	vadd.f32 v1, v4;
	v2 =	vmul.f32 v2, v2;
	v3 =	vsub.f32 v3, v9  }
0xb9: {  	p1 =	slt.u32 s30, $0xB8;
	s18 =	sand.u32 $0x380, s18;
	s7 =	sand.u32 $0x400, s7  }
0xba: {  	s5 =	sand.u32 $0x380, s5;
	s6 =	sor.u32 s7, s6;
	s7 =	sadd.s32 $0xFFFFFD00, s29;
	v1 =	vadd.f32 v2, v1;
	v2 =	vmul.f32 v3, v3  }
0xbb: {  	s6 =	sor.u32 s6, s18;
	s18 =	sand.u32 $0x1800, s19;
	s7 =	sand.u32 $0x400, s7;
	v3 =	vld [tilespmem:s28+$0xFFFFFF90]  }
0xbc: {  	s7 =	sor.u32 s7, s18;
	s18 =	sadd.s32 $0xFFFFFD80, s29;
	v4 =	vld [tilespmem:s6+$0x6080];
	s6 =	sand.u32 $0x380, s25;
	v1 =	vadd.f32 v2, v1  }
0xbd: {  	v2 =	vld [tilespmem:s28+$0xFFFFFFA0];
	s6 =	sor.u32 s7, s6;
	s7 =	sand.u32 $0x1800, s15;
	s15 =	sand.u32 $0x400, s18  }
0xbe: {  	v5 =	vld [tilespmem:s6+$0x6090];
	s6 =	sand.u32 $0x380, s16;
	s7 =	sor.u32 s15, s7;
	s15 =	sadd.s32 $0xFFFFFE00, s29  }
0xbf: {  	v6 =	vld [tilespmem:s28+$0xFFFFFFB0];
	s6 =	sor.u32 s7, s6;
	s7 =	sand.u32 $0x1800, s17;
	s15 =	sand.u32 $0x400, s15  }
0xc0: {  	s3 =	sand.u32 $0x1800, s3;
	v7 =	vld [tilespmem:s6+$0x60A0];
	s6 =	sor.u32 s15, s7;
	s7 =	sadd.s32 $0xFFFFFE80, s29  }
0xc1: {  	v3 =	vsub.f32 v3, v4;
	v8 =	vld [tilespmem:s28+$0xFFFFFFC0];
	s5 =	sor.u32 s6, s5;
	s6 =	sand.u32 $0x1800, s14;
	s7 =	sand.u32 $0x400, s7  }
0xc2: {  	v9 =	vld [tilespmem:s5+$0x60B0];
	s5 =	sand.u32 $0x380, s13;
	s6 =	sor.u32 s7, s6;
	s7 =	sadd.s32 $0xFFFFFF00, s29  }
0xc3: {  	v3 =	vmul.f32 v3, v3;
	v2 =	vsub.f32 v2, v5;
	v10 =	vld [tilespmem:s28+$0xFFFFFFD0];
	s5 =	sor.u32 s6, s5;
	s6 =	sand.u32 $0x1800, s12;
	s7 =	sand.u32 $0x400, s7  }
0xc4: {  	v11 =	vld [tilespmem:s5+$0x60C0];
	s5 =	sand.u32 $0x380, s9;
	s6 =	sor.u32 s7, s6;
	s7 =	sadd.s32 $0xFFFFFF80, s29  }
.Ltmp5:
0xc5: {  	v3 =	vadd.f32 v3, v1;
	v2 =	vmul.f32 v2, v2;
	v5 =	vsub.f32 v6, v7;
	v1 =	vld [tilespmem:s28+$0xFFFFFFE0];
	s5 =	sor.u32 s6, s5;
	s6 =	sand.u32 $0x400, s7;
	(pc) =	sbr.rel @p1 .LBB2_12-.Ltmp5, $4  }
0xc6: {  	s2 =	sand.u32 $0x380, s2;
	v4 =	vld [tilespmem:s5+$0x60D0];
	s3 =	sor.u32 s6, s3  }
0xc7: {  	s5 =	sand.u32 $0x400, s29;
	v3 =	vadd.f32 v2, v3;
	v6 =	vmul.f32 v5, v5;
	v7 =	vsub.f32 v8, v9;
	v2 =	vld [tilespmem:s28+$0xFFFFFFF0];
	s2 =	sor.u32 s3, s2;
	s3 =	sand.u32 $0x1800, s0  }
0xc8: {  	v5 =	vld [tilespmem:s2+$0x60E0];
	s2 =	sand.u32 $0x380, s31;
	s3 =	sor.u32 s5, s3  }
0xc9: {  	s0 =	sadd.s32 $0x80, s0;
	s31 =	sadd.s32 $0x40, s31;
	v6 =	vadd.f32 v6, v3;
	v7 =	vmul.f32 v7, v7;
	v8 =	vsub.f32 v10, v11;
	v3 =	vld [tilespmem:s28+$0x0];
	s3 =	sor.u32 s3, s2  }
0xca: {  	v9 =	vld [tilespmem:s3+$0x60F0];
	_ =	swait.ge [sflag:s23], $0xC00;
	s0 =	simm.s32 $0xC38  }
0xcb: {  	s28 =	simm.s32 $0x48F0;
	s13 =	simm.s32 $0x1850;
	s12 =	simm.s32 $0xC28  }
0xcc: {  	s5 =	simm.s32 $0xC18;
	s6 =	simm.s32 $0x1840;
	s7 =	simm.s32 $0xC20  }
0xcd: {  	s14 =	simm.s32 $0x1820;
	s15 =	simm.s32 $0xC10;
	s16 =	simm.s32 $0x1830  }
0xce: {  	s17 =	simm.s32 $0x0;
	s18 =	simm.s32 $0x1810;
	s19 =	simm.s32 $0x1800  }
0xcf: {  	s25 =	simm.s32 $0x0;
	s29 =	simm.s32 $0xC08;
	[sflag:s23] =	ssyncset.done $0x0  }
0xd0: {  	s19 =	sand.u32 $0x3800, s19;
	s25 =	sand.u32 $0x400, s25;
	s17 =	sand.u32 $0x380, s17  }
0xd1: {  	s18 =	sand.u32 $0x3800, s18;
	s14 =	sand.u32 $0x3800, s14;
	s15 =	sand.u32 $0x380, s15  }
0xd2: {  	[sflag:s23] =	ssyncadd.s32 $0xFFFFF400;
	s19 =	sor.u32 s25, s19;
	s25 =	simm.s32 $0xC080  }
0xd3: {  	v6 =	vadd.f32 v7, v6;
	v7 =	vmul.f32 v8, v8;
	v1 =	vsub.f32 v1, v4;
	s16 =	sand.u32 $0x3800, s16;
	v4 =	vld [tilespmem:s28+$0xFFFFFF90];
	s17 =	sor.u32 s17, s19;
	s25 =	sand.u32 $0x400, s25  }
0xd4: {  	v8 =	vld [tilespmem:s17+$0x6080];
	s17 =	sand.u32 $0x380, s29;
	s18 =	sor.u32 s25, s18;
	s25 =	simm.s32 $0xC100  }
0xd5: {  	s5 =	sand.u32 $0x380, s5;
	v6 =	vadd.f32 v7, v6;
	v1 =	vmul.f32 v1, v1;
	v2 =	vsub.f32 v2, v5;
	v5 =	vld [tilespmem:s28+$0xFFFFFFA0];
	s17 =	sor.u32 s17, s18;
	s19 =	sand.u32 $0x400, s25  }
0xd6: {  	s6 =	sand.u32 $0x3800, s6;
	s25 =	simm.s32 $0xC180;
	v7 =	vld [tilespmem:s17+$0x6090];
	s14 =	sor.u32 s19, s14  }
0xd7: {  	v1 =	vadd.f32 v1, v6;
	v2 =	vmul.f32 v2, v2;
	v3 =	vsub.f32 v3, v9;
	v6 =	vld [tilespmem:s28+$0xFFFFFFB0];
	s17 =	sand.u32 $0x400, s25;
	s19 =	simm.s32 $0xC200;
	s14 =	sor.u32 s15, s14  }
0xd8: {  	s7 =	sand.u32 $0x380, s7;
	s18 =	sor.u32 s17, s16;
	s25 =	sand.u32 $0x400, s19;
	v9 =	vld [tilespmem:s14+$0x60A0]  }
0xd9: {  	v1 =	vadd.f32 v2, v1;
	v2 =	vmul.f32 v3, v3;
	s5 =	sor.u32 s5, s18;
	s6 =	sor.u32 s25, s6;
	s14 =	simm.s32 $0xC280;
	v3 =	vsub.f32 v4, v8;
	v8 =	vld [tilespmem:s28+$0xFFFFFFC0]  }
0xda: {  	s15 =	sand.u32 $0x3800, s13;
	v10 =	vld [tilespmem:s5+$0x60B0];
	s5 =	sor.u32 s7, s6;
	s7 =	sand.u32 $0x400, s14  }
0xdb: {  	s2 =	simm.s32 $0x1870;
	v11 =	vld [tilespmem:s28+$0xFFFFFFD0];
	s16 =	sand.u32 $0x380, s12;
	v1 =	vadd.f32 v2, v1;
	s6 =	sor.u32 s7, s15;
	v2 =	vmul.f32 v3, v3;
	v3 =	vsub.f32 v5, v7  }
0xdc: {  	s9 =	simm.s32 $0x1860;
	s17 =	simm.s32 $0xC300;
	v12 =	vld [tilespmem:s5+$0x60C0];
	s5 =	sor.u32 s16, s6  }
0xdd: {  	s3 =	simm.s32 $0xC30;
	s18 =	sand.u32 $0x3800, s9;
	s7 =	sand.u32 $0x400, s17;
	v4 =	vld [tilespmem:s5+$0x60D0];
	v2 =	vadd.f32 v2, v1;
	v3 =	vmul.f32 v3, v3;
	v5 =	vsub.f32 v6, v9  }
0xde: {  	s3 =	sand.u32 $0x380, s3;
	s29 =	simm.s32 $0xC380;
	s19 =	sor.u32 s7, s18;
	v1 =	vld [tilespmem:s28+$0xFFFFFFE0]  }
0xdf: {  	s2 =	sand.u32 $0x3800, s2;
	s25 =	sand.u32 $0x400, s29;
	s3 =	sor.u32 s3, s19;
	v7 =	vsub.f32 v8, v10;
	v3 =	vadd.f32 v3, v2;
	v6 =	vmul.f32 v5, v5;
	v2 =	vld [tilespmem:s28+$0xFFFFFFF0]  }
0xe0: {  	s30 =	simm.s32 $0x0;
	s0 =	sand.u32 $0x380, s0;
	s2 =	sor.u32 s25, s2;
	v5 =	vld [tilespmem:s3+$0x60E0]  }
0xe1: {  	s31 =	simm.s32 $0xC78;
	v8 =	vsub.f32 v11, v12;
	s3 =	sor.u32 s0, s2;
	s0 =	simm.s32 $0x18F0;
	v7 =	vmul.f32 v7, v7;
	v6 =	vadd.f32 v6, v3;
	v3 =	vld [tilespmem:s28+$0x0]  }
.LBB2_14:
0xe2: {  	s2 =	sadd.s32 $0xFFFFFFF8, s31  }
0xe3: {  	v9 =	vld [tilespmem:s3+$0x60F0];
	s29 =	sadd.s32 $0x400, s29;
	s28 =	sadd.s32 $0x80, s28;
	s12 =	sadd.s32 $0xFFFFFFE0, s0  }
0xe4: {  	s9 =	sadd.s32 $0xFFFFFFF0, s31;
	s3 =	sadd.s32 $0xFFFFFFF0, s0;
	s5 =	sadd.s32 $0xFFFFFFE0, s31;
	v6 =	vadd.f32 v7, v6;
	v7 =	vmul.f32 v8, v8;
	v1 =	vsub.f32 v1, v4  }
0xe5: {  	s14 =	sadd.s32 $0xFFFFFFD0, s0;
	s13 =	sadd.s32 $0xFFFFFFE8, s31;
	s6 =	sadd.s32 $0xFFFFFFB0, s0  }
0xe6: {  	s7 =	sadd.s32 $0xFFFFFFD8, s31;
	s15 =	sadd.s32 $0xFFFFFFC0, s0;
	s16 =	sadd.s32 $0xFFFFF3C8, s31;
	v4 =	vadd.f32 v7, v6;
	v1 =	vmul.f32 v1, v1;
	v2 =	vsub.f32 v2, v5  }
0xe7: {  	s17 =	sadd.s32 $0xFFFFFFA0, s0;
	s18 =	sadd.s32 $0xFFFFFFD0, s31;
	s19 =	sadd.s32 $0xFFFFFF90, s0  }
0xe8: {  	s30 =	sadd.s32 $0x8, s30;
	s25 =	sadd.s32 $0xFFFF3C80, s29;
	s19 =	sand.u32 $0x3800, s19;
	v1 =	vadd.f32 v1, v4;
	v2 =	vmul.f32 v2, v2;
	v3 =	vsub.f32 v3, v9  }
0xe9: {  	p1 =	slt.u32 s30, $0xB8;
	s16 =	sand.u32 $0x380, s16;
	s25 =	sand.u32 $0x400, s25  }
0xea: {  	s17 =	sand.u32 $0x3800, s17;
	s19 =	sor.u32 s25, s19;
	s25 =	sadd.s32 $0xFFFFFD00, s29;
	v1 =	vadd.f32 v2, v1;
	v2 =	vmul.f32 v3, v3  }
0xeb: {  	s6 =	sand.u32 $0x3800, s6;
	s16 =	sor.u32 s16, s19;
	s19 =	sand.u32 $0x400, s25;
	v3 =	vld [tilespmem:s28+$0xFFFFFF90]  }
0xec: {  	s17 =	sor.u32 s19, s17;
	v4 =	vld [tilespmem:s16+$0x6080];
	s16 =	sand.u32 $0x380, s18;
	s18 =	sadd.s32 $0xFFFFFD80, s29;
	v1 =	vadd.f32 v2, v1  }
0xed: {  	s7 =	sand.u32 $0x380, s7;
	v2 =	vld [tilespmem:s28+$0xFFFFFFA0];
	s16 =	sor.u32 s16, s17;
	s17 =	sand.u32 $0x400, s18  }
0xee: {  	s5 =	sand.u32 $0x380, s5;
	v5 =	vld [tilespmem:s16+$0x6090];
	s6 =	sor.u32 s17, s6;
	s16 =	sadd.s32 $0xFFFFFE00, s29  }
0xef: {  	v6 =	vld [tilespmem:s28+$0xFFFFFFB0];
	s6 =	sor.u32 s7, s6;
	s7 =	sand.u32 $0x3800, s15;
	s15 =	sand.u32 $0x400, s16  }
0xf0: {  	s3 =	sand.u32 $0x3800, s3;
	v7 =	vld [tilespmem:s6+$0x60A0];
	s6 =	sor.u32 s15, s7;
	s7 =	sadd.s32 $0xFFFFFE80, s29  }
0xf1: {  	v3 =	vsub.f32 v3, v4;
	v8 =	vld [tilespmem:s28+$0xFFFFFFC0];
	s5 =	sor.u32 s5, s6;
	s6 =	sand.u32 $0x3800, s14;
	s7 =	sand.u32 $0x400, s7  }
0xf2: {  	v9 =	vld [tilespmem:s5+$0x60B0];
	s5 =	sand.u32 $0x380, s13;
	s6 =	sor.u32 s7, s6;
	s7 =	sadd.s32 $0xFFFFFF00, s29  }
0xf3: {  	v3 =	vmul.f32 v3, v3;
	v2 =	vsub.f32 v2, v5;
	v10 =	vld [tilespmem:s28+$0xFFFFFFD0];
	s5 =	sor.u32 s5, s6;
	s6 =	sand.u32 $0x3800, s12;
	s7 =	sand.u32 $0x400, s7  }
0xf4: {  	v11 =	vld [tilespmem:s5+$0x60C0];
	s5 =	sand.u32 $0x380, s9;
	s6 =	sor.u32 s7, s6;
	s7 =	sadd.s32 $0xFFFFFF80, s29  }
.Ltmp6:
0xf5: {  	v3 =	vadd.f32 v3, v1;
	v2 =	vmul.f32 v2, v2;
	v5 =	vsub.f32 v6, v7;
	v1 =	vld [tilespmem:s28+$0xFFFFFFE0];
	s5 =	sor.u32 s5, s6;
	s6 =	sand.u32 $0x400, s7;
	(pc) =	sbr.rel @p1 .LBB2_14-.Ltmp6, $4  }
0xf6: {  	s2 =	sand.u32 $0x380, s2;
	v4 =	vld [tilespmem:s5+$0x60D0];
	s3 =	sor.u32 s6, s3  }
0xf7: {  	s5 =	sand.u32 $0x400, s29;
	v3 =	vadd.f32 v2, v3;
	v6 =	vmul.f32 v5, v5;
	v7 =	vsub.f32 v8, v9;
	v2 =	vld [tilespmem:s28+$0xFFFFFFF0];
	s2 =	sor.u32 s2, s3;
	s3 =	sand.u32 $0x3800, s0  }
0xf8: {  	v5 =	vld [tilespmem:s2+$0x60E0];
	s2 =	sand.u32 $0x380, s31;
	s3 =	sor.u32 s5, s3  }
0xf9: {  	s0 =	sadd.s32 $0x80, s0;
	s31 =	sadd.s32 $0x40, s31;
	v6 =	vadd.f32 v6, v3;
	v7 =	vmul.f32 v7, v7;
	v8 =	vsub.f32 v10, v11;
	v3 =	vld [tilespmem:s28+$0x0];
	s3 =	sor.u32 s2, s3  }
0xfa: {  	v9 =	vld [tilespmem:s3+$0x60F0];
	_ =	swait.ge [sflag:s24], $0xC00;
	s0 =	simm.s32 $0x1238  }
0xfb: {  	s2 =	simm.s32 $0x2470;
	s28 =	simm.s32 $0x54F0;
	s3 =	simm.s32 $0x1230  }
0xfc: {  	s13 =	simm.s32 $0x2450;
	s12 =	simm.s32 $0x1228;
	s9 =	simm.s32 $0x2460  }
0xfd: {  	s5 =	simm.s32 $0x1218;
	s6 =	simm.s32 $0x2440;
	s7 =	simm.s32 $0x1220  }
0xfe: {  	s14 =	simm.s32 $0x2420;
	s15 =	simm.s32 $0x1210;
	s16 =	simm.s32 $0x2430  }
0xff: {  	s17 =	simm.s32 $0x1200;
	s18 =	simm.s32 $0x2410;
	s19 =	simm.s32 $0x2400  }
0x100: {  	s25 =	simm.s32 $0x0;
	s29 =	simm.s32 $0x1208;
	[sflag:s24] =	ssyncset.done $0x0  }
0x101: {  	s19 =	sand.u32 $0x3800, s19;
	s25 =	sand.u32 $0x400, s25;
	s17 =	sand.u32 $0x380, s17  }
0x102: {  	[sflag:s24] =	ssyncadd.s32 $0xFFFFF400;
	s19 =	sor.u32 s25, s19;
	s25 =	simm.s32 $0x12080  }
0x103: {  	v6 =	vadd.f32 v7, v6;
	v7 =	vmul.f32 v8, v8;
	v1 =	vsub.f32 v1, v4;
	s18 =	sand.u32 $0x3800, s18;
	v4 =	vld [tilespmem:s28+$0xFFFFFF90];
	s17 =	sor.u32 s17, s19;
	s25 =	sand.u32 $0x400, s25  }
0x104: {  	v8 =	vld [tilespmem:s17+$0x6080];
	s17 =	sand.u32 $0x380, s29;
	s18 =	sor.u32 s25, s18;
	s25 =	simm.s32 $0x12100  }
0x105: {  	s14 =	sand.u32 $0x3800, s14;
	v6 =	vadd.f32 v7, v6;
	v1 =	vmul.f32 v1, v1;
	v2 =	vsub.f32 v2, v5;
	v5 =	vld [tilespmem:s28+$0xFFFFFFA0];
	s17 =	sor.u32 s17, s18;
	s19 =	sand.u32 $0x400, s25  }
0x106: {  	s15 =	sand.u32 $0x380, s15;
	s25 =	simm.s32 $0x12180;
	v7 =	vld [tilespmem:s17+$0x6090];
	s14 =	sor.u32 s19, s14  }
0x107: {  	s16 =	sand.u32 $0x3800, s16;
	v1 =	vadd.f32 v1, v6;
	v2 =	vmul.f32 v2, v2;
	v3 =	vsub.f32 v3, v9;
	v6 =	vld [tilespmem:s28+$0xFFFFFFB0];
	s17 =	sand.u32 $0x400, s25;
	s14 =	sor.u32 s15, s14  }
0x108: {  	s5 =	sand.u32 $0x380, s5;
	s19 =	simm.s32 $0x12200;
	s18 =	sor.u32 s17, s16;
	v9 =	vld [tilespmem:s14+$0x60A0]  }
0x109: {  	s6 =	sand.u32 $0x3800, s6;
	v1 =	vadd.f32 v2, v1;
	v2 =	vmul.f32 v3, v3;
	s25 =	sand.u32 $0x400, s19;
	s5 =	sor.u32 s5, s18;
	v3 =	vsub.f32 v4, v8;
	v4 =	vld [tilespmem:s28+$0xFFFFFFC0]  }
0x10a: {  	s7 =	sand.u32 $0x380, s7;
	s6 =	sor.u32 s25, s6;
	s14 =	simm.s32 $0x12280;
	v8 =	vld [tilespmem:s5+$0x60B0]  }
0x10b: {  	v10 =	vld [tilespmem:s28+$0xFFFFFFD0];
	s15 =	sand.u32 $0x3800, s13;
	v1 =	vadd.f32 v2, v1;
	s5 =	sor.u32 s7, s6;
	s7 =	sand.u32 $0x400, s14;
	v2 =	vmul.f32 v3, v3;
	v3 =	vsub.f32 v5, v7  }
0x10c: {  	s16 =	sand.u32 $0x380, s12;
	s17 =	simm.s32 $0x12300;
	v11 =	vld [tilespmem:s5+$0x60C0];
	s6 =	sor.u32 s7, s15  }
0x10d: {  	s18 =	sand.u32 $0x3800, s9;
	s7 =	sand.u32 $0x400, s17;
	s5 =	sor.u32 s16, s6;
	v2 =	vadd.f32 v2, v1;
	v5 =	vmul.f32 v3, v3;
	v6 =	vsub.f32 v6, v9;
	v1 =	vld [tilespmem:s28+$0xFFFFFFE0]  }
0x10e: {  	s3 =	sand.u32 $0x380, s3;
	s29 =	simm.s32 $0x12380;
	s19 =	sor.u32 s7, s18;
	v3 =	vld [tilespmem:s5+$0x60D0]  }
0x10f: {  	s2 =	sand.u32 $0x3800, s2;
	s25 =	sand.u32 $0x400, s29;
	s3 =	sor.u32 s3, s19;
	v4 =	vsub.f32 v4, v8;
	v7 =	vadd.f32 v5, v2;
	v6 =	vmul.f32 v6, v6;
	v2 =	vld [tilespmem:s28+$0xFFFFFFF0]  }
0x110: {  	s30 =	simm.s32 $0x0;
	s0 =	sand.u32 $0x380, s0;
	s2 =	sor.u32 s25, s2;
	v5 =	vld [tilespmem:s3+$0x60E0]  }
0x111: {  	s31 =	simm.s32 $0x1278;
	v8 =	vsub.f32 v10, v11;
	s3 =	sor.u32 s0, s2;
	s0 =	simm.s32 $0x24F0;
	v6 =	vadd.f32 v6, v7;
	v7 =	vmul.f32 v4, v4;
	v4 =	vld [tilespmem:s28+$0x0]  }
.LBB2_16:
0x112: {  	s2 =	sadd.s32 $0xFFFFFFF8, s31  }
0x113: {  	v9 =	vld [tilespmem:s3+$0x60F0];
	s29 =	sadd.s32 $0x400, s29;
	s28 =	sadd.s32 $0x80, s28;
	s12 =	sadd.s32 $0xFFFFFFE0, s0  }
0x114: {  	s9 =	sadd.s32 $0xFFFFFFF0, s31;
	s3 =	sadd.s32 $0xFFFFFFF0, s0;
	s5 =	sadd.s32 $0xFFFFFFE0, s31;
	v6 =	vadd.f32 v7, v6;
	v7 =	vmul.f32 v8, v8;
	v1 =	vsub.f32 v1, v3  }
0x115: {  	s14 =	sadd.s32 $0xFFFFFFD0, s0;
	s13 =	sadd.s32 $0xFFFFFFE8, s31;
	s6 =	sadd.s32 $0xFFFFFFB0, s0  }
0x116: {  	s7 =	sadd.s32 $0xFFFFFFD8, s31;
	s15 =	sadd.s32 $0xFFFFFFC0, s0;
	s16 =	sadd.s32 $0xFFFFFFC8, s31;
	v3 =	vadd.f32 v7, v6;
	v1 =	vmul.f32 v1, v1;
	v2 =	vsub.f32 v2, v5  }
0x117: {  	s17 =	sadd.s32 $0xFFFFFFA0, s0;
	s18 =	sadd.s32 $0xFFFFFFD0, s31;
	s19 =	sadd.s32 $0xFFFFFF90, s0  }
0x118: {  	s30 =	sadd.s32 $0x8, s30;
	s25 =	sadd.s32 $0xFFFEDC80, s29;
	s19 =	sand.u32 $0x3800, s19;
	v1 =	vadd.f32 v1, v3;
	v2 =	vmul.f32 v2, v2;
	v3 =	vsub.f32 v4, v9  }
0x119: {  	p1 =	slt.u32 s30, $0xB8;
	s16 =	sand.u32 $0x380, s16;
	s25 =	sand.u32 $0x400, s25  }
0x11a: {  	s17 =	sand.u32 $0x3800, s17;
	s19 =	sor.u32 s25, s19;
	s25 =	sadd.s32 $0xFFFFFD00, s29;
	v1 =	vadd.f32 v2, v1;
	v2 =	vmul.f32 v3, v3  }
0x11b: {  	s6 =	sand.u32 $0x3800, s6;
	s16 =	sor.u32 s16, s19;
	s19 =	sand.u32 $0x400, s25;
	v3 =	vld [tilespmem:s28+$0xFFFFFF90]  }
0x11c: {  	s17 =	sor.u32 s19, s17;
	v4 =	vld [tilespmem:s16+$0x6080];
	s16 =	sand.u32 $0x380, s18;
	s18 =	sadd.s32 $0xFFFFFD80, s29;
	v1 =	vadd.f32 v2, v1  }
0x11d: {  	s7 =	sand.u32 $0x380, s7;
	v2 =	vld [tilespmem:s28+$0xFFFFFFA0];
	s16 =	sor.u32 s16, s17;
	s17 =	sand.u32 $0x400, s18  }
0x11e: {  	s5 =	sand.u32 $0x380, s5;
	v5 =	vld [tilespmem:s16+$0x6090];
	s6 =	sor.u32 s17, s6;
	s16 =	sadd.s32 $0xFFFFFE00, s29  }
0x11f: {  	v6 =	vld [tilespmem:s28+$0xFFFFFFB0];
	s6 =	sor.u32 s7, s6;
	s7 =	sand.u32 $0x3800, s15;
	s15 =	sand.u32 $0x400, s16  }
0x120: {  	s3 =	sand.u32 $0x3800, s3;
	v7 =	vld [tilespmem:s6+$0x60A0];
	s6 =	sor.u32 s15, s7;
	s7 =	sadd.s32 $0xFFFFFE80, s29  }
0x121: {  	v3 =	vsub.f32 v3, v4;
	v4 =	vld [tilespmem:s28+$0xFFFFFFC0];
	s5 =	sor.u32 s5, s6;
	s6 =	sand.u32 $0x3800, s14;
	s7 =	sand.u32 $0x400, s7  }
0x122: {  	v8 =	vld [tilespmem:s5+$0x60B0];
	s5 =	sand.u32 $0x380, s13;
	s6 =	sor.u32 s7, s6;
	s7 =	sadd.s32 $0xFFFFFF00, s29  }
0x123: {  	v3 =	vmul.f32 v3, v3;
	v2 =	vsub.f32 v2, v5;
	v9 =	vld [tilespmem:s28+$0xFFFFFFD0];
	s5 =	sor.u32 s5, s6;
	s6 =	sand.u32 $0x3800, s12;
	s7 =	sand.u32 $0x400, s7  }
0x124: {  	v10 =	vld [tilespmem:s5+$0x60C0];
	s5 =	sand.u32 $0x380, s9;
	s6 =	sor.u32 s7, s6;
	s7 =	sadd.s32 $0xFFFFFF80, s29  }
.Ltmp7:
0x125: {  	v5 =	vadd.f32 v3, v1;
	v2 =	vmul.f32 v2, v2;
	v6 =	vsub.f32 v6, v7;
	v1 =	vld [tilespmem:s28+$0xFFFFFFE0];
	s5 =	sor.u32 s5, s6;
	s6 =	sand.u32 $0x400, s7;
	(pc) =	sbr.rel @p1 .LBB2_16-.Ltmp7, $4  }
0x126: {  	s2 =	sand.u32 $0x380, s2;
	v3 =	vld [tilespmem:s5+$0x60D0];
	s3 =	sor.u32 s6, s3  }
0x127: {  	s5 =	sand.u32 $0x400, s29;
	v7 =	vadd.f32 v2, v5;
	v6 =	vmul.f32 v6, v6;
	v4 =	vsub.f32 v4, v8;
	v2 =	vld [tilespmem:s28+$0xFFFFFFF0];
	s2 =	sor.u32 s2, s3;
	s3 =	sand.u32 $0x3800, s0  }
0x128: {  	v5 =	vld [tilespmem:s2+$0x60E0];
	s2 =	sand.u32 $0x380, s31;
	s3 =	sor.u32 s5, s3  }
0x129: {  	s0 =	sadd.s32 $0x80, s0;
	s31 =	sadd.s32 $0x40, s31;
	v6 =	vadd.f32 v6, v7;
	v7 =	vmul.f32 v4, v4;
	v8 =	vsub.f32 v9, v10;
	v4 =	vld [tilespmem:s28+$0x0];
	s3 =	sor.u32 s2, s3  }
0x12a: {  	v9 =	vld [tilespmem:s3+$0x60F0]  }
0x12b: {  	v6 =	vadd.f32 v7, v6;
	v63 =	vmul.f32 v8, v8;
	v1 =	vsub.f32 v1, v3;
	_ =	sdelay $0x1  }
0x12c: {  	v3 =	vadd.f32 v63, v6;
	v1 =	vmul.f32 v1, v1;
	v2 =	vsub.f32 v2, v5;
	_ =	sdelay $0x1  }
0x12d: {  	v1 =	vadd.f32 v1, v3;
	v2 =	vmul.f32 v2, v2;
	v3 =	vsub.f32 v4, v9;
	_ =	sdelay $0x1  }
0x12e: {  	v1 =	vadd.f32 v2, v1;
	v2 =	vmul.f32 v3, v3;
	_ =	sdelay $0x1  }
0x12f: {  	s26 =	sadd.s32 $0x1, s26;
	v1 =	vadd.f32 v2, v1  }
0x130: {  	p1 =	sne.s32 s26, s8  }
.Ltmp8:
0x131: {  	s0 =	rddreg [dreg:$0x7];
	s2 =	simm.s32 $0x9080;
	[tilespmem:$0x9080] =	vst v1;
	(pc) =	sbr.rel @p1 .LBB2_1-.Ltmp8, $4  }
0x132: {  	[hbm4b:s0+s4] =	stream.linear.scatter [tilespmem:s2], [sflag:$0x6], $0x80, $0x38;
	[tilespmem:$0x9100] =	vst v63  }
0x133: {  	_ =	swait.ge [sflag:s10], $0x80  }
0x134: {  	[sflag:s10] =	ssyncset.done $0x0  }
0x135: {  	[sflag:s10] =	ssyncadd.s32 $0xFFFFFF80  }
0x136: {  	_ =	sfence.sel $0x180000  }
0x137: {  	[bflag:$0x0] =	sbarrier.arrive $0xFFFF  }
0x138: {  	_ =	strace $0x90000047  }
0x139: {  	s0 =	stileid.u32;
	[bflag:$0x2] =	sbarrier.arrive $0xFFFF  }
0x13a: {  	p0 =	sne.s32 s0, $0x0;
	s0 =	rddreg [dreg:$0x4]  }
0x13b: {  	s0 =	sadd.s32 @!p0 $0x100000, s0  }
0x13c: {  	[sflag:s0] =	ssyncadd.tile.s32 @!p0 $0x1;
	_ =	shalt  }
.Lfunc_end2:
_tile_overlayer_lowered:
.L_overlay_start_2:
0x13d: {  	(tag) =	ssettag $0x2  }
0x13e: {  	s0 =	rddreg [dreg:$0x0];
	s2 =	stileid.u32  }
0x13f: {  	s1 =	rddreg [dreg:$0x1];
	p0 =	sne.s32 s2, $0x0  }
0x140: {  	s3 =	rddreg [dreg:$0x2];
	[bflag:$0x3] =	sbarrier.arrive $0xFFFF;
	s2 =	simm.s32 @!p0 $0x1C06  }
0x141: {  	[timem:s3], [sflag:s2] =	dma.local @!p0 [hbm:s0], s1  }
0x142: {  	s0 =	simm.s32 @!p0 $0x6  }
0x143: {  	_ =	swait.ge @!p0 [sflag:s0], s1  }
0x144: {  	s1 =	ssub.s32 @!p0 $0x0, s1;
	[sflag:s0] =	ssyncset.done @!p0 $0x0  }
0x145: {  	[sflag:s0] =	ssyncadd.s32 @!p0 s1  }
0x146: {  	[bflag:$0x3] =	sbarrier.arrive $0xFFFF  }
0x147: {  	_ =	shalt  }

</sc_bundles>
